<compile_context>
chip_gen: v7x
topology: tpu7x:2x2x1
jax: 0.10.2.dev20260603
libtpu: 0.0.44.dev20260713+nightly
codegen_flags: <defaults>
</compile_context>

<pallas_src>
import functools

import jax
import jax.numpy as jnp
from jax import lax
from jax.experimental import pallas as pl
from jax.experimental.pallas import tpu as pltpu
from jax.experimental.pallas import tpu_sc as plsc

NC = 2
NS = 16
NW = NC * NS
NBUF = 8


def _sc_seq_gather(addr, seq_flat_ids, din_table, oth_idx, tgt_idx, BL, D):
    SEQ_CH = addr.shape[1]
    BPW = oth_idx.shape[1]
    B = NW * BPW
    SEQ_PW = SEQ_CH * 128

    mesh = plsc.VectorSubcoreMesh(core_axis_name="c", subcore_axis_name="s")

    @functools.partial(
        pl.kernel,
        out_type=(
            jax.ShapeDtypeStruct((BL, D), jnp.float32),
            jax.ShapeDtypeStruct((B, D), jnp.float32),
            jax.ShapeDtypeStruct((B, D), jnp.float32),
        ),
        mesh=mesh,
        compiler_params=pltpu.CompilerParams(use_tc_tiling_on_sc=False),
        scratch_types=[
            pltpu.VMEM((SEQ_CH, 128), jnp.int32),
            pltpu.VMEM((SEQ_CH, 128), jnp.int32),
            pltpu.VMEM((2, BPW), jnp.int32),
            pltpu.VMEM((NBUF, 128, D), jnp.float32),
            pltpu.VMEM((BPW, D), jnp.float32),
        ] + [pltpu.SemaphoreType.DMA] * (2 * NBUF + 1),
    )
    def k(addr_hbm, seqids_hbm, dinT_hbm, oidx_hbm, tidx_hbm,
          padded_hbm, oemb_hbm, temb_hbm,
          addr_v, ids_v, smidx_v, rows_v, srows_v, *sems):
        semg = sems[:NBUF]
        semw = sems[NBUF:2 * NBUF]
        sem1 = sems[2 * NBUF]
        c = lax.axis_index("c")
        s = lax.axis_index("s")
        wid = s * NC + c

        pltpu.sync_copy(addr_hbm.at[wid], addr_v)

        def g1(j, carry):
            pltpu.async_copy(seqids_hbm.at[addr_v.at[j]], ids_v.at[j], sem1)
            return carry

        lax.fori_loop(0, SEQ_CH, g1, 0)

        def g1w(j, carry):
            pltpu.make_async_copy(seqids_hbm.at[addr_v.at[j]], ids_v.at[j],
                                  sem1).wait()
            return carry

        lax.fori_loop(0, SEQ_CH, g1w, 0)

        sbase = wid * SEQ_PW

        def wb_dst(j):
            return padded_hbm.at[pl.ds(sbase + j * 128, 128)]

        for p in range(NBUF - 1):
            pltpu.async_copy(dinT_hbm.at[ids_v.at[p]], rows_v.at[p], semg[p])

        def g2(j, carry):
            for pp in range(NBUF):
                @pl.when(lax.rem(j, NBUF) == pp)
                def _(pp=pp):
                    qq = (pp + NBUF - 1) % NBUF
                    pltpu.make_async_copy(dinT_hbm.at[ids_v.at[j]],
                                          rows_v.at[pp], semg[pp]).wait()

                    @pl.when(j + NBUF - 1 < SEQ_CH)
                    def _():
                        @pl.when(j >= 1)
                        def _():
                            pltpu.make_async_copy(rows_v.at[qq],
                                                  wb_dst(j - 1),
                                                  semw[qq]).wait()

                        pltpu.async_copy(dinT_hbm.at[ids_v.at[j + NBUF - 1]],
                                         rows_v.at[qq], semg[qq])

                    pltpu.async_copy(rows_v.at[pp], wb_dst(j), semw[pp])
            return carry

        lax.fori_loop(0, SEQ_CH, g2, 0)
        for pp in range(NBUF):
            pltpu.make_async_copy(rows_v.at[pp], wb_dst(0), semw[pp]).wait()

        pltpu.sync_copy(oidx_hbm.at[wid], smidx_v.at[0])
        pltpu.sync_copy(tidx_hbm.at[wid], smidx_v.at[1])
        bbase = wid * BPW
        pltpu.async_copy(dinT_hbm.at[smidx_v.at[0]], srows_v, sem1).wait()
        pltpu.sync_copy(srows_v, oemb_hbm.at[pl.ds(bbase, BPW)])
        pltpu.async_copy(dinT_hbm.at[smidx_v.at[1]], srows_v, sem1).wait()
        pltpu.sync_copy(srows_v, temb_hbm.at[pl.ds(bbase, BPW)])

    return k(addr, seq_flat_ids, din_table, oth_idx, tgt_idx)


def _sc_feat_gather(deep_table, wide_table, deep_idx, wide_idx,
                    NFB, DD, WD, FTAIL):
    F_CH = deep_idx.shape[1]
    F_PW = NFB // NW

    mesh = plsc.VectorSubcoreMesh(core_axis_name="c", subcore_axis_name="s")

    @functools.partial(
        pl.kernel,
        out_type=(
            jax.ShapeDtypeStruct((NFB, DD), jnp.float32),
            jax.ShapeDtypeStruct((NFB, WD), jnp.float32),
        ),
        mesh=mesh,
        compiler_params=pltpu.CompilerParams(use_tc_tiling_on_sc=False),
        scratch_types=[
            pltpu.VMEM((F_CH, 128), jnp.int32),
            pltpu.VMEM((2, 128, DD), jnp.float32),
            pltpu.VMEM((128, WD), jnp.float32),
            pltpu.SemaphoreType.DMA,
            pltpu.SemaphoreType.DMA,
            pltpu.SemaphoreType.DMA,
        ],
    )
    def k(deepT_hbm, wideT_hbm, didx_hbm, widx_hbm,
          drows_hbm, wrows_hbm,
          fidx_v, rows_v, wrows_v, semg, semw, sem1):
        c = lax.axis_index("c")
        s = lax.axis_index("s")
        wid = s * NC + c
        fbase = wid * F_PW

        pltpu.sync_copy(didx_hbm.at[wid], fidx_v)
        pltpu.async_copy(deepT_hbm.at[fidx_v.at[0]], rows_v.at[0], semg)

        def g3(j, carry):
            for pp in range(2):
                @pl.when(lax.rem(j, 2) == pp)
                def _(pp=pp):
                    pltpu.make_async_copy(deepT_hbm.at[fidx_v.at[j]],
                                          rows_v.at[pp], semg).wait()

                    @pl.when(j + 1 < F_CH)
                    def _():
                        @pl.when(j >= 1)
                        def _():
                            pltpu.make_async_copy(
                                rows_v.at[1 - pp],
                                drows_hbm.at[pl.ds(fbase, 128)], semw).wait()

                        pltpu.async_copy(deepT_hbm.at[fidx_v.at[j + 1]],
                                         rows_v.at[1 - pp], semg)

                    @pl.when(j < F_CH - 1)
                    def _():
                        pltpu.async_copy(
                            rows_v.at[pp],
                            drows_hbm.at[pl.ds(fbase + j * 128, 128)], semw)

                    @pl.when(j == F_CH - 1)
                    def _():
                        pltpu.async_copy(
                            rows_v.at[pp].at[pl.ds(0, FTAIL)],
                            drows_hbm.at[pl.ds(fbase + j * 128, FTAIL)],
                            semw)

            return carry

        lax.fori_loop(0, F_CH, g3, 0)
        pltpu.make_async_copy(rows_v.at[0],
                              drows_hbm.at[pl.ds(fbase, 128)], semw).wait()
        pltpu.make_async_copy(rows_v.at[0].at[pl.ds(0, FTAIL)],
                              drows_hbm.at[pl.ds(fbase, FTAIL)], semw).wait()

        pltpu.sync_copy(widx_hbm.at[wid], fidx_v)

        def g4(j, carry):
            pltpu.async_copy(wideT_hbm.at[fidx_v.at[j]], wrows_v,
                             sem1).wait()
            pltpu.sync_copy(wrows_v,
                            wrows_hbm.at[pl.ds(fbase + j * 128, 128)])
            return carry

        lax.fori_loop(0, F_CH - 1, g4, 0)
        pltpu.async_copy(wideT_hbm.at[fidx_v.at[F_CH - 1]], wrows_v,
                         sem1).wait()
        pltpu.sync_copy(
            wrows_v.at[pl.ds(0, FTAIL)],
            wrows_hbm.at[pl.ds(fbase + (F_CH - 1) * 128, FTAIL)])

    return k(deep_table, wide_table, deep_idx, wide_idx)


def _dice_v(x, st, n, alpha):
    mean = st[0:1, :] * (1.0 / n)
    var = st[1:2, :] * (1.0 / n) - mean * mean
    xn = (x - mean) * lax.rsqrt(var + 1e-5)
    p = jax.nn.sigmoid(xn)
    return x * (p + (1.0 - p) * alpha)


def _p123_body(BB, LMAX, D, GA, n1,
               pad_ref, tgt_ref, len_ref,
               wA_ref, wB_ref, wC_ref, b1_ref, a1_ref,
               w2_ref, b2_ref, a2_ref, wo_ref, bo_ref,
               pooled_ref,
               h2_v, st1_v, st2_v):
    i = pl.program_id(0)
    R = BB * LMAX

    @pl.when(i == 0)
    def _():
        st1_v[...] = jnp.zeros_like(st1_v)
        st2_v[...] = jnp.zeros_like(st2_v)

    def h1_block():
        p3 = pad_ref[...].reshape(BB, LMAX, D)
        liota = lax.broadcasted_iota(jnp.int32, (BB, LMAX, D), 1)
        liota = liota.astype(jnp.float32)
        len3 = len_ref[...].reshape(BB, 1, 1)
        p3 = jnp.where(liota < len3, p3, 0.0)
        t3 = jnp.broadcast_to(tgt_ref[...].reshape(BB, 1, D), (BB, LMAX, D))
        pb = p3.reshape(R, D).astype(jnp.bfloat16)
        tpb = (t3 * p3).reshape(R, D).astype(jnp.bfloat16)
        h = jnp.dot(pb, wB_ref[...], preferred_element_type=jnp.float32)
        h += jnp.dot(tpb, wC_ref[...], preferred_element_type=jnp.float32)
        ta = jnp.dot(tgt_ref[...].astype(jnp.bfloat16), wA_ref[...],
                     preferred_element_type=jnp.float32)
        H = ta.shape[1]
        h = (h.reshape(BB, LMAX, H) + ta.reshape(BB, 1, H)).reshape(R, H)
        return h + b1_ref[...]

    @pl.when(i < GA)
    def _():
        h = h1_block()
        st1_v[0:1, :] += jnp.sum(h, axis=0, keepdims=True)
        st1_v[1:2, :] += jnp.sum(h * h, axis=0, keepdims=True)

    @pl.when((i >= GA) & (i < 2 * GA))
    def _():
        j = i - GA
        x = _dice_v(h1_block(), st1_v[...], n1, a1_ref[...])
        h2 = jnp.dot(x.astype(jnp.bfloat16), w2_ref[...],
                     preferred_element_type=jnp.float32)
        h2 = h2 + b2_ref[...]
        h2_v[pl.ds(j * R, R), :] = h2.astype(jnp.bfloat16)
        st2_v[0:1, :] += jnp.sum(h2, axis=0, keepdims=True)
        st2_v[1:2, :] += jnp.sum(h2 * h2, axis=0, keepdims=True)

    @pl.when(i >= 2 * GA)
    def _():
        k = i - 2 * GA
        x = h2_v[pl.ds(k * R, R), :].astype(jnp.float32)
        x = _dice_v(x, st2_v[...], n1, a2_ref[...])
        s = jnp.sum(x * wo_ref[...], axis=1, keepdims=True) + bo_ref[...]
        s3 = s.reshape(BB, LMAX, 1)
        liota = lax.broadcasted_iota(jnp.int32, (BB, LMAX, 1), 1)
        liota = liota.astype(jnp.float32)
        len3 = len_ref[...].reshape(BB, 1, 1)
        s3 = jnp.where(liota < len3, s3, 0.0)
        p3 = pad_ref[...].reshape(BB, LMAX, D)
        pooled_ref[...] = jnp.sum(p3 * s3, axis=1)


def _bn_in(x, n):
    mean = jnp.sum(x, axis=0, keepdims=True) * (1.0 / n)
    d = x - mean
    var = jnp.sum(d * d, axis=0, keepdims=True) * (1.0 / n)
    return d * lax.rsqrt(var + 1e-5)


def _dice_in(x, n, alpha):
    xn = _bn_in(x, n)
    p = jax.nn.sigmoid(xn)
    return x * (p + (1.0 - p) * alpha)


def _p4_body(B,
             oth_ref, pool_ref, tgt_ref,
             mW1_ref, mb1_ref, ma1_ref, mW2_ref, mb2_ref, ma2_ref,
             mWo_ref, mbo_ref,
             wide_ref, lrW_ref, lrb_ref,
             deep_ref, dW1_ref, db1_ref, dW2_ref, db2_ref, dWo_ref, dbo_ref,
             out_ref):
    n = float(B)
    bf = jnp.bfloat16
    emb = jnp.concatenate(
        [oth_ref[...], pool_ref[...], tgt_ref[...]], axis=1)
    x = jnp.dot(emb.astype(bf), mW1_ref[...],
                preferred_element_type=jnp.float32)
    x = _dice_in(x + mb1_ref[...], n, ma1_ref[...])
    x = jnp.dot(x.astype(bf), mW2_ref[...],
                preferred_element_type=jnp.float32)
    x = _dice_in(x + mb2_ref[...], n, ma2_ref[...])
    din = jnp.sum(x * mWo_ref[...], axis=1, keepdims=True) + mbo_ref[...]

    lr = jnp.sum(wide_ref[...] * lrW_ref[...], axis=1, keepdims=True)
    lr = lr + lrb_ref[...]

    d = jnp.dot(deep_ref[...].astype(bf), dW1_ref[...],
                preferred_element_type=jnp.float32)
    d = jax.nn.relu(_bn_in(d + db1_ref[...], n))
    d = jnp.dot(d.astype(bf), dW2_ref[...],
                preferred_element_type=jnp.float32)
    d = jax.nn.relu(_bn_in(d + db2_ref[...], n))
    deep = jnp.sum(d * dWo_ref[...], axis=1, keepdims=True) + dbo_ref[...]

    out_ref[...] = jax.nn.sigmoid(din + lr + deep)


def kernel(other_ids, seq_flat_ids, cu_seqlens, target_ids, wide_ids, deep_ids,
           din_table, aW1, ab1, aa1, aW2, ab2, aa2, aWo, abo,
           mW1, mb1, ma1, mW2, mb2, ma2, mWo, mbo,
           wide_table, lrW, lrb, deep_table, dW1, db1, dW2, db2, dWo, dbo):
    B = other_ids.shape[0]
    T = seq_flat_ids.shape[0]
    D = din_table.shape[1]
    WD = wide_table.shape[1]
    DD = deep_table.shape[1]
    NF = wide_ids.shape[1]
    LMAX = 200
    BL = B * LMAX

    cu = cu_seqlens.astype(jnp.int32)
    lengths = cu[1:] - cu[:-1]
    addr = cu[:-1, None] + jnp.arange(LMAX, dtype=jnp.int32)[None, :]
    addr = jnp.minimum(addr, T - 1).reshape(NW, BL // NW // 128, 128)

    nf_flat = B * NF
    F_PW = nf_flat // NW
    F_CH = -(-F_PW // 128)
    FTAIL = F_PW - (F_CH - 1) * 128
    zpad = jnp.zeros((NW, F_CH * 128 - F_PW), jnp.int32)
    didx = jnp.concatenate(
        [deep_ids.reshape(NW, F_PW).astype(jnp.int32), zpad], axis=1)
    widx = jnp.concatenate(
        [wide_ids.reshape(NW, F_PW).astype(jnp.int32), zpad], axis=1)
    didx = didx.reshape(NW, F_CH, 128)
    widx = widx.reshape(NW, F_CH, 128)
    oidx = other_ids.astype(jnp.int32).reshape(NW, B // NW)
    tidx = target_ids.astype(jnp.int32).reshape(NW, B // NW)

    padded, oth_emb, tgt_emb = _sc_seq_gather(
        addr, seq_flat_ids.astype(jnp.int32), din_table, oidx, tidx, BL, D)
    drows, wrows = _sc_feat_gather(
        deep_table, wide_table, didx, widx, nf_flat, DD, WD, FTAIL)

    lenf = lengths.astype(jnp.float32).reshape(B, 1)

    bf = jnp.bfloat16
    wA = (aW1[:D] + aW1[2 * D:3 * D]).astype(bf)
    wB = (aW1[D:2 * D] - aW1[2 * D:3 * D]).astype(bf)
    wC = aW1[3 * D:].astype(bf)

    BB = 16
    GA = B // BB
    R = BB * LMAX
    H1 = aW1.shape[1]
    H2 = aW2.shape[1]

    def pad_map(i):
        return (lax.rem(i, GA), 0)

    tgt_map = pad_map
    cst = lambda i: (0, 0)
    pool_map = lambda i: (jnp.maximum(i - 2 * GA, 0), 0)
    pooled = pl.pallas_call(
        functools.partial(_p123_body, BB, LMAX, D, GA, float(BL)),
        grid=(3 * GA,),
        in_specs=[
            pl.BlockSpec((R, D), pad_map),
            pl.BlockSpec((BB, D), tgt_map),
            pl.BlockSpec((BB, 1), pad_map),
            pl.BlockSpec((D, H1), cst),
            pl.BlockSpec((D, H1), cst),
            pl.BlockSpec((D, H1), cst),
            pl.BlockSpec((1, H1), cst),
            pl.BlockSpec((1, H1), cst),
            pl.BlockSpec((H1, H2), cst),
            pl.BlockSpec((1, H2), cst),
            pl.BlockSpec((1, H2), cst),
            pl.BlockSpec((1, H2), cst),
            pl.BlockSpec((1, 1), cst),
        ],
        out_specs=pl.BlockSpec((BB, D), pool_map),
        out_shape=jax.ShapeDtypeStruct((B, D), jnp.float32),
        scratch_shapes=[
            pltpu.VMEM((BL, H2), bf),
            pltpu.VMEM((2, H1), jnp.float32),
            pltpu.VMEM((2, H2), jnp.float32),
        ],
        compiler_params=pltpu.CompilerParams(
            vmem_limit_bytes=60 * 1024 * 1024),
    )(padded, tgt_emb, lenf,
      wA, wB, wC, ab1.reshape(1, H1), aa1.reshape(1, H1),
      aW2.astype(bf), ab2.reshape(1, H2), aa2.reshape(1, H2),
      aWo.reshape(1, H2), abo.reshape(1, 1))

    wide_flat = wrows.reshape(B, NF * WD)
    deep_flat = drows.reshape(B, NF * DD)
    M1 = mW1.shape[1]
    M2 = mW2.shape[1]
    DH1 = dW1.shape[1]
    DH2 = dW2.shape[1]
    full = lambda a, b: pl.BlockSpec((a, b), lambda: (0, 0))
    out = pl.pallas_call(
        functools.partial(_p4_body, B),
        in_specs=[
            full(B, D), full(B, D), full(B, D),
            full(3 * D, M1), full(1, M1), full(1, M1),
            full(M1, M2), full(1, M2), full(1, M2),
            full(1, M2), full(1, 1),
            full(B, NF * WD), full(1, NF * WD), full(1, 1),
            full(B, NF * DD),
            full(NF * DD, DH1), full(1, DH1),
            full(DH1, DH2), full(1, DH2), full(1, DH2), full(1, 1),
        ],
        out_specs=full(B, 1),
        out_shape=jax.ShapeDtypeStruct((B, 1), jnp.float32),
        compiler_params=pltpu.CompilerParams(
            vmem_limit_bytes=60 * 1024 * 1024),
    )(oth_emb, pooled, tgt_emb,
      mW1.astype(bf), mb1.reshape(1, M1), ma1.reshape(1, M1),
      mW2.astype(bf), mb2.reshape(1, M2), ma2.reshape(1, M2),
      mWo.reshape(1, M2), mbo.reshape(1, 1),
      wide_flat, lrW.reshape(1, NF * WD), lrb.reshape(1, 1),
      deep_flat, dW1.astype(bf), db1.reshape(1, DH1),
      dW2.astype(bf), db2.reshape(1, DH2), dWo.reshape(1, DH2),
      dbo.reshape(1, 1))
    return out

# --- scband reference (transcript-rebuilt; emitter-appended) ---
"""Pipeline reference for scband-din-35914516529539 (READ-ONLY COPY).

The authoritative reference and input builder live on the scoring server;
editing this copy changes nothing except your own understanding.
"""

import jax, jax.numpy as jnp
import numpy as np

B = 1024
LMAX = 200
T = 102400
V = 100000
D = 64
WD = 16
DD = 64
NF = 26


def _make_cu():
    rng = np.random.default_rng(1)
    half = B // 2
    delta = rng.integers(-50, 51, half)
    lengths = np.full(B, 100, dtype=np.int64)
    lengths[:half] += delta
    lengths[half:] -= delta
    return np.concatenate([[0], np.cumsum(lengths)]).astype(np.int32)


def setup_inputs(seed: int = 0):
    key = jax.random.key(seed)
    ks = jax.random.split(key, 40)

    def n(i, shape, scale):
        return jax.random.normal(ks[i], shape, dtype=jnp.float32) * scale

    inp = {}
    inp["other_ids"] = jax.random.randint(ks[0], (B,), 0, V)
    inp["seq_flat_ids"] = jax.random.randint(ks[1], (T,), 0, V)
    inp["cu_seqlens"] = jnp.asarray(_make_cu())
    inp["target_ids"] = jax.random.randint(ks[2], (B,), 0, V)
    inp["wide_ids"] = jax.random.randint(ks[3], (B, NF), 0, V)
    inp["deep_ids"] = jax.random.randint(ks[4], (B, NF), 0, V)
    inp["din_table"] = n(5, (V, D), 0.1)
    inp["aW1"] = n(6, (4 * D, 128), 0.05); inp["ab1"] = jnp.zeros((128,), jnp.float32); inp["aa1"] = jnp.zeros((128,), jnp.float32)
    inp["aW2"] = n(7, (128, 64), 0.05); inp["ab2"] = jnp.zeros((64,), jnp.float32); inp["aa2"] = jnp.zeros((64,), jnp.float32)
    inp["aWo"] = n(8, (64, 1), 0.05); inp["abo"] = jnp.zeros((1,), jnp.float32)
    inp["mW1"] = n(9, (3 * D, 1024), 0.05); inp["mb1"] = jnp.zeros((1024,), jnp.float32); inp["ma1"] = jnp.zeros((1024,), jnp.float32)
    inp["mW2"] = n(10, (1024, 512), 0.05); inp["mb2"] = jnp.zeros((512,), jnp.float32); inp["ma2"] = jnp.zeros((512,), jnp.float32)
    inp["mWo"] = n(11, (512, 1), 0.05); inp["mbo"] = jnp.zeros((1,), jnp.float32)
    inp["wide_table"] = n(12, (V, WD), 0.1)
    inp["lrW"] = n(13, (NF * WD, 1), 0.05); inp["lrb"] = jnp.zeros((1,), jnp.float32)
    inp["deep_table"] = n(14, (V, DD), 0.1)
    inp["dW1"] = n(15, (NF * DD, 1024), 0.05); inp["db1"] = jnp.zeros((1024,), jnp.float32)
    inp["dW2"] = n(16, (1024, 512), 0.05); inp["db2"] = jnp.zeros((512,), jnp.float32)
    inp["dWo"] = n(17, (512, 1), 0.05); inp["dbo"] = jnp.zeros((1,), jnp.float32)
    return inp


def _dice_bn(x, alpha):
    m = x.mean(0)
    v = x.var(0)
    xn = (x - m) / jnp.sqrt(v + 1e-5)
    p = jax.nn.sigmoid(xn)
    return p * x + (1.0 - p) * alpha * x


def _bn(x):
    m = x.mean(0)
    v = x.var(0)
    return (x - m) / jnp.sqrt(v + 1e-5)


def reference(other_ids, seq_flat_ids, cu_seqlens, target_ids, wide_ids, deep_ids,
              din_table, aW1, ab1, aa1, aW2, ab2, aa2, aWo, abo,
              mW1, mb1, ma1, mW2, mb2, ma2, mWo, mbo,
              wide_table, lrW, lrb, deep_table, dW1, db1, dW2, db2, dWo, dbo):
    other_emb = jnp.take(din_table, other_ids, axis=0)
    target_emb = jnp.take(din_table, target_ids, axis=0)
    seq_emb = jnp.take(din_table, seq_flat_ids, axis=0)
    lengths = cu_seqlens[1:] - cu_seqlens[:-1]
    tok = jnp.arange(seq_flat_ids.shape[0], dtype=jnp.int32)
    seg = jnp.searchsorted(cu_seqlens[1:], tok, side='right')
    pos = tok - cu_seqlens[seg]
    padded = jnp.zeros((B, LMAX, D), dtype=seq_emb.dtype).at[seg, pos].set(seq_emb)
    mask = jnp.arange(LMAX)[None, :] < lengths[:, None]
    t = jnp.broadcast_to(target_emb[:, None, :], (B, LMAX, D))
    att_in = jnp.concatenate([t, padded, t - padded, t * padded], axis=-1).reshape(B * LMAX, 4 * D)
    h = _dice_bn(att_in @ aW1 + ab1, aa1)
    h = _dice_bn(h @ aW2 + ab2, aa2)
    score = (h @ aWo + abo).reshape(B, LMAX)
    score = jnp.where(mask, score, 0.0)
    pooled = jnp.einsum('bl,bld->bd', score, padded)
    emb = jnp.concatenate([other_emb, pooled, target_emb], axis=1)
    h = _dice_bn(emb @ mW1 + mb1, ma1)
    h = _dice_bn(h @ mW2 + mb2, ma2)
    din_out = h @ mWo + mbo
    wfm = jnp.take(wide_table, wide_ids.reshape(-1), axis=0).reshape(B, NF * WD)
    lr_out = wfm @ lrW + lrb
    dfm = jnp.take(deep_table, deep_ids.reshape(-1), axis=0).reshape(B, NF * DD)
    h = jax.nn.relu(_bn(dfm @ dW1 + db1))
    h = jax.nn.relu(_bn(h @ dW2 + db2))
    deep_out = h @ dWo + dbo
    return jax.nn.sigmoid(din_out + lr_out + deep_out)

if __name__ == "__main__":
    import jax
    _d = setup_inputs()
    print(jax.jit(kernel)(*tuple(_d.values())))

</pallas_src>

<mosaic_0001>
#map = affine_map<(d0, d1) -> (0, 0)>
#map1 = affine_map<(d0, d1) -> (0, 0, 0)>
module attributes {stable_mosaic.version = 14 : i64} {
  func.func @k(%arg0: i32, %arg1: i32, %arg2: memref<100000x64xf32, #tpu.memory_space<hbm>>, %arg3: memref<100000x16xf32, #tpu.memory_space<hbm>>, %arg4: memref<32x7x128xi32, #tpu.memory_space<hbm>>, %arg5: memref<32x7x128xi32, #tpu.memory_space<hbm>>, %arg6: memref<26624x64xf32, #tpu.memory_space<hbm>>, %arg7: memref<26624x16xf32, #tpu.memory_space<hbm>>, %arg8: memref<7x128xi32, #tpu.memory_space<vmem>>, %arg9: memref<2x128x64xf32, #tpu.memory_space<vmem>>, %arg10: memref<128x16xf32, #tpu.memory_space<vmem>>, %arg11: memref<!tpu.dma_semaphore, #tpu.memory_space<semaphore_mem>>, %arg12: memref<!tpu.dma_semaphore, #tpu.memory_space<semaphore_mem>>, %arg13: memref<!tpu.dma_semaphore, #tpu.memory_space<semaphore_mem>>) attributes {dimension_semantics = [#tpu.dimension_semantics<core_parallel>, #tpu.dimension_semantics<subcore_parallel>], iteration_bounds = array<i64: 2, 16>, scalar_prefetch = 0 : i64, scratch_operands = 6 : i64, tpu.core_type = #tpu.core_type<sc_vector_subcore>, window_params = [{transform_indices = #map}, {transform_indices = #map}, {transform_indices = #map1}, {transform_indices = #map1}, {transform_indices = #map}, {transform_indices = #map}]} {
    %mul3A = arith.constant 2 : i32
    %mul3A_0 = arith.muli %arg1, %mul3A : i32
    %add3A = arith.addi %mul3A_0, %arg0 : i32
    %mul3A_1 = arith.constant 832 : i32
    %mul3A_2 = arith.muli %add3A, %mul3A_1 : i32
    "tpu.region"() ({
      %run_scoped3A = tpu.sem_alloc : memref<!tpu.dma_semaphore, #tpu.memory_space<semaphore_mem>>
      %dma_start3A_72 = arith.constant 0 : i32
      %dma_start3A_73 = arith.constant 0 : i32
      %dma_start3A_74 = tpu.memref_slice %arg4[%add3A, %dma_start3A_72, %dma_start3A_73] : memref<32x7x128xi32, #tpu.memory_space<hbm>> -> memref<1x7x128xi32, #tpu.memory_space<hbm>>
      %dma_start3A_75 = tpu.memref_squeeze %dma_start3A_74 : memref<1x7x128xi32, #tpu.memory_space<hbm>> -> memref<7x128xi32, #tpu.memory_space<hbm>>
      %dma_start3A_76 = arith.constant 0 : i32
      %dma_start3A_77 = arith.constant 0 : i32
      %dma_start3A_78 = tpu.memref_slice %arg4[%add3A, %dma_start3A_76, %dma_start3A_77] : memref<32x7x128xi32, #tpu.memory_space<hbm>> -> memref<1x7x128xi32, #tpu.memory_space<hbm>>
      %dma_start3A_79 = tpu.memref_squeeze %dma_start3A_78 : memref<1x7x128xi32, #tpu.memory_space<hbm>> -> memref<7x128xi32, #tpu.memory_space<hbm>>
      tpu.enqueue_dma source(%dma_start3A_79 : memref<7x128xi32, #tpu.memory_space<hbm>>) target(%arg8 : memref<7x128xi32, #tpu.memory_space<vmem>>) target_semaphore(%run_scoped3A : memref<!tpu.dma_semaphore, #tpu.memory_space<semaphore_mem>>)
      %dma_wait3A_80 = arith.constant 0 : i32
      %dma_wait3A_81 = arith.constant 0 : i32
      %dma_wait3A_82 = tpu.memref_slice %arg4[%add3A, %dma_wait3A_80, %dma_wait3A_81] : memref<32x7x128xi32, #tpu.memory_space<hbm>> -> memref<1x7x128xi32, #tpu.memory_space<hbm>>
      %dma_wait3A_83 = tpu.memref_squeeze %dma_wait3A_82 : memref<1x7x128xi32, #tpu.memory_space<hbm>> -> memref<7x128xi32, #tpu.memory_space<hbm>>
      %dma_wait3A_84 = arith.constant 0 : i32
      %dma_wait3A_85 = arith.constant 0 : i32
      %dma_wait3A_86 = tpu.memref_slice %arg4[%add3A, %dma_wait3A_84, %dma_wait3A_85] : memref<32x7x128xi32, #tpu.memory_space<hbm>> -> memref<1x7x128xi32, #tpu.memory_space<hbm>>
      %dma_wait3A_87 = tpu.memref_squeeze %dma_wait3A_86 : memref<1x7x128xi32, #tpu.memory_space<hbm>> -> memref<7x128xi32, #tpu.memory_space<hbm>>
      tpu.wait_dma2 semaphore(%run_scoped3A : memref<!tpu.dma_semaphore, #tpu.memory_space<semaphore_mem>>) src(%dma_wait3A_87 : memref<7x128xi32, #tpu.memory_space<hbm>>) dst(%arg8 : memref<7x128xi32, #tpu.memory_space<vmem>>)
      tpu.yield
    }) : () -> ()
    %dma_start3A = arith.constant 0 : i32
    %dma_start3A_3 = arith.constant 0 : i32
    %dma_start3A_4 = arith.constant 0 : i32
    %dma_start3A_5 = arith.constant 0 : i32
    %dma_start3A_6 = tpu.memref_slice %arg9[%dma_start3A_3, %dma_start3A_4, %dma_start3A_5] : memref<2x128x64xf32, #tpu.memory_space<vmem>> -> memref<1x128x64xf32, #tpu.memory_space<vmem>>
    %dma_start3A_7 = tpu.memref_squeeze %dma_start3A_6 : memref<1x128x64xf32, #tpu.memory_space<vmem>> -> memref<128x64xf32, #tpu.memory_space<vmem>>
    %dma_start3A_8 = arith.constant 0 : i32
    %dma_start3A_9 = tpu.memref_slice %arg8[%dma_start3A, %dma_start3A_8] : memref<7x128xi32, #tpu.memory_space<vmem>> -> memref<1x128xi32, #tpu.memory_space<vmem>>
    %dma_start3A_10 = tpu.memref_squeeze %dma_start3A_9 : memref<1x128xi32, #tpu.memory_space<vmem>> -> memref<128xi32, #tpu.memory_space<vmem>>
    %dma_start3A_11 = arith.constant 0 : i32
    %dma_start3A_12 = arith.constant 0 : i32
    %dma_start3A_13 = tpu.memref_slice %arg2[%dma_start3A_11, %dma_start3A_12] : memref<100000x64xf32, #tpu.memory_space<hbm>> -> memref<100000x64xf32, #tpu.memory_space<hbm>>
    tpu.enqueue_indirect_dma source(%dma_start3A_13 : memref<100000x64xf32, #tpu.memory_space<hbm>>) target(%dma_start3A_7 : memref<128x64xf32, #tpu.memory_space<vmem>>) offsets(%dma_start3A_10 : memref<128xi32, #tpu.memory_space<vmem>>) semaphore(%arg11 : memref<!tpu.dma_semaphore, #tpu.memory_space<semaphore_mem>>)
    %scan3A = arith.constant 0 : i32
    %scan3A_14 = arith.constant 0 : i32
    %scan3A_15 = arith.constant 7 : i32
    %scan3A_16 = arith.addi %scan3A_14, %scan3A_15 : i32
    %scan3A_17 = arith.constant 1 : i32
    scf.for %scan3A_72 = %scan3A_14 to %scan3A_16 step %scan3A_17  : i32 {
      %rem3A = arith.constant 2 : i32
      %rem3A_73 = arith.remsi %scan3A_72, %rem3A : i32
      %eq3A = arith.constant 0 : i32
      %eq3A_74 = arith.cmpi eq, %rem3A_73, %eq3A : i32
      %convert_element_type3A = arith.extui %eq3A_74 : i1 to i32
      %cond3A = arith.constant 0 : i32
      %cond3A_75 = arith.cmpi ne, %convert_element_type3A, %cond3A : i32
      scf.if %cond3A_75 {
        %dma_wait3A_83 = arith.constant 0 : i32
        %dma_wait3A_84 = arith.constant 0 : i32
        %dma_wait3A_85 = arith.constant 0 : i32
        %dma_wait3A_86 = tpu.memref_slice %arg9[%dma_wait3A_83, %dma_wait3A_84, %dma_wait3A_85] : memref<2x128x64xf32, #tpu.memory_space<vmem>> -> memref<1x128x64xf32, #tpu.memory_space<vmem>>
        %dma_wait3A_87 = tpu.memref_squeeze %dma_wait3A_86 : memref<1x128x64xf32, #tpu.memory_space<vmem>> -> memref<128x64xf32, #tpu.memory_space<vmem>>
        %dma_wait3A_88 = arith.constant 0 : i32
        %dma_wait3A_89 = tpu.memref_slice %arg8[%scan3A_72, %dma_wait3A_88] : memref<7x128xi32, #tpu.memory_space<vmem>> -> memref<1x128xi32, #tpu.memory_space<vmem>>
        %dma_wait3A_90 = tpu.memref_squeeze %dma_wait3A_89 : memref<1x128xi32, #tpu.memory_space<vmem>> -> memref<128xi32, #tpu.memory_space<vmem>>
        %dma_wait3A_91 = arith.constant 0 : i32
        %dma_wait3A_92 = arith.constant 0 : i32
        %dma_wait3A_93 = tpu.memref_slice %arg2[%dma_wait3A_91, %dma_wait3A_92] : memref<100000x64xf32, #tpu.memory_space<hbm>> -> memref<100000x64xf32, #tpu.memory_space<hbm>>
        tpu.wait_indirect_dma semaphore(%arg11 : memref<!tpu.dma_semaphore, #tpu.memory_space<semaphore_mem>>) src(%dma_wait3A_93 : memref<100000x64xf32, #tpu.memory_space<hbm>>) dst(%dma_wait3A_87 : memref<128x64xf32, #tpu.memory_space<vmem>>)
        %add3A_94 = arith.constant 1 : i32
        %add3A_95 = arith.addi %scan3A_72, %add3A_94 : i32
        %lt3A = arith.constant 7 : i32
        %lt3A_96 = arith.cmpi slt, %add3A_95, %lt3A : i32
        %convert_element_type3A_97 = arith.extui %lt3A_96 : i1 to i32
        %cond3A_98 = arith.constant 0 : i32
        %cond3A_99 = arith.cmpi ne, %convert_element_type3A_97, %cond3A_98 : i32
        scf.if %cond3A_99 {
          %ge3A = arith.constant 1 : i32
          %ge3A_110 = arith.cmpi sge, %scan3A_72, %ge3A : i32
          %convert_element_type3A_111 = arith.extui %ge3A_110 : i1 to i32
          %cond3A_112 = arith.constant 0 : i32
          %cond3A_113 = arith.cmpi ne, %convert_element_type3A_111, %cond3A_112 : i32
          scf.if %cond3A_113 {
            %dma_wait3A_127 = arith.constant 1 : i32
            %dma_wait3A_128 = arith.constant 0 : i32
            %dma_wait3A_129 = arith.constant 0 : i32
            %dma_wait3A_130 = tpu.memref_slice %arg9[%dma_wait3A_127, %dma_wait3A_128, %dma_wait3A_129] : memref<2x128x64xf32, #tpu.memory_space<vmem>> -> memref<1x128x64xf32, #tpu.memory_space<vmem>>
            %dma_wait3A_131 = tpu.memref_squeeze %dma_wait3A_130 : memref<1x128x64xf32, #tpu.memory_space<vmem>> -> memref<128x64xf32, #tpu.memory_space<vmem>>
            %dma_wait3A_132 = arith.constant 0 : i32
            %dma_wait3A_133 = tpu.memref_slice %arg6[%mul3A_2, %dma_wait3A_132] : memref<26624x64xf32, #tpu.memory_space<hbm>> -> memref<128x64xf32, #tpu.memory_space<hbm>>
            %dma_wait3A_134 = arith.constant 0 : i32
            %dma_wait3A_135 = tpu.memref_slice %arg6[%mul3A_2, %dma_wait3A_134] : memref<26624x64xf32, #tpu.memory_space<hbm>> -> memref<128x64xf32, #tpu.memory_space<hbm>>
            %dma_wait3A_136 = arith.constant 0 : i32
            %dma_wait3A_137 = arith.constant 0 : i32
            %dma_wait3A_138 = tpu.memref_slice %arg9[%dma_wait3A_127, %dma_wait3A_136, %dma_wait3A_137] : memref<2x128x64xf32, #tpu.memory_space<vmem>> -> memref<1x128x64xf32, #tpu.memory_space<vmem>>
            %dma_wait3A_139 = tpu.memref_squeeze %dma_wait3A_138 : memref<1x128x64xf32, #tpu.memory_space<vmem>> -> memref<128x64xf32, #tpu.memory_space<vmem>>
            tpu.wait_dma2 semaphore(%arg12 : memref<!tpu.dma_semaphore, #tpu.memory_space<semaphore_mem>>) src(%dma_wait3A_139 : memref<128x64xf32, #tpu.memory_space<vmem>>) dst(%dma_wait3A_135 : memref<128x64xf32, #tpu.memory_space<hbm>>)
          } else {
          }
          %add3A_114 = arith.constant 1 : i32
          %add3A_115 = arith.addi %scan3A_72, %add3A_114 : i32
          %dma_start3A_116 = arith.constant 1 : i32
          %dma_start3A_117 = arith.constant 0 : i32
          %dma_start3A_118 = arith.constant 0 : i32
          %dma_start3A_119 = tpu.memref_slice %arg9[%dma_start3A_116, %dma_start3A_117, %dma_start3A_118] : memref<2x128x64xf32, #tpu.memory_space<vmem>> -> memref<1x128x64xf32, #tpu.memory_space<vmem>>
          %dma_start3A_120 = tpu.memref_squeeze %dma_start3A_119 : memref<1x128x64xf32, #tpu.memory_space<vmem>> -> memref<128x64xf32, #tpu.memory_space<vmem>>
          %dma_start3A_121 = arith.constant 0 : i32
          %dma_start3A_122 = tpu.memref_slice %arg8[%add3A_115, %dma_start3A_121] : memref<7x128xi32, #tpu.memory_space<vmem>> -> memref<1x128xi32, #tpu.memory_space<vmem>>
          %dma_start3A_123 = tpu.memref_squeeze %dma_start3A_122 : memref<1x128xi32, #tpu.memory_space<vmem>> -> memref<128xi32, #tpu.memory_space<vmem>>
          %dma_start3A_124 = arith.constant 0 : i32
          %dma_start3A_125 = arith.constant 0 : i32
          %dma_start3A_126 = tpu.memref_slice %arg2[%dma_start3A_124, %dma_start3A_125] : memref<100000x64xf32, #tpu.memory_space<hbm>> -> memref<100000x64xf32, #tpu.memory_space<hbm>>
          tpu.enqueue_indirect_dma source(%dma_start3A_126 : memref<100000x64xf32, #tpu.memory_space<hbm>>) target(%dma_start3A_120 : memref<128x64xf32, #tpu.memory_space<vmem>>) offsets(%dma_start3A_123 : memref<128xi32, #tpu.memory_space<vmem>>) semaphore(%arg11 : memref<!tpu.dma_semaphore, #tpu.memory_space<semaphore_mem>>)
        } else {
        }
        %lt3A_100 = arith.constant 6 : i32
        %lt3A_101 = arith.cmpi slt, %scan3A_72, %lt3A_100 : i32
        %convert_element_type3A_102 = arith.extui %lt3A_101 : i1 to i32
        %cond3A_103 = arith.constant 0 : i32
        %cond3A_104 = arith.cmpi ne, %convert_element_type3A_102, %cond3A_103 : i32
        scf.if %cond3A_104 {
          %mul3A_110 = arith.constant 128 : i32
          %mul3A_111 = arith.muli %scan3A_72, %mul3A_110 : i32
          %add3A_112 = arith.addi %mul3A_2, %mul3A_111 : i32
          %dma_start3A_113 = arith.constant 0 : i32
          %dma_start3A_114 = arith.constant 0 : i32
          %dma_start3A_115 = arith.constant 0 : i32
          %dma_start3A_116 = tpu.memref_slice %arg9[%dma_start3A_113, %dma_start3A_114, %dma_start3A_115] : memref<2x128x64xf32, #tpu.memory_space<vmem>> -> memref<1x128x64xf32, #tpu.memory_space<vmem>>
          %dma_start3A_117 = tpu.memref_squeeze %dma_start3A_116 : memref<1x128x64xf32, #tpu.memory_space<vmem>> -> memref<128x64xf32, #tpu.memory_space<vmem>>
          %dma_start3A_118 = arith.constant 0 : i32
          %dma_start3A_119 = tpu.memref_slice %arg6[%add3A_112, %dma_start3A_118] : memref<26624x64xf32, #tpu.memory_space<hbm>> -> memref<128x64xf32, #tpu.memory_space<hbm>>
          %dma_start3A_120 = arith.constant 0 : i32
          %dma_start3A_121 = tpu.memref_slice %arg6[%add3A_112, %dma_start3A_120] : memref<26624x64xf32, #tpu.memory_space<hbm>> -> memref<128x64xf32, #tpu.memory_space<hbm>>
          %dma_start3A_122 = arith.constant 0 : i32
          %dma_start3A_123 = arith.constant 0 : i32
          %dma_start3A_124 = tpu.memref_slice %arg9[%dma_start3A_113, %dma_start3A_122, %dma_start3A_123] : memref<2x128x64xf32, #tpu.memory_space<vmem>> -> memref<1x128x64xf32, #tpu.memory_space<vmem>>
          %dma_start3A_125 = tpu.memref_squeeze %dma_start3A_124 : memref<1x128x64xf32, #tpu.memory_space<vmem>> -> memref<128x64xf32, #tpu.memory_space<vmem>>
          tpu.enqueue_dma source(%dma_start3A_125 : memref<128x64xf32, #tpu.memory_space<vmem>>) target(%dma_start3A_121 : memref<128x64xf32, #tpu.memory_space<hbm>>) target_semaphore(%arg12 : memref<!tpu.dma_semaphore, #tpu.memory_space<semaphore_mem>>)
        } else {
        }
        %eq3A_105 = arith.constant 6 : i32
        %eq3A_106 = arith.cmpi eq, %scan3A_72, %eq3A_105 : i32
        %convert_element_type3A_107 = arith.extui %eq3A_106 : i1 to i32
        %cond3A_108 = arith.constant 0 : i32
        %cond3A_109 = arith.cmpi ne, %convert_element_type3A_107, %cond3A_108 : i32
        scf.if %cond3A_109 {
          %mul3A_110 = arith.constant 128 : i32
          %mul3A_111 = arith.muli %scan3A_72, %mul3A_110 : i32
          %add3A_112 = arith.addi %mul3A_2, %mul3A_111 : i32
          %dma_start3A_113 = arith.constant 0 : i32
          %dma_start3A_114 = arith.constant 0 : i32
          %dma_start3A_115 = arith.constant 0 : i32
          %dma_start3A_116 = tpu.memref_slice %arg9[%dma_start3A_113, %dma_start3A_114, %dma_start3A_115] : memref<2x128x64xf32, #tpu.memory_space<vmem>> -> memref<1x128x64xf32, #tpu.memory_space<vmem>>
          %dma_start3A_117 = tpu.memref_squeeze %dma_start3A_116 : memref<1x128x64xf32, #tpu.memory_space<vmem>> -> memref<128x64xf32, #tpu.memory_space<vmem>>
          %dma_start3A_118 = arith.constant 0 : i32
          %dma_start3A_119 = arith.constant 0 : i32
          %dma_start3A_120 = tpu.memref_slice %dma_start3A_117[%dma_start3A_118, %dma_start3A_119] : memref<128x64xf32, #tpu.memory_space<vmem>> -> memref<64x64xf32, #tpu.memory_space<vmem>>
          %dma_start3A_121 = arith.constant 0 : i32
          %dma_start3A_122 = tpu.memref_slice %arg6[%add3A_112, %dma_start3A_121] : memref<26624x64xf32, #tpu.memory_space<hbm>> -> memref<64x64xf32, #tpu.memory_space<hbm>>
          %dma_start3A_123 = arith.constant 0 : i32
          %dma_start3A_124 = tpu.memref_slice %arg6[%add3A_112, %dma_start3A_123] : memref<26624x64xf32, #tpu.memory_space<hbm>> -> memref<64x64xf32, #tpu.memory_space<hbm>>
          %dma_start3A_125 = arith.constant 0 : i32
          %dma_start3A_126 = arith.constant 0 : i32
          %dma_start3A_127 = tpu.memref_slice %arg9[%dma_start3A_113, %dma_start3A_125, %dma_start3A_126] : memref<2x128x64xf32, #tpu.memory_space<vmem>> -> memref<1x128x64xf32, #tpu.memory_space<vmem>>
          %dma_start3A_128 = tpu.memref_squeeze %dma_start3A_127 : memref<1x128x64xf32, #tpu.memory_space<vmem>> -> memref<128x64xf32, #tpu.memory_space<vmem>>
          %dma_start3A_129 = arith.constant 0 : i32
          %dma_start3A_130 = arith.constant 0 : i32
          %dma_start3A_131 = tpu.memref_slice %dma_start3A_128[%dma_start3A_129, %dma_start3A_130] : memref<128x64xf32, #tpu.memory_space<vmem>> -> memref<64x64xf32, #tpu.memory_space<vmem>>
          tpu.enqueue_dma source(%dma_start3A_131 : memref<64x64xf32, #tpu.memory_space<vmem>>) target(%dma_start3A_124 : memref<64x64xf32, #tpu.memory_space<hbm>>) target_semaphore(%arg12 : memref<!tpu.dma_semaphore, #tpu.memory_space<semaphore_mem>>)
        } else {
        }
      } else {
      }
      %rem3A_76 = arith.constant 2 : i32
      %rem3A_77 = arith.remsi %scan3A_72, %rem3A_76 : i32
      %eq3A_78 = arith.constant 1 : i32
      %eq3A_79 = arith.cmpi eq, %rem3A_77, %eq3A_78 : i32
      %convert_element_type3A_80 = arith.extui %eq3A_79 : i1 to i32
      %cond3A_81 = arith.constant 0 : i32
      %cond3A_82 = arith.cmpi ne, %convert_element_type3A_80, %cond3A_81 : i32
      scf.if %cond3A_82 {
        %dma_wait3A_83 = arith.constant 1 : i32
        %dma_wait3A_84 = arith.constant 0 : i32
        %dma_wait3A_85 = arith.constant 0 : i32
        %dma_wait3A_86 = tpu.memref_slice %arg9[%dma_wait3A_83, %dma_wait3A_84, %dma_wait3A_85] : memref<2x128x64xf32, #tpu.memory_space<vmem>> -> memref<1x128x64xf32, #tpu.memory_space<vmem>>
        %dma_wait3A_87 = tpu.memref_squeeze %dma_wait3A_86 : memref<1x128x64xf32, #tpu.memory_space<vmem>> -> memref<128x64xf32, #tpu.memory_space<vmem>>
        %dma_wait3A_88 = arith.constant 0 : i32
        %dma_wait3A_89 = tpu.memref_slice %arg8[%scan3A_72, %dma_wait3A_88] : memref<7x128xi32, #tpu.memory_space<vmem>> -> memref<1x128xi32, #tpu.memory_space<vmem>>
        %dma_wait3A_90 = tpu.memref_squeeze %dma_wait3A_89 : memref<1x128xi32, #tpu.memory_space<vmem>> -> memref<128xi32, #tpu.memory_space<vmem>>
        %dma_wait3A_91 = arith.constant 0 : i32
        %dma_wait3A_92 = arith.constant 0 : i32
        %dma_wait3A_93 = tpu.memref_slice %arg2[%dma_wait3A_91, %dma_wait3A_92] : memref<100000x64xf32, #tpu.memory_space<hbm>> -> memref<100000x64xf32, #tpu.memory_space<hbm>>
        tpu.wait_indirect_dma semaphore(%arg11 : memref<!tpu.dma_semaphore, #tpu.memory_space<semaphore_mem>>) src(%dma_wait3A_93 : memref<100000x64xf32, #tpu.memory_space<hbm>>) dst(%dma_wait3A_87 : memref<128x64xf32, #tpu.memory_space<vmem>>)
        %add3A_94 = arith.constant 1 : i32
        %add3A_95 = arith.addi %scan3A_72, %add3A_94 : i32
        %lt3A = arith.constant 7 : i32
        %lt3A_96 = arith.cmpi slt, %add3A_95, %lt3A : i32
        %convert_element_type3A_97 = arith.extui %lt3A_96 : i1 to i32
        %cond3A_98 = arith.constant 0 : i32
        %cond3A_99 = arith.cmpi ne, %convert_element_type3A_97, %cond3A_98 : i32
        scf.if %cond3A_99 {
          %ge3A = arith.constant 1 : i32
          %ge3A_110 = arith.cmpi sge, %scan3A_72, %ge3A : i32
          %convert_element_type3A_111 = arith.extui %ge3A_110 : i1 to i32
          %cond3A_112 = arith.constant 0 : i32
          %cond3A_113 = arith.cmpi ne, %convert_element_type3A_111, %cond3A_112 : i32
          scf.if %cond3A_113 {
            %dma_wait3A_127 = arith.constant 0 : i32
            %dma_wait3A_128 = arith.constant 0 : i32
            %dma_wait3A_129 = arith.constant 0 : i32
            %dma_wait3A_130 = tpu.memref_slice %arg9[%dma_wait3A_127, %dma_wait3A_128, %dma_wait3A_129] : memref<2x128x64xf32, #tpu.memory_space<vmem>> -> memref<1x128x64xf32, #tpu.memory_space<vmem>>
            %dma_wait3A_131 = tpu.memref_squeeze %dma_wait3A_130 : memref<1x128x64xf32, #tpu.memory_space<vmem>> -> memref<128x64xf32, #tpu.memory_space<vmem>>
            %dma_wait3A_132 = arith.constant 0 : i32
            %dma_wait3A_133 = tpu.memref_slice %arg6[%mul3A_2, %dma_wait3A_132] : memref<26624x64xf32, #tpu.memory_space<hbm>> -> memref<128x64xf32, #tpu.memory_space<hbm>>
            %dma_wait3A_134 = arith.constant 0 : i32
            %dma_wait3A_135 = tpu.memref_slice %arg6[%mul3A_2, %dma_wait3A_134] : memref<26624x64xf32, #tpu.memory_space<hbm>> -> memref<128x64xf32, #tpu.memory_space<hbm>>
            %dma_wait3A_136 = arith.constant 0 : i32
            %dma_wait3A_137 = arith.constant 0 : i32
            %dma_wait3A_138 = tpu.memref_slice %arg9[%dma_wait3A_127, %dma_wait3A_136, %dma_wait3A_137] : memref<2x128x64xf32, #tpu.memory_space<vmem>> -> memref<1x128x64xf32, #tpu.memory_space<vmem>>
            %dma_wait3A_139 = tpu.memref_squeeze %dma_wait3A_138 : memref<1x128x64xf32, #tpu.memory_space<vmem>> -> memref<128x64xf32, #tpu.memory_space<vmem>>
            tpu.wait_dma2 semaphore(%arg12 : memref<!tpu.dma_semaphore, #tpu.memory_space<semaphore_mem>>) src(%dma_wait3A_139 : memref<128x64xf32, #tpu.memory_space<vmem>>) dst(%dma_wait3A_135 : memref<128x64xf32, #tpu.memory_space<hbm>>)
          } else {
          }
          %add3A_114 = arith.constant 1 : i32
          %add3A_115 = arith.addi %scan3A_72, %add3A_114 : i32
          %dma_start3A_116 = arith.constant 0 : i32
          %dma_start3A_117 = arith.constant 0 : i32
          %dma_start3A_118 = arith.constant 0 : i32
          %dma_start3A_119 = tpu.memref_slice %arg9[%dma_start3A_116, %dma_start3A_117, %dma_start3A_118] : memref<2x128x64xf32, #tpu.memory_space<vmem>> -> memref<1x128x64xf32, #tpu.memory_space<vmem>>
          %dma_start3A_120 = tpu.memref_squeeze %dma_start3A_119 : memref<1x128x64xf32, #tpu.memory_space<vmem>> -> memref<128x64xf32, #tpu.memory_space<vmem>>
          %dma_start3A_121 = arith.constant 0 : i32
          %dma_start3A_122 = tpu.memref_slice %arg8[%add3A_115, %dma_start3A_121] : memref<7x128xi32, #tpu.memory_space<vmem>> -> memref<1x128xi32, #tpu.memory_space<vmem>>
          %dma_start3A_123 = tpu.memref_squeeze %dma_start3A_122 : memref<1x128xi32, #tpu.memory_space<vmem>> -> memref<128xi32, #tpu.memory_space<vmem>>
          %dma_start3A_124 = arith.constant 0 : i32
          %dma_start3A_125 = arith.constant 0 : i32
          %dma_start3A_126 = tpu.memref_slice %arg2[%dma_start3A_124, %dma_start3A_125] : memref<100000x64xf32, #tpu.memory_space<hbm>> -> memref<100000x64xf32, #tpu.memory_space<hbm>>
          tpu.enqueue_indirect_dma source(%dma_start3A_126 : memref<100000x64xf32, #tpu.memory_space<hbm>>) target(%dma_start3A_120 : memref<128x64xf32, #tpu.memory_space<vmem>>) offsets(%dma_start3A_123 : memref<128xi32, #tpu.memory_space<vmem>>) semaphore(%arg11 : memref<!tpu.dma_semaphore, #tpu.memory_space<semaphore_mem>>)
        } else {
        }
        %lt3A_100 = arith.constant 6 : i32
        %lt3A_101 = arith.cmpi slt, %scan3A_72, %lt3A_100 : i32
        %convert_element_type3A_102 = arith.extui %lt3A_101 : i1 to i32
        %cond3A_103 = arith.constant 0 : i32
        %cond3A_104 = arith.cmpi ne, %convert_element_type3A_102, %cond3A_103 : i32
        scf.if %cond3A_104 {
          %mul3A_110 = arith.constant 128 : i32
          %mul3A_111 = arith.muli %scan3A_72, %mul3A_110 : i32
          %add3A_112 = arith.addi %mul3A_2, %mul3A_111 : i32
          %dma_start3A_113 = arith.constant 1 : i32
          %dma_start3A_114 = arith.constant 0 : i32
          %dma_start3A_115 = arith.constant 0 : i32
          %dma_start3A_116 = tpu.memref_slice %arg9[%dma_start3A_113, %dma_start3A_114, %dma_start3A_115] : memref<2x128x64xf32, #tpu.memory_space<vmem>> -> memref<1x128x64xf32, #tpu.memory_space<vmem>>
          %dma_start3A_117 = tpu.memref_squeeze %dma_start3A_116 : memref<1x128x64xf32, #tpu.memory_space<vmem>> -> memref<128x64xf32, #tpu.memory_space<vmem>>
          %dma_start3A_118 = arith.constant 0 : i32
          %dma_start3A_119 = tpu.memref_slice %arg6[%add3A_112, %dma_start3A_118] : memref<26624x64xf32, #tpu.memory_space<hbm>> -> memref<128x64xf32, #tpu.memory_space<hbm>>
          %dma_start3A_120 = arith.constant 0 : i32
          %dma_start3A_121 = tpu.memref_slice %arg6[%add3A_112, %dma_start3A_120] : memref<26624x64xf32, #tpu.memory_space<hbm>> -> memref<128x64xf32, #tpu.memory_space<hbm>>
          %dma_start3A_122 = arith.constant 0 : i32
          %dma_start3A_123 = arith.constant 0 : i32
          %dma_start3A_124 = tpu.memref_slice %arg9[%dma_start3A_113, %dma_start3A_122, %dma_start3A_123] : memref<2x128x64xf32, #tpu.memory_space<vmem>> -> memref<1x128x64xf32, #tpu.memory_space<vmem>>
          %dma_start3A_125 = tpu.memref_squeeze %dma_start3A_124 : memref<1x128x64xf32, #tpu.memory_space<vmem>> -> memref<128x64xf32, #tpu.memory_space<vmem>>
          tpu.enqueue_dma source(%dma_start3A_125 : memref<128x64xf32, #tpu.memory_space<vmem>>) target(%dma_start3A_121 : memref<128x64xf32, #tpu.memory_space<hbm>>) target_semaphore(%arg12 : memref<!tpu.dma_semaphore, #tpu.memory_space<semaphore_mem>>)
        } else {
        }
        %eq3A_105 = arith.constant 6 : i32
        %eq3A_106 = arith.cmpi eq, %scan3A_72, %eq3A_105 : i32
        %convert_element_type3A_107 = arith.extui %eq3A_106 : i1 to i32
        %cond3A_108 = arith.constant 0 : i32
        %cond3A_109 = arith.cmpi ne, %convert_element_type3A_107, %cond3A_108 : i32
        scf.if %cond3A_109 {
          %mul3A_110 = arith.constant 128 : i32
          %mul3A_111 = arith.muli %scan3A_72, %mul3A_110 : i32
          %add3A_112 = arith.addi %mul3A_2, %mul3A_111 : i32
          %dma_start3A_113 = arith.constant 1 : i32
          %dma_start3A_114 = arith.constant 0 : i32
          %dma_start3A_115 = arith.constant 0 : i32
          %dma_start3A_116 = tpu.memref_slice %arg9[%dma_start3A_113, %dma_start3A_114, %dma_start3A_115] : memref<2x128x64xf32, #tpu.memory_space<vmem>> -> memref<1x128x64xf32, #tpu.memory_space<vmem>>
          %dma_start3A_117 = tpu.memref_squeeze %dma_start3A_116 : memref<1x128x64xf32, #tpu.memory_space<vmem>> -> memref<128x64xf32, #tpu.memory_space<vmem>>
          %dma_start3A_118 = arith.constant 0 : i32
          %dma_start3A_119 = arith.constant 0 : i32
          %dma_start3A_120 = tpu.memref_slice %dma_start3A_117[%dma_start3A_118, %dma_start3A_119] : memref<128x64xf32, #tpu.memory_space<vmem>> -> memref<64x64xf32, #tpu.memory_space<vmem>>
          %dma_start3A_121 = arith.constant 0 : i32
          %dma_start3A_122 = tpu.memref_slice %arg6[%add3A_112, %dma_start3A_121] : memref<26624x64xf32, #tpu.memory_space<hbm>> -> memref<64x64xf32, #tpu.memory_space<hbm>>
          %dma_start3A_123 = arith.constant 0 : i32
          %dma_start3A_124 = tpu.memref_slice %arg6[%add3A_112, %dma_start3A_123] : memref<26624x64xf32, #tpu.memory_space<hbm>> -> memref<64x64xf32, #tpu.memory_space<hbm>>
          %dma_start3A_125 = arith.constant 0 : i32
          %dma_start3A_126 = arith.constant 0 : i32
          %dma_start3A_127 = tpu.memref_slice %arg9[%dma_start3A_113, %dma_start3A_125, %dma_start3A_126] : memref<2x128x64xf32, #tpu.memory_space<vmem>> -> memref<1x128x64xf32, #tpu.memory_space<vmem>>
          %dma_start3A_128 = tpu.memref_squeeze %dma_start3A_127 : memref<1x128x64xf32, #tpu.memory_space<vmem>> -> memref<128x64xf32, #tpu.memory_space<vmem>>
          %dma_start3A_129 = arith.constant 0 : i32
          %dma_start3A_130 = arith.constant 0 : i32
          %dma_start3A_131 = tpu.memref_slice %dma_start3A_128[%dma_start3A_129, %dma_start3A_130] : memref<128x64xf32, #tpu.memory_space<vmem>> -> memref<64x64xf32, #tpu.memory_space<vmem>>
          tpu.enqueue_dma source(%dma_start3A_131 : memref<64x64xf32, #tpu.memory_space<vmem>>) target(%dma_start3A_124 : memref<64x64xf32, #tpu.memory_space<hbm>>) target_semaphore(%arg12 : memref<!tpu.dma_semaphore, #tpu.memory_space<semaphore_mem>>)
        } else {
        }
      } else {
      }
    }
    %scan3A_18 = arith.constant 7 : i32
    %dma_wait3A = arith.constant 0 : i32
    %dma_wait3A_19 = arith.constant 0 : i32
    %dma_wait3A_20 = arith.constant 0 : i32
    %dma_wait3A_21 = tpu.memref_slice %arg9[%dma_wait3A, %dma_wait3A_19, %dma_wait3A_20] : memref<2x128x64xf32, #tpu.memory_space<vmem>> -> memref<1x128x64xf32, #tpu.memory_space<vmem>>
    %dma_wait3A_22 = tpu.memref_squeeze %dma_wait3A_21 : memref<1x128x64xf32, #tpu.memory_space<vmem>> -> memref<128x64xf32, #tpu.memory_space<vmem>>
    %dma_wait3A_23 = arith.constant 0 : i32
    %dma_wait3A_24 = tpu.memref_slice %arg6[%mul3A_2, %dma_wait3A_23] : memref<26624x64xf32, #tpu.memory_space<hbm>> -> memref<128x64xf32, #tpu.memory_space<hbm>>
    %dma_wait3A_25 = arith.constant 0 : i32
    %dma_wait3A_26 = tpu.memref_slice %arg6[%mul3A_2, %dma_wait3A_25] : memref<26624x64xf32, #tpu.memory_space<hbm>> -> memref<128x64xf32, #tpu.memory_space<hbm>>
    %dma_wait3A_27 = arith.constant 0 : i32
    %dma_wait3A_28 = arith.constant 0 : i32
    %dma_wait3A_29 = tpu.memref_slice %arg9[%dma_wait3A, %dma_wait3A_27, %dma_wait3A_28] : memref<2x128x64xf32, #tpu.memory_space<vmem>> -> memref<1x128x64xf32, #tpu.memory_space<vmem>>
    %dma_wait3A_30 = tpu.memref_squeeze %dma_wait3A_29 : memref<1x128x64xf32, #tpu.memory_space<vmem>> -> memref<128x64xf32, #tpu.memory_space<vmem>>
    tpu.wait_dma2 semaphore(%arg12 : memref<!tpu.dma_semaphore, #tpu.memory_space<semaphore_mem>>) src(%dma_wait3A_30 : memref<128x64xf32, #tpu.memory_space<vmem>>) dst(%dma_wait3A_26 : memref<128x64xf32, #tpu.memory_space<hbm>>)
    %dma_wait3A_31 = arith.constant 0 : i32
    %dma_wait3A_32 = arith.constant 0 : i32
    %dma_wait3A_33 = arith.constant 0 : i32
    %dma_wait3A_34 = tpu.memref_slice %arg9[%dma_wait3A_31, %dma_wait3A_32, %dma_wait3A_33] : memref<2x128x64xf32, #tpu.memory_space<vmem>> -> memref<1x128x64xf32, #tpu.memory_space<vmem>>
    %dma_wait3A_35 = tpu.memref_squeeze %dma_wait3A_34 : memref<1x128x64xf32, #tpu.memory_space<vmem>> -> memref<128x64xf32, #tpu.memory_space<vmem>>
    %dma_wait3A_36 = arith.constant 0 : i32
    %dma_wait3A_37 = arith.constant 0 : i32
    %dma_wait3A_38 = tpu.memref_slice %dma_wait3A_35[%dma_wait3A_36, %dma_wait3A_37] : memref<128x64xf32, #tpu.memory_space<vmem>> -> memref<64x64xf32, #tpu.memory_space<vmem>>
    %dma_wait3A_39 = arith.constant 0 : i32
    %dma_wait3A_40 = tpu.memref_slice %arg6[%mul3A_2, %dma_wait3A_39] : memref<26624x64xf32, #tpu.memory_space<hbm>> -> memref<64x64xf32, #tpu.memory_space<hbm>>
    %dma_wait3A_41 = arith.constant 0 : i32
    %dma_wait3A_42 = tpu.memref_slice %arg6[%mul3A_2, %dma_wait3A_41] : memref<26624x64xf32, #tpu.memory_space<hbm>> -> memref<64x64xf32, #tpu.memory_space<hbm>>
    %dma_wait3A_43 = arith.constant 0 : i32
    %dma_wait3A_44 = arith.constant 0 : i32
    %dma_wait3A_45 = tpu.memref_slice %arg9[%dma_wait3A_31, %dma_wait3A_43, %dma_wait3A_44] : memref<2x128x64xf32, #tpu.memory_space<vmem>> -> memref<1x128x64xf32, #tpu.memory_space<vmem>>
    %dma_wait3A_46 = tpu.memref_squeeze %dma_wait3A_45 : memref<1x128x64xf32, #tpu.memory_space<vmem>> -> memref<128x64xf32, #tpu.memory_space<vmem>>
    %dma_wait3A_47 = arith.constant 0 : i32
    %dma_wait3A_48 = arith.constant 0 : i32
    %dma_wait3A_49 = tpu.memref_slice %dma_wait3A_46[%dma_wait3A_47, %dma_wait3A_48] : memref<128x64xf32, #tpu.memory_space<vmem>> -> memref<64x64xf32, #tpu.memory_space<vmem>>
    tpu.wait_dma2 semaphore(%arg12 : memref<!tpu.dma_semaphore, #tpu.memory_space<semaphore_mem>>) src(%dma_wait3A_49 : memref<64x64xf32, #tpu.memory_space<vmem>>) dst(%dma_wait3A_42 : memref<64x64xf32, #tpu.memory_space<hbm>>)
    "tpu.region"() ({
      %run_scoped3A = tpu.sem_alloc : memref<!tpu.dma_semaphore, #tpu.memory_space<semaphore_mem>>
      %dma_start3A_72 = arith.constant 0 : i32
      %dma_start3A_73 = arith.constant 0 : i32
      %dma_start3A_74 = tpu.memref_slice %arg5[%add3A, %dma_start3A_72, %dma_start3A_73] : memref<32x7x128xi32, #tpu.memory_space<hbm>> -> memref<1x7x128xi32, #tpu.memory_space<hbm>>
      %dma_start3A_75 = tpu.memref_squeeze %dma_start3A_74 : memref<1x7x128xi32, #tpu.memory_space<hbm>> -> memref<7x128xi32, #tpu.memory_space<hbm>>
      %dma_start3A_76 = arith.constant 0 : i32
      %dma_start3A_77 = arith.constant 0 : i32
      %dma_start3A_78 = tpu.memref_slice %arg5[%add3A, %dma_start3A_76, %dma_start3A_77] : memref<32x7x128xi32, #tpu.memory_space<hbm>> -> memref<1x7x128xi32, #tpu.memory_space<hbm>>
      %dma_start3A_79 = tpu.memref_squeeze %dma_start3A_78 : memref<1x7x128xi32, #tpu.memory_space<hbm>> -> memref<7x128xi32, #tpu.memory_space<hbm>>
      tpu.enqueue_dma source(%dma_start3A_79 : memref<7x128xi32, #tpu.memory_space<hbm>>) target(%arg8 : memref<7x128xi32, #tpu.memory_space<vmem>>) target_semaphore(%run_scoped3A : memref<!tpu.dma_semaphore, #tpu.memory_space<semaphore_mem>>)
      %dma_wait3A_80 = arith.constant 0 : i32
      %dma_wait3A_81 = arith.constant 0 : i32
      %dma_wait3A_82 = tpu.memref_slice %arg5[%add3A, %dma_wait3A_80, %dma_wait3A_81] : memref<32x7x128xi32, #tpu.memory_space<hbm>> -> memref<1x7x128xi32, #tpu.memory_space<hbm>>
      %dma_wait3A_83 = tpu.memref_squeeze %dma_wait3A_82 : memref<1x7x128xi32, #tpu.memory_space<hbm>> -> memref<7x128xi32, #tpu.memory_space<hbm>>
      %dma_wait3A_84 = arith.constant 0 : i32
      %dma_wait3A_85 = arith.constant 0 : i32
      %dma_wait3A_86 = tpu.memref_slice %arg5[%add3A, %dma_wait3A_84, %dma_wait3A_85] : memref<32x7x128xi32, #tpu.memory_space<hbm>> -> memref<1x7x128xi32, #tpu.memory_space<hbm>>
      %dma_wait3A_87 = tpu.memref_squeeze %dma_wait3A_86 : memref<1x7x128xi32, #tpu.memory_space<hbm>> -> memref<7x128xi32, #tpu.memory_space<hbm>>
      tpu.wait_dma2 semaphore(%run_scoped3A : memref<!tpu.dma_semaphore, #tpu.memory_space<semaphore_mem>>) src(%dma_wait3A_87 : memref<7x128xi32, #tpu.memory_space<hbm>>) dst(%arg8 : memref<7x128xi32, #tpu.memory_space<vmem>>)
      tpu.yield
    }) : () -> ()
    %scan3A_50 = arith.constant 0 : i32
    %scan3A_51 = arith.constant 0 : i32
    %scan3A_52 = arith.constant 6 : i32
    %scan3A_53 = arith.addi %scan3A_51, %scan3A_52 : i32
    %scan3A_54 = arith.constant 1 : i32
    scf.for %scan3A_72 = %scan3A_51 to %scan3A_53 step %scan3A_54  : i32 {
      %dma_start3A_73 = arith.constant 0 : i32
      %dma_start3A_74 = tpu.memref_slice %arg8[%scan3A_72, %dma_start3A_73] : memref<7x128xi32, #tpu.memory_space<vmem>> -> memref<1x128xi32, #tpu.memory_space<vmem>>
      %dma_start3A_75 = tpu.memref_squeeze %dma_start3A_74 : memref<1x128xi32, #tpu.memory_space<vmem>> -> memref<128xi32, #tpu.memory_space<vmem>>
      %dma_start3A_76 = arith.constant 0 : i32
      %dma_start3A_77 = arith.constant 0 : i32
      %dma_start3A_78 = tpu.memref_slice %arg3[%dma_start3A_76, %dma_start3A_77] : memref<100000x16xf32, #tpu.memory_space<hbm>> -> memref<100000x16xf32, #tpu.memory_space<hbm>>
      tpu.enqueue_indirect_dma source(%dma_start3A_78 : memref<100000x16xf32, #tpu.memory_space<hbm>>) target(%arg10 : memref<128x16xf32, #tpu.memory_space<vmem>>) offsets(%dma_start3A_75 : memref<128xi32, #tpu.memory_space<vmem>>) semaphore(%arg13 : memref<!tpu.dma_semaphore, #tpu.memory_space<semaphore_mem>>)
      %dma_wait3A_79 = arith.constant 0 : i32
      %dma_wait3A_80 = tpu.memref_slice %arg8[%scan3A_72, %dma_wait3A_79] : memref<7x128xi32, #tpu.memory_space<vmem>> -> memref<1x128xi32, #tpu.memory_space<vmem>>
      %dma_wait3A_81 = tpu.memref_squeeze %dma_wait3A_80 : memref<1x128xi32, #tpu.memory_space<vmem>> -> memref<128xi32, #tpu.memory_space<vmem>>
      %dma_wait3A_82 = arith.constant 0 : i32
      %dma_wait3A_83 = arith.constant 0 : i32
      %dma_wait3A_84 = tpu.memref_slice %arg3[%dma_wait3A_82, %dma_wait3A_83] : memref<100000x16xf32, #tpu.memory_space<hbm>> -> memref<100000x16xf32, #tpu.memory_space<hbm>>
      tpu.wait_indirect_dma semaphore(%arg13 : memref<!tpu.dma_semaphore, #tpu.memory_space<semaphore_mem>>) src(%dma_wait3A_84 : memref<100000x16xf32, #tpu.memory_space<hbm>>) dst(%arg10 : memref<128x16xf32, #tpu.memory_space<vmem>>)
      %mul3A_85 = arith.constant 128 : i32
      %mul3A_86 = arith.muli %scan3A_72, %mul3A_85 : i32
      %add3A_87 = arith.addi %mul3A_2, %mul3A_86 : i32
      "tpu.region"() ({
        %run_scoped3A = tpu.sem_alloc : memref<!tpu.dma_semaphore, #tpu.memory_space<semaphore_mem>>
        %dma_start3A_88 = arith.constant 0 : i32
        %dma_start3A_89 = tpu.memref_slice %arg7[%add3A_87, %dma_start3A_88] : memref<26624x16xf32, #tpu.memory_space<hbm>> -> memref<128x16xf32, #tpu.memory_space<hbm>>
        %dma_start3A_90 = arith.constant 0 : i32
        %dma_start3A_91 = tpu.memref_slice %arg7[%add3A_87, %dma_start3A_90] : memref<26624x16xf32, #tpu.memory_space<hbm>> -> memref<128x16xf32, #tpu.memory_space<hbm>>
        tpu.enqueue_dma source(%arg10 : memref<128x16xf32, #tpu.memory_space<vmem>>) target(%dma_start3A_91 : memref<128x16xf32, #tpu.memory_space<hbm>>) target_semaphore(%run_scoped3A : memref<!tpu.dma_semaphore, #tpu.memory_space<semaphore_mem>>)
        %dma_wait3A_92 = arith.constant 0 : i32
        %dma_wait3A_93 = tpu.memref_slice %arg7[%add3A_87, %dma_wait3A_92] : memref<26624x16xf32, #tpu.memory_space<hbm>> -> memref<128x16xf32, #tpu.memory_space<hbm>>
        %dma_wait3A_94 = arith.constant 0 : i32
        %dma_wait3A_95 = tpu.memref_slice %arg7[%add3A_87, %dma_wait3A_94] : memref<26624x16xf32, #tpu.memory_space<hbm>> -> memref<128x16xf32, #tpu.memory_space<hbm>>
        tpu.wait_dma2 semaphore(%run_scoped3A : memref<!tpu.dma_semaphore, #tpu.memory_space<semaphore_mem>>) src(%arg10 : memref<128x16xf32, #tpu.memory_space<vmem>>) dst(%dma_wait3A_95 : memref<128x16xf32, #tpu.memory_space<hbm>>)
        tpu.yield
      }) : () -> ()
    }
    %scan3A_55 = arith.constant 6 : i32
    %dma_start3A_56 = arith.constant 6 : i32
    %dma_start3A_57 = arith.constant 0 : i32
    %dma_start3A_58 = tpu.memref_slice %arg8[%dma_start3A_56, %dma_start3A_57] : memref<7x128xi32, #tpu.memory_space<vmem>> -> memref<1x128xi32, #tpu.memory_space<vmem>>
    %dma_start3A_59 = tpu.memref_squeeze %dma_start3A_58 : memref<1x128xi32, #tpu.memory_space<vmem>> -> memref<128xi32, #tpu.memory_space<vmem>>
    %dma_start3A_60 = arith.constant 0 : i32
    %dma_start3A_61 = arith.constant 0 : i32
    %dma_start3A_62 = tpu.memref_slice %arg3[%dma_start3A_60, %dma_start3A_61] : memref<100000x16xf32, #tpu.memory_space<hbm>> -> memref<100000x16xf32, #tpu.memory_space<hbm>>
    tpu.enqueue_indirect_dma source(%dma_start3A_62 : memref<100000x16xf32, #tpu.memory_space<hbm>>) target(%arg10 : memref<128x16xf32, #tpu.memory_space<vmem>>) offsets(%dma_start3A_59 : memref<128xi32, #tpu.memory_space<vmem>>) semaphore(%arg13 : memref<!tpu.dma_semaphore, #tpu.memory_space<semaphore_mem>>)
    %dma_wait3A_63 = arith.constant 6 : i32
    %dma_wait3A_64 = arith.constant 0 : i32
    %dma_wait3A_65 = tpu.memref_slice %arg8[%dma_wait3A_63, %dma_wait3A_64] : memref<7x128xi32, #tpu.memory_space<vmem>> -> memref<1x128xi32, #tpu.memory_space<vmem>>
    %dma_wait3A_66 = tpu.memref_squeeze %dma_wait3A_65 : memref<1x128xi32, #tpu.memory_space<vmem>> -> memref<128xi32, #tpu.memory_space<vmem>>
    %dma_wait3A_67 = arith.constant 0 : i32
    %dma_wait3A_68 = arith.constant 0 : i32
    %dma_wait3A_69 = tpu.memref_slice %arg3[%dma_wait3A_67, %dma_wait3A_68] : memref<100000x16xf32, #tpu.memory_space<hbm>> -> memref<100000x16xf32, #tpu.memory_space<hbm>>
    tpu.wait_indirect_dma semaphore(%arg13 : memref<!tpu.dma_semaphore, #tpu.memory_space<semaphore_mem>>) src(%dma_wait3A_69 : memref<100000x16xf32, #tpu.memory_space<hbm>>) dst(%arg10 : memref<128x16xf32, #tpu.memory_space<vmem>>)
    %add3A_70 = arith.constant 768 : i32
    %add3A_71 = arith.addi %mul3A_2, %add3A_70 : i32
    "tpu.region"() ({
      %run_scoped3A = tpu.sem_alloc : memref<!tpu.dma_semaphore, #tpu.memory_space<semaphore_mem>>
      %dma_start3A_72 = arith.constant 0 : i32
      %dma_start3A_73 = arith.constant 0 : i32
      %dma_start3A_74 = tpu.memref_slice %arg10[%dma_start3A_72, %dma_start3A_73] : memref<128x16xf32, #tpu.memory_space<vmem>> -> memref<64x16xf32, #tpu.memory_space<vmem>>
      %dma_start3A_75 = arith.constant 0 : i32
      %dma_start3A_76 = tpu.memref_slice %arg7[%add3A_71, %dma_start3A_75] : memref<26624x16xf32, #tpu.memory_space<hbm>> -> memref<64x16xf32, #tpu.memory_space<hbm>>
      %dma_start3A_77 = arith.constant 0 : i32
      %dma_start3A_78 = tpu.memref_slice %arg7[%add3A_71, %dma_start3A_77] : memref<26624x16xf32, #tpu.memory_space<hbm>> -> memref<64x16xf32, #tpu.memory_space<hbm>>
      %dma_start3A_79 = arith.constant 0 : i32
      %dma_start3A_80 = arith.constant 0 : i32
      %dma_start3A_81 = tpu.memref_slice %arg10[%dma_start3A_79, %dma_start3A_80] : memref<128x16xf32, #tpu.memory_space<vmem>> -> memref<64x16xf32, #tpu.memory_space<vmem>>
      tpu.enqueue_dma source(%dma_start3A_81 : memref<64x16xf32, #tpu.memory_space<vmem>>) target(%dma_start3A_78 : memref<64x16xf32, #tpu.memory_space<hbm>>) target_semaphore(%run_scoped3A : memref<!tpu.dma_semaphore, #tpu.memory_space<semaphore_mem>>)
      %dma_wait3A_82 = arith.constant 0 : i32
      %dma_wait3A_83 = arith.constant 0 : i32
      %dma_wait3A_84 = tpu.memref_slice %arg10[%dma_wait3A_82, %dma_wait3A_83] : memref<128x16xf32, #tpu.memory_space<vmem>> -> memref<64x16xf32, #tpu.memory_space<vmem>>
      %dma_wait3A_85 = arith.constant 0 : i32
      %dma_wait3A_86 = tpu.memref_slice %arg7[%add3A_71, %dma_wait3A_85] : memref<26624x16xf32, #tpu.memory_space<hbm>> -> memref<64x16xf32, #tpu.memory_space<hbm>>
      %dma_wait3A_87 = arith.constant 0 : i32
      %dma_wait3A_88 = tpu.memref_slice %arg7[%add3A_71, %dma_wait3A_87] : memref<26624x16xf32, #tpu.memory_space<hbm>> -> memref<64x16xf32, #tpu.memory_space<hbm>>
      %dma_wait3A_89 = arith.constant 0 : i32
      %dma_wait3A_90 = arith.constant 0 : i32
      %dma_wait3A_91 = tpu.memref_slice %arg10[%dma_wait3A_89, %dma_wait3A_90] : memref<128x16xf32, #tpu.memory_space<vmem>> -> memref<64x16xf32, #tpu.memory_space<vmem>>
      tpu.wait_dma2 semaphore(%run_scoped3A : memref<!tpu.dma_semaphore, #tpu.memory_space<semaphore_mem>>) src(%dma_wait3A_91 : memref<64x16xf32, #tpu.memory_space<vmem>>) dst(%dma_wait3A_88 : memref<64x16xf32, #tpu.memory_space<hbm>>)
      tpu.yield
    }) : () -> ()
    return
  }
}

#map = affine_map<(d0, d1) -> (0, 0, 0)>
#map1 = affine_map<(d0, d1) -> (0)>
#map2 = affine_map<(d0, d1) -> (0, 0)>
module attributes {stable_mosaic.version = 14 : i64} {
  func.func @k(%arg0: i32, %arg1: i32, %arg2: memref<32x50x128xi32, #tpu.memory_space<hbm>>, %arg3: memref<102400xi32, #tpu.memory_space<hbm>>, %arg4: memref<100000x64xf32, #tpu.memory_space<hbm>>, %arg5: memref<32x32xi32, #tpu.memory_space<hbm>>, %arg6: memref<32x32xi32, #tpu.memory_space<hbm>>, %arg7: memref<204800x64xf32, #tpu.memory_space<hbm>>, %arg8: memref<1024x64xf32, #tpu.memory_space<hbm>>, %arg9: memref<1024x64xf32, #tpu.memory_space<hbm>>, %arg10: memref<50x128xi32, #tpu.memory_space<vmem>>, %arg11: memref<50x128xi32, #tpu.memory_space<vmem>>, %arg12: memref<2x32xi32, #tpu.memory_space<vmem>>, %arg13: memref<8x128x64xf32, #tpu.memory_space<vmem>>, %arg14: memref<32x64xf32, #tpu.memory_space<vmem>>, %arg15: memref<!tpu.dma_semaphore, #tpu.memory_space<semaphore_mem>>, %arg16: memref<!tpu.dma_semaphore, #tpu.memory_space<semaphore_mem>>, %arg17: memref<!tpu.dma_semaphore, #tpu.memory_space<semaphore_mem>>, %arg18: memref<!tpu.dma_semaphore, #tpu.memory_space<semaphore_mem>>, %arg19: memref<!tpu.dma_semaphore, #tpu.memory_space<semaphore_mem>>, %arg20: memref<!tpu.dma_semaphore, #tpu.memory_space<semaphore_mem>>, %arg21: memref<!tpu.dma_semaphore, #tpu.memory_space<semaphore_mem>>, %arg22: memref<!tpu.dma_semaphore, #tpu.memory_space<semaphore_mem>>, %arg23: memref<!tpu.dma_semaphore, #tpu.memory_space<semaphore_mem>>, %arg24: memref<!tpu.dma_semaphore, #tpu.memory_space<semaphore_mem>>, %arg25: memref<!tpu.dma_semaphore, #tpu.memory_space<semaphore_mem>>, %arg26: memref<!tpu.dma_semaphore, #tpu.memory_space<semaphore_mem>>, %arg27: memref<!tpu.dma_semaphore, #tpu.memory_space<semaphore_mem>>, %arg28: memref<!tpu.dma_semaphore, #tpu.memory_space<semaphore_mem>>, %arg29: memref<!tpu.dma_semaphore, #tpu.memory_space<semaphore_mem>>, %arg30: memref<!tpu.dma_semaphore, #tpu.memory_space<semaphore_mem>>, %arg31: memref<!tpu.dma_semaphore, #tpu.memory_space<semaphore_mem>>) attributes {dimension_semantics = [#tpu.dimension_semantics<core_parallel>, #tpu.dimension_semantics<subcore_parallel>], iteration_bounds = array<i64: 2, 16>, scalar_prefetch = 0 : i64, scratch_operands = 22 : i64, tpu.core_type = #tpu.core_type<sc_vector_subcore>, window_params = [{transform_indices = #map}, {transform_indices = #map1}, {transform_indices = #map2}, {transform_indices = #map2}, {transform_indices = #map2}, {transform_indices = #map2}, {transform_indices = #map2}, {transform_indices = #map2}]} {
    %mul3A = arith.constant 2 : i32
    %mul3A_0 = arith.muli %arg1, %mul3A : i32
    %add3A = arith.addi %mul3A_0, %arg0 : i32
    "tpu.region"() ({
      %run_scoped3A_253 = tpu.sem_alloc : memref<!tpu.dma_semaphore, #tpu.memory_space<semaphore_mem>>
      %dma_start3A_254 = arith.constant 0 : i32
      %dma_start3A_255 = arith.constant 0 : i32
      %dma_start3A_256 = tpu.memref_slice %arg2[%add3A, %dma_start3A_254, %dma_start3A_255] : memref<32x50x128xi32, #tpu.memory_space<hbm>> -> memref<1x50x128xi32, #tpu.memory_space<hbm>>
      %dma_start3A_257 = tpu.memref_squeeze %dma_start3A_256 : memref<1x50x128xi32, #tpu.memory_space<hbm>> -> memref<50x128xi32, #tpu.memory_space<hbm>>
      %dma_start3A_258 = arith.constant 0 : i32
      %dma_start3A_259 = arith.constant 0 : i32
      %dma_start3A_260 = tpu.memref_slice %arg2[%add3A, %dma_start3A_258, %dma_start3A_259] : memref<32x50x128xi32, #tpu.memory_space<hbm>> -> memref<1x50x128xi32, #tpu.memory_space<hbm>>
      %dma_start3A_261 = tpu.memref_squeeze %dma_start3A_260 : memref<1x50x128xi32, #tpu.memory_space<hbm>> -> memref<50x128xi32, #tpu.memory_space<hbm>>
      tpu.enqueue_dma source(%dma_start3A_261 : memref<50x128xi32, #tpu.memory_space<hbm>>) target(%arg10 : memref<50x128xi32, #tpu.memory_space<vmem>>) target_semaphore(%run_scoped3A_253 : memref<!tpu.dma_semaphore, #tpu.memory_space<semaphore_mem>>)
      %dma_wait3A_262 = arith.constant 0 : i32
      %dma_wait3A_263 = arith.constant 0 : i32
      %dma_wait3A_264 = tpu.memref_slice %arg2[%add3A, %dma_wait3A_262, %dma_wait3A_263] : memref<32x50x128xi32, #tpu.memory_space<hbm>> -> memref<1x50x128xi32, #tpu.memory_space<hbm>>
      %dma_wait3A_265 = tpu.memref_squeeze %dma_wait3A_264 : memref<1x50x128xi32, #tpu.memory_space<hbm>> -> memref<50x128xi32, #tpu.memory_space<hbm>>
      %dma_wait3A_266 = arith.constant 0 : i32
      %dma_wait3A_267 = arith.constant 0 : i32
      %dma_wait3A_268 = tpu.memref_slice %arg2[%add3A, %dma_wait3A_266, %dma_wait3A_267] : memref<32x50x128xi32, #tpu.memory_space<hbm>> -> memref<1x50x128xi32, #tpu.memory_space<hbm>>
      %dma_wait3A_269 = tpu.memref_squeeze %dma_wait3A_268 : memref<1x50x128xi32, #tpu.memory_space<hbm>> -> memref<50x128xi32, #tpu.memory_space<hbm>>
      tpu.wait_dma2 semaphore(%run_scoped3A_253 : memref<!tpu.dma_semaphore, #tpu.memory_space<semaphore_mem>>) src(%dma_wait3A_269 : memref<50x128xi32, #tpu.memory_space<hbm>>) dst(%arg10 : memref<50x128xi32, #tpu.memory_space<vmem>>)
      tpu.yield
    }) : () -> ()
    %scan3A = arith.constant 0 : i32
    %scan3A_1 = arith.constant 0 : i32
    %scan3A_2 = arith.constant 50 : i32
    %scan3A_3 = arith.addi %scan3A_1, %scan3A_2 : i32
    %scan3A_4 = arith.constant 1 : i32
    scf.for %scan3A_253 = %scan3A_1 to %scan3A_3 step %scan3A_4  : i32 {
      %dma_start3A_254 = arith.constant 0 : i32
      %dma_start3A_255 = tpu.memref_slice %arg11[%scan3A_253, %dma_start3A_254] : memref<50x128xi32, #tpu.memory_space<vmem>> -> memref<1x128xi32, #tpu.memory_space<vmem>>
      %dma_start3A_256 = tpu.memref_squeeze %dma_start3A_255 : memref<1x128xi32, #tpu.memory_space<vmem>> -> memref<128xi32, #tpu.memory_space<vmem>>
      %dma_start3A_257 = arith.constant 0 : i32
      %dma_start3A_258 = tpu.memref_slice %arg10[%scan3A_253, %dma_start3A_257] : memref<50x128xi32, #tpu.memory_space<vmem>> -> memref<1x128xi32, #tpu.memory_space<vmem>>
      %dma_start3A_259 = tpu.memref_squeeze %dma_start3A_258 : memref<1x128xi32, #tpu.memory_space<vmem>> -> memref<128xi32, #tpu.memory_space<vmem>>
      %dma_start3A_260 = arith.constant 0 : i32
      %dma_start3A_261 = tpu.memref_slice %arg3[%dma_start3A_260] : memref<102400xi32, #tpu.memory_space<hbm>> -> memref<102400xi32, #tpu.memory_space<hbm>>
      tpu.enqueue_indirect_dma source(%dma_start3A_261 : memref<102400xi32, #tpu.memory_space<hbm>>) target(%dma_start3A_256 : memref<128xi32, #tpu.memory_space<vmem>>) offsets(%dma_start3A_259 : memref<128xi32, #tpu.memory_space<vmem>>) semaphore(%arg31 : memref<!tpu.dma_semaphore, #tpu.memory_space<semaphore_mem>>)
    }
    %scan3A_5 = arith.constant 50 : i32
    %scan3A_6 = arith.constant 0 : i32
    %scan3A_7 = arith.constant 0 : i32
    %scan3A_8 = arith.constant 50 : i32
    %scan3A_9 = arith.addi %scan3A_7, %scan3A_8 : i32
    %scan3A_10 = arith.constant 1 : i32
    scf.for %scan3A_253 = %scan3A_7 to %scan3A_9 step %scan3A_10  : i32 {
      %dma_wait3A_254 = arith.constant 0 : i32
      %dma_wait3A_255 = tpu.memref_slice %arg11[%scan3A_253, %dma_wait3A_254] : memref<50x128xi32, #tpu.memory_space<vmem>> -> memref<1x128xi32, #tpu.memory_space<vmem>>
      %dma_wait3A_256 = tpu.memref_squeeze %dma_wait3A_255 : memref<1x128xi32, #tpu.memory_space<vmem>> -> memref<128xi32, #tpu.memory_space<vmem>>
      %dma_wait3A_257 = arith.constant 0 : i32
      %dma_wait3A_258 = tpu.memref_slice %arg10[%scan3A_253, %dma_wait3A_257] : memref<50x128xi32, #tpu.memory_space<vmem>> -> memref<1x128xi32, #tpu.memory_space<vmem>>
      %dma_wait3A_259 = tpu.memref_squeeze %dma_wait3A_258 : memref<1x128xi32, #tpu.memory_space<vmem>> -> memref<128xi32, #tpu.memory_space<vmem>>
      %dma_wait3A_260 = arith.constant 0 : i32
      %dma_wait3A_261 = tpu.memref_slice %arg3[%dma_wait3A_260] : memref<102400xi32, #tpu.memory_space<hbm>> -> memref<102400xi32, #tpu.memory_space<hbm>>
      tpu.wait_indirect_dma semaphore(%arg31 : memref<!tpu.dma_semaphore, #tpu.memory_space<semaphore_mem>>) src(%dma_wait3A_261 : memref<102400xi32, #tpu.memory_space<hbm>>) dst(%dma_wait3A_256 : memref<128xi32, #tpu.memory_space<vmem>>)
    }
    %scan3A_11 = arith.constant 50 : i32
    %mul3A_12 = arith.constant 6400 : i32
    %mul3A_13 = arith.muli %add3A, %mul3A_12 : i32
    %dma_start3A = arith.constant 0 : i32
    %dma_start3A_14 = arith.constant 0 : i32
    %dma_start3A_15 = arith.constant 0 : i32
    %dma_start3A_16 = arith.constant 0 : i32
    %dma_start3A_17 = tpu.memref_slice %arg13[%dma_start3A_14, %dma_start3A_15, %dma_start3A_16] : memref<8x128x64xf32, #tpu.memory_space<vmem>> -> memref<1x128x64xf32, #tpu.memory_space<vmem>>
    %dma_start3A_18 = tpu.memref_squeeze %dma_start3A_17 : memref<1x128x64xf32, #tpu.memory_space<vmem>> -> memref<128x64xf32, #tpu.memory_space<vmem>>
    %dma_start3A_19 = arith.constant 0 : i32
    %dma_start3A_20 = tpu.memref_slice %arg11[%dma_start3A, %dma_start3A_19] : memref<50x128xi32, #tpu.memory_space<vmem>> -> memref<1x128xi32, #tpu.memory_space<vmem>>
    %dma_start3A_21 = tpu.memref_squeeze %dma_start3A_20 : memref<1x128xi32, #tpu.memory_space<vmem>> -> memref<128xi32, #tpu.memory_space<vmem>>
    %dma_start3A_22 = arith.constant 0 : i32
    %dma_start3A_23 = arith.constant 0 : i32
    %dma_start3A_24 = tpu.memref_slice %arg4[%dma_start3A_22, %dma_start3A_23] : memref<100000x64xf32, #tpu.memory_space<hbm>> -> memref<100000x64xf32, #tpu.memory_space<hbm>>
    tpu.enqueue_indirect_dma source(%dma_start3A_24 : memref<100000x64xf32, #tpu.memory_space<hbm>>) target(%dma_start3A_18 : memref<128x64xf32, #tpu.memory_space<vmem>>) offsets(%dma_start3A_21 : memref<128xi32, #tpu.memory_space<vmem>>) semaphore(%arg15 : memref<!tpu.dma_semaphore, #tpu.memory_space<semaphore_mem>>)
    %dma_start3A_25 = arith.constant 1 : i32
    %dma_start3A_26 = arith.constant 1 : i32
    %dma_start3A_27 = arith.constant 0 : i32
    %dma_start3A_28 = arith.constant 0 : i32
    %dma_start3A_29 = tpu.memref_slice %arg13[%dma_start3A_26, %dma_start3A_27, %dma_start3A_28] : memref<8x128x64xf32, #tpu.memory_space<vmem>> -> memref<1x128x64xf32, #tpu.memory_space<vmem>>
    %dma_start3A_30 = tpu.memref_squeeze %dma_start3A_29 : memref<1x128x64xf32, #tpu.memory_space<vmem>> -> memref<128x64xf32, #tpu.memory_space<vmem>>
    %dma_start3A_31 = arith.constant 0 : i32
    %dma_start3A_32 = tpu.memref_slice %arg11[%dma_start3A_25, %dma_start3A_31] : memref<50x128xi32, #tpu.memory_space<vmem>> -> memref<1x128xi32, #tpu.memory_space<vmem>>
    %dma_start3A_33 = tpu.memref_squeeze %dma_start3A_32 : memref<1x128xi32, #tpu.memory_space<vmem>> -> memref<128xi32, #tpu.memory_space<vmem>>
    %dma_start3A_34 = arith.constant 0 : i32
    %dma_start3A_35 = arith.constant 0 : i32
    %dma_start3A_36 = tpu.memref_slice %arg4[%dma_start3A_34, %dma_start3A_35] : memref<100000x64xf32, #tpu.memory_space<hbm>> -> memref<100000x64xf32, #tpu.memory_space<hbm>>
    tpu.enqueue_indirect_dma source(%dma_start3A_36 : memref<100000x64xf32, #tpu.memory_space<hbm>>) target(%dma_start3A_30 : memref<128x64xf32, #tpu.memory_space<vmem>>) offsets(%dma_start3A_33 : memref<128xi32, #tpu.memory_space<vmem>>) semaphore(%arg16 : memref<!tpu.dma_semaphore, #tpu.memory_space<semaphore_mem>>)
    %dma_start3A_37 = arith.constant 2 : i32
    %dma_start3A_38 = arith.constant 2 : i32
    %dma_start3A_39 = arith.constant 0 : i32
    %dma_start3A_40 = arith.constant 0 : i32
    %dma_start3A_41 = tpu.memref_slice %arg13[%dma_start3A_38, %dma_start3A_39, %dma_start3A_40] : memref<8x128x64xf32, #tpu.memory_space<vmem>> -> memref<1x128x64xf32, #tpu.memory_space<vmem>>
    %dma_start3A_42 = tpu.memref_squeeze %dma_start3A_41 : memref<1x128x64xf32, #tpu.memory_space<vmem>> -> memref<128x64xf32, #tpu.memory_space<vmem>>
    %dma_start3A_43 = arith.constant 0 : i32
    %dma_start3A_44 = tpu.memref_slice %arg11[%dma_start3A_37, %dma_start3A_43] : memref<50x128xi32, #tpu.memory_space<vmem>> -> memref<1x128xi32, #tpu.memory_space<vmem>>
    %dma_start3A_45 = tpu.memref_squeeze %dma_start3A_44 : memref<1x128xi32, #tpu.memory_space<vmem>> -> memref<128xi32, #tpu.memory_space<vmem>>
    %dma_start3A_46 = arith.constant 0 : i32
    %dma_start3A_47 = arith.constant 0 : i32
    %dma_start3A_48 = tpu.memref_slice %arg4[%dma_start3A_46, %dma_start3A_47] : memref<100000x64xf32, #tpu.memory_space<hbm>> -> memref<100000x64xf32, #tpu.memory_space<hbm>>
    tpu.enqueue_indirect_dma source(%dma_start3A_48 : memref<100000x64xf32, #tpu.memory_space<hbm>>) target(%dma_start3A_42 : memref<128x64xf32, #tpu.memory_space<vmem>>) offsets(%dma_start3A_45 : memref<128xi32, #tpu.memory_space<vmem>>) semaphore(%arg17 : memref<!tpu.dma_semaphore, #tpu.memory_space<semaphore_mem>>)
    %dma_start3A_49 = arith.constant 3 : i32
    %dma_start3A_50 = arith.constant 3 : i32
    %dma_start3A_51 = arith.constant 0 : i32
    %dma_start3A_52 = arith.constant 0 : i32
    %dma_start3A_53 = tpu.memref_slice %arg13[%dma_start3A_50, %dma_start3A_51, %dma_start3A_52] : memref<8x128x64xf32, #tpu.memory_space<vmem>> -> memref<1x128x64xf32, #tpu.memory_space<vmem>>
    %dma_start3A_54 = tpu.memref_squeeze %dma_start3A_53 : memref<1x128x64xf32, #tpu.memory_space<vmem>> -> memref<128x64xf32, #tpu.memory_space<vmem>>
    %dma_start3A_55 = arith.constant 0 : i32
    %dma_start3A_56 = tpu.memref_slice %arg11[%dma_start3A_49, %dma_start3A_55] : memref<50x128xi32, #tpu.memory_space<vmem>> -> memref<1x128xi32, #tpu.memory_space<vmem>>
    %dma_start3A_57 = tpu.memref_squeeze %dma_start3A_56 : memref<1x128xi32, #tpu.memory_space<vmem>> -> memref<128xi32, #tpu.memory_space<vmem>>
    %dma_start3A_58 = arith.constant 0 : i32
    %dma_start3A_59 = arith.constant 0 : i32
    %dma_start3A_60 = tpu.memref_slice %arg4[%dma_start3A_58, %dma_start3A_59] : memref<100000x64xf32, #tpu.memory_space<hbm>> -> memref<100000x64xf32, #tpu.memory_space<hbm>>
    tpu.enqueue_indirect_dma source(%dma_start3A_60 : memref<100000x64xf32, #tpu.memory_space<hbm>>) target(%dma_start3A_54 : memref<128x64xf32, #tpu.memory_space<vmem>>) offsets(%dma_start3A_57 : memref<128xi32, #tpu.memory_space<vmem>>) semaphore(%arg18 : memref<!tpu.dma_semaphore, #tpu.memory_space<semaphore_mem>>)
    %dma_start3A_61 = arith.constant 4 : i32
    %dma_start3A_62 = arith.constant 4 : i32
    %dma_start3A_63 = arith.constant 0 : i32
    %dma_start3A_64 = arith.constant 0 : i32
    %dma_start3A_65 = tpu.memref_slice %arg13[%dma_start3A_62, %dma_start3A_63, %dma_start3A_64] : memref<8x128x64xf32, #tpu.memory_space<vmem>> -> memref<1x128x64xf32, #tpu.memory_space<vmem>>
    %dma_start3A_66 = tpu.memref_squeeze %dma_start3A_65 : memref<1x128x64xf32, #tpu.memory_space<vmem>> -> memref<128x64xf32, #tpu.memory_space<vmem>>
    %dma_start3A_67 = arith.constant 0 : i32
    %dma_start3A_68 = tpu.memref_slice %arg11[%dma_start3A_61, %dma_start3A_67] : memref<50x128xi32, #tpu.memory_space<vmem>> -> memref<1x128xi32, #tpu.memory_space<vmem>>
    %dma_start3A_69 = tpu.memref_squeeze %dma_start3A_68 : memref<1x128xi32, #tpu.memory_space<vmem>> -> memref<128xi32, #tpu.memory_space<vmem>>
    %dma_start3A_70 = arith.constant 0 : i32
    %dma_start3A_71 = arith.constant 0 : i32
    %dma_start3A_72 = tpu.memref_slice %arg4[%dma_start3A_70, %dma_start3A_71] : memref<100000x64xf32, #tpu.memory_space<hbm>> -> memref<100000x64xf32, #tpu.memory_space<hbm>>
    tpu.enqueue_indirect_dma source(%dma_start3A_72 : memref<100000x64xf32, #tpu.memory_space<hbm>>) target(%dma_start3A_66 : memref<128x64xf32, #tpu.memory_space<vmem>>) offsets(%dma_start3A_69 : memref<128xi32, #tpu.memory_space<vmem>>) semaphore(%arg19 : memref<!tpu.dma_semaphore, #tpu.memory_space<semaphore_mem>>)
    %dma_start3A_73 = arith.constant 5 : i32
    %dma_start3A_74 = arith.constant 5 : i32
    %dma_start3A_75 = arith.constant 0 : i32
    %dma_start3A_76 = arith.constant 0 : i32
    %dma_start3A_77 = tpu.memref_slice %arg13[%dma_start3A_74, %dma_start3A_75, %dma_start3A_76] : memref<8x128x64xf32, #tpu.memory_space<vmem>> -> memref<1x128x64xf32, #tpu.memory_space<vmem>>
    %dma_start3A_78 = tpu.memref_squeeze %dma_start3A_77 : memref<1x128x64xf32, #tpu.memory_space<vmem>> -> memref<128x64xf32, #tpu.memory_space<vmem>>
    %dma_start3A_79 = arith.constant 0 : i32
    %dma_start3A_80 = tpu.memref_slice %arg11[%dma_start3A_73, %dma_start3A_79] : memref<50x128xi32, #tpu.memory_space<vmem>> -> memref<1x128xi32, #tpu.memory_space<vmem>>
    %dma_start3A_81 = tpu.memref_squeeze %dma_start3A_80 : memref<1x128xi32, #tpu.memory_space<vmem>> -> memref<128xi32, #tpu.memory_space<vmem>>
    %dma_start3A_82 = arith.constant 0 : i32
    %dma_start3A_83 = arith.constant 0 : i32
    %dma_start3A_84 = tpu.memref_slice %arg4[%dma_start3A_82, %dma_start3A_83] : memref<100000x64xf32, #tpu.memory_space<hbm>> -> memref<100000x64xf32, #tpu.memory_space<hbm>>
    tpu.enqueue_indirect_dma source(%dma_start3A_84 : memref<100000x64xf32, #tpu.memory_space<hbm>>) target(%dma_start3A_78 : memref<128x64xf32, #tpu.memory_space<vmem>>) offsets(%dma_start3A_81 : memref<128xi32, #tpu.memory_space<vmem>>) semaphore(%arg20 : memref<!tpu.dma_semaphore, #tpu.memory_space<semaphore_mem>>)
    %dma_start3A_85 = arith.constant 6 : i32
    %dma_start3A_86 = arith.constant 6 : i32
    %dma_start3A_87 = arith.constant 0 : i32
    %dma_start3A_88 = arith.constant 0 : i32
    %dma_start3A_89 = tpu.memref_slice %arg13[%dma_start3A_86, %dma_start3A_87, %dma_start3A_88] : memref<8x128x64xf32, #tpu.memory_space<vmem>> -> memref<1x128x64xf32, #tpu.memory_space<vmem>>
    %dma_start3A_90 = tpu.memref_squeeze %dma_start3A_89 : memref<1x128x64xf32, #tpu.memory_space<vmem>> -> memref<128x64xf32, #tpu.memory_space<vmem>>
    %dma_start3A_91 = arith.constant 0 : i32
    %dma_start3A_92 = tpu.memref_slice %arg11[%dma_start3A_85, %dma_start3A_91] : memref<50x128xi32, #tpu.memory_space<vmem>> -> memref<1x128xi32, #tpu.memory_space<vmem>>
    %dma_start3A_93 = tpu.memref_squeeze %dma_start3A_92 : memref<1x128xi32, #tpu.memory_space<vmem>> -> memref<128xi32, #tpu.memory_space<vmem>>
    %dma_start3A_94 = arith.constant 0 : i32
    %dma_start3A_95 = arith.constant 0 : i32
    %dma_start3A_96 = tpu.memref_slice %arg4[%dma_start3A_94, %dma_start3A_95] : memref<100000x64xf32, #tpu.memory_space<hbm>> -> memref<100000x64xf32, #tpu.memory_space<hbm>>
    tpu.enqueue_indirect_dma source(%dma_start3A_96 : memref<100000x64xf32, #tpu.memory_space<hbm>>) target(%dma_start3A_90 : memref<128x64xf32, #tpu.memory_space<vmem>>) offsets(%dma_start3A_93 : memref<128xi32, #tpu.memory_space<vmem>>) semaphore(%arg21 : memref<!tpu.dma_semaphore, #tpu.memory_space<semaphore_mem>>)
    %scan3A_97 = arith.constant 0 : i32
    %scan3A_98 = arith.constant 0 : i32
    %scan3A_99 = arith.constant 50 : i32
    %scan3A_100 = arith.addi %scan3A_98, %scan3A_99 : i32
    %scan3A_101 = arith.constant 1 : i32
    scf.for %scan3A_253 = %scan3A_98 to %scan3A_100 step %scan3A_101  : i32 {
      %rem3A = arith.constant 8 : i32
      %rem3A_254 = arith.remsi %scan3A_253, %rem3A : i32
      %eq3A = arith.constant 0 : i32
      %eq3A_255 = arith.cmpi eq, %rem3A_254, %eq3A : i32
      %convert_element_type3A = arith.extui %eq3A_255 : i1 to i32
      %cond3A = arith.constant 0 : i32
      %cond3A_256 = arith.cmpi ne, %convert_element_type3A, %cond3A : i32
      scf.if %cond3A_256 {
        %dma_wait3A_306 = arith.constant 0 : i32
        %dma_wait3A_307 = arith.constant 0 : i32
        %dma_wait3A_308 = arith.constant 0 : i32
        %dma_wait3A_309 = tpu.memref_slice %arg13[%dma_wait3A_306, %dma_wait3A_307, %dma_wait3A_308] : memref<8x128x64xf32, #tpu.memory_space<vmem>> -> memref<1x128x64xf32, #tpu.memory_space<vmem>>
        %dma_wait3A_310 = tpu.memref_squeeze %dma_wait3A_309 : memref<1x128x64xf32, #tpu.memory_space<vmem>> -> memref<128x64xf32, #tpu.memory_space<vmem>>
        %dma_wait3A_311 = arith.constant 0 : i32
        %dma_wait3A_312 = tpu.memref_slice %arg11[%scan3A_253, %dma_wait3A_311] : memref<50x128xi32, #tpu.memory_space<vmem>> -> memref<1x128xi32, #tpu.memory_space<vmem>>
        %dma_wait3A_313 = tpu.memref_squeeze %dma_wait3A_312 : memref<1x128xi32, #tpu.memory_space<vmem>> -> memref<128xi32, #tpu.memory_space<vmem>>
        %dma_wait3A_314 = arith.constant 0 : i32
        %dma_wait3A_315 = arith.constant 0 : i32
        %dma_wait3A_316 = tpu.memref_slice %arg4[%dma_wait3A_314, %dma_wait3A_315] : memref<100000x64xf32, #tpu.memory_space<hbm>> -> memref<100000x64xf32, #tpu.memory_space<hbm>>
        tpu.wait_indirect_dma semaphore(%arg15 : memref<!tpu.dma_semaphore, #tpu.memory_space<semaphore_mem>>) src(%dma_wait3A_316 : memref<100000x64xf32, #tpu.memory_space<hbm>>) dst(%dma_wait3A_310 : memref<128x64xf32, #tpu.memory_space<vmem>>)
        %add3A_317 = arith.constant 8 : i32
        %add3A_318 = arith.addi %scan3A_253, %add3A_317 : i32
        %sub3A = arith.constant 1 : i32
        %sub3A_319 = arith.subi %add3A_318, %sub3A : i32
        %lt3A = arith.constant 50 : i32
        %lt3A_320 = arith.cmpi slt, %sub3A_319, %lt3A : i32
        %convert_element_type3A_321 = arith.extui %lt3A_320 : i1 to i32
        %cond3A_322 = arith.constant 0 : i32
        %cond3A_323 = arith.cmpi ne, %convert_element_type3A_321, %cond3A_322 : i32
        scf.if %cond3A_323 {
          %ge3A = arith.constant 1 : i32
          %ge3A_340 = arith.cmpi sge, %scan3A_253, %ge3A : i32
          %convert_element_type3A_341 = arith.extui %ge3A_340 : i1 to i32
          %cond3A_342 = arith.constant 0 : i32
          %cond3A_343 = arith.cmpi ne, %convert_element_type3A_341, %cond3A_342 : i32
          scf.if %cond3A_343 {
            %sub3A_359 = arith.constant 1 : i32
            %sub3A_360 = arith.subi %scan3A_253, %sub3A_359 : i32
            %mul3A_361 = arith.constant 128 : i32
            %mul3A_362 = arith.muli %sub3A_360, %mul3A_361 : i32
            %add3A_363 = arith.addi %mul3A_13, %mul3A_362 : i32
            %dma_wait3A_364 = arith.constant 7 : i32
            %dma_wait3A_365 = arith.constant 0 : i32
            %dma_wait3A_366 = arith.constant 0 : i32
            %dma_wait3A_367 = tpu.memref_slice %arg13[%dma_wait3A_364, %dma_wait3A_365, %dma_wait3A_366] : memref<8x128x64xf32, #tpu.memory_space<vmem>> -> memref<1x128x64xf32, #tpu.memory_space<vmem>>
            %dma_wait3A_368 = tpu.memref_squeeze %dma_wait3A_367 : memref<1x128x64xf32, #tpu.memory_space<vmem>> -> memref<128x64xf32, #tpu.memory_space<vmem>>
            %dma_wait3A_369 = arith.constant 0 : i32
            %dma_wait3A_370 = tpu.memref_slice %arg7[%add3A_363, %dma_wait3A_369] : memref<204800x64xf32, #tpu.memory_space<hbm>> -> memref<128x64xf32, #tpu.memory_space<hbm>>
            %dma_wait3A_371 = arith.constant 0 : i32
            %dma_wait3A_372 = tpu.memref_slice %arg7[%add3A_363, %dma_wait3A_371] : memref<204800x64xf32, #tpu.memory_space<hbm>> -> memref<128x64xf32, #tpu.memory_space<hbm>>
            %dma_wait3A_373 = arith.constant 0 : i32
            %dma_wait3A_374 = arith.constant 0 : i32
            %dma_wait3A_375 = tpu.memref_slice %arg13[%dma_wait3A_364, %dma_wait3A_373, %dma_wait3A_374] : memref<8x128x64xf32, #tpu.memory_space<vmem>> -> memref<1x128x64xf32, #tpu.memory_space<vmem>>
            %dma_wait3A_376 = tpu.memref_squeeze %dma_wait3A_375 : memref<1x128x64xf32, #tpu.memory_space<vmem>> -> memref<128x64xf32, #tpu.memory_space<vmem>>
            tpu.wait_dma2 semaphore(%arg30 : memref<!tpu.dma_semaphore, #tpu.memory_space<semaphore_mem>>) src(%dma_wait3A_376 : memref<128x64xf32, #tpu.memory_space<vmem>>) dst(%dma_wait3A_372 : memref<128x64xf32, #tpu.memory_space<hbm>>)
          } else {
          }
          %add3A_344 = arith.constant 8 : i32
          %add3A_345 = arith.addi %scan3A_253, %add3A_344 : i32
          %sub3A_346 = arith.constant 1 : i32
          %sub3A_347 = arith.subi %add3A_345, %sub3A_346 : i32
          %dma_start3A_348 = arith.constant 7 : i32
          %dma_start3A_349 = arith.constant 0 : i32
          %dma_start3A_350 = arith.constant 0 : i32
          %dma_start3A_351 = tpu.memref_slice %arg13[%dma_start3A_348, %dma_start3A_349, %dma_start3A_350] : memref<8x128x64xf32, #tpu.memory_space<vmem>> -> memref<1x128x64xf32, #tpu.memory_space<vmem>>
          %dma_start3A_352 = tpu.memref_squeeze %dma_start3A_351 : memref<1x128x64xf32, #tpu.memory_space<vmem>> -> memref<128x64xf32, #tpu.memory_space<vmem>>
          %dma_start3A_353 = arith.constant 0 : i32
          %dma_start3A_354 = tpu.memref_slice %arg11[%sub3A_347, %dma_start3A_353] : memref<50x128xi32, #tpu.memory_space<vmem>> -> memref<1x128xi32, #tpu.memory_space<vmem>>
          %dma_start3A_355 = tpu.memref_squeeze %dma_start3A_354 : memref<1x128xi32, #tpu.memory_space<vmem>> -> memref<128xi32, #tpu.memory_space<vmem>>
          %dma_start3A_356 = arith.constant 0 : i32
          %dma_start3A_357 = arith.constant 0 : i32
          %dma_start3A_358 = tpu.memref_slice %arg4[%dma_start3A_356, %dma_start3A_357] : memref<100000x64xf32, #tpu.memory_space<hbm>> -> memref<100000x64xf32, #tpu.memory_space<hbm>>
          tpu.enqueue_indirect_dma source(%dma_start3A_358 : memref<100000x64xf32, #tpu.memory_space<hbm>>) target(%dma_start3A_352 : memref<128x64xf32, #tpu.memory_space<vmem>>) offsets(%dma_start3A_355 : memref<128xi32, #tpu.memory_space<vmem>>) semaphore(%arg22 : memref<!tpu.dma_semaphore, #tpu.memory_space<semaphore_mem>>)
        } else {
        }
        %mul3A_324 = arith.constant 128 : i32
        %mul3A_325 = arith.muli %scan3A_253, %mul3A_324 : i32
        %add3A_326 = arith.addi %mul3A_13, %mul3A_325 : i32
        %dma_start3A_327 = arith.constant 0 : i32
        %dma_start3A_328 = arith.constant 0 : i32
        %dma_start3A_329 = arith.constant 0 : i32
        %dma_start3A_330 = tpu.memref_slice %arg13[%dma_start3A_327, %dma_start3A_328, %dma_start3A_329] : memref<8x128x64xf32, #tpu.memory_space<vmem>> -> memref<1x128x64xf32, #tpu.memory_space<vmem>>
        %dma_start3A_331 = tpu.memref_squeeze %dma_start3A_330 : memref<1x128x64xf32, #tpu.memory_space<vmem>> -> memref<128x64xf32, #tpu.memory_space<vmem>>
        %dma_start3A_332 = arith.constant 0 : i32
        %dma_start3A_333 = tpu.memref_slice %arg7[%add3A_326, %dma_start3A_332] : memref<204800x64xf32, #tpu.memory_space<hbm>> -> memref<128x64xf32, #tpu.memory_space<hbm>>
        %dma_start3A_334 = arith.constant 0 : i32
        %dma_start3A_335 = tpu.memref_slice %arg7[%add3A_326, %dma_start3A_334] : memref<204800x64xf32, #tpu.memory_space<hbm>> -> memref<128x64xf32, #tpu.memory_space<hbm>>
        %dma_start3A_336 = arith.constant 0 : i32
        %dma_start3A_337 = arith.constant 0 : i32
        %dma_start3A_338 = tpu.memref_slice %arg13[%dma_start3A_327, %dma_start3A_336, %dma_start3A_337] : memref<8x128x64xf32, #tpu.memory_space<vmem>> -> memref<1x128x64xf32, #tpu.memory_space<vmem>>
        %dma_start3A_339 = tpu.memref_squeeze %dma_start3A_338 : memref<1x128x64xf32, #tpu.memory_space<vmem>> -> memref<128x64xf32, #tpu.memory_space<vmem>>
        tpu.enqueue_dma source(%dma_start3A_339 : memref<128x64xf32, #tpu.memory_space<vmem>>) target(%dma_start3A_335 : memref<128x64xf32, #tpu.memory_space<hbm>>) target_semaphore(%arg23 : memref<!tpu.dma_semaphore, #tpu.memory_space<semaphore_mem>>)
      } else {
      }
      %rem3A_257 = arith.constant 8 : i32
      %rem3A_258 = arith.remsi %scan3A_253, %rem3A_257 : i32
      %eq3A_259 = arith.constant 1 : i32
      %eq3A_260 = arith.cmpi eq, %rem3A_258, %eq3A_259 : i32
      %convert_element_type3A_261 = arith.extui %eq3A_260 : i1 to i32
      %cond3A_262 = arith.constant 0 : i32
      %cond3A_263 = arith.cmpi ne, %convert_element_type3A_261, %cond3A_262 : i32
      scf.if %cond3A_263 {
        %dma_wait3A_306 = arith.constant 1 : i32
        %dma_wait3A_307 = arith.constant 0 : i32
        %dma_wait3A_308 = arith.constant 0 : i32
        %dma_wait3A_309 = tpu.memref_slice %arg13[%dma_wait3A_306, %dma_wait3A_307, %dma_wait3A_308] : memref<8x128x64xf32, #tpu.memory_space<vmem>> -> memref<1x128x64xf32, #tpu.memory_space<vmem>>
        %dma_wait3A_310 = tpu.memref_squeeze %dma_wait3A_309 : memref<1x128x64xf32, #tpu.memory_space<vmem>> -> memref<128x64xf32, #tpu.memory_space<vmem>>
        %dma_wait3A_311 = arith.constant 0 : i32
        %dma_wait3A_312 = tpu.memref_slice %arg11[%scan3A_253, %dma_wait3A_311] : memref<50x128xi32, #tpu.memory_space<vmem>> -> memref<1x128xi32, #tpu.memory_space<vmem>>
        %dma_wait3A_313 = tpu.memref_squeeze %dma_wait3A_312 : memref<1x128xi32, #tpu.memory_space<vmem>> -> memref<128xi32, #tpu.memory_space<vmem>>
        %dma_wait3A_314 = arith.constant 0 : i32
        %dma_wait3A_315 = arith.constant 0 : i32
        %dma_wait3A_316 = tpu.memref_slice %arg4[%dma_wait3A_314, %dma_wait3A_315] : memref<100000x64xf32, #tpu.memory_space<hbm>> -> memref<100000x64xf32, #tpu.memory_space<hbm>>
        tpu.wait_indirect_dma semaphore(%arg16 : memref<!tpu.dma_semaphore, #tpu.memory_space<semaphore_mem>>) src(%dma_wait3A_316 : memref<100000x64xf32, #tpu.memory_space<hbm>>) dst(%dma_wait3A_310 : memref<128x64xf32, #tpu.memory_space<vmem>>)
        %add3A_317 = arith.constant 8 : i32
        %add3A_318 = arith.addi %scan3A_253, %add3A_317 : i32
        %sub3A = arith.constant 1 : i32
        %sub3A_319 = arith.subi %add3A_318, %sub3A : i32
        %lt3A = arith.constant 50 : i32
        %lt3A_320 = arith.cmpi slt, %sub3A_319, %lt3A : i32
        %convert_element_type3A_321 = arith.extui %lt3A_320 : i1 to i32
        %cond3A_322 = arith.constant 0 : i32
        %cond3A_323 = arith.cmpi ne, %convert_element_type3A_321, %cond3A_322 : i32
        scf.if %cond3A_323 {
          %ge3A = arith.constant 1 : i32
          %ge3A_340 = arith.cmpi sge, %scan3A_253, %ge3A : i32
          %convert_element_type3A_341 = arith.extui %ge3A_340 : i1 to i32
          %cond3A_342 = arith.constant 0 : i32
          %cond3A_343 = arith.cmpi ne, %convert_element_type3A_341, %cond3A_342 : i32
          scf.if %cond3A_343 {
            %sub3A_359 = arith.constant 1 : i32
            %sub3A_360 = arith.subi %scan3A_253, %sub3A_359 : i32
            %mul3A_361 = arith.constant 128 : i32
            %mul3A_362 = arith.muli %sub3A_360, %mul3A_361 : i32
            %add3A_363 = arith.addi %mul3A_13, %mul3A_362 : i32
            %dma_wait3A_364 = arith.constant 0 : i32
            %dma_wait3A_365 = arith.constant 0 : i32
            %dma_wait3A_366 = arith.constant 0 : i32
            %dma_wait3A_367 = tpu.memref_slice %arg13[%dma_wait3A_364, %dma_wait3A_365, %dma_wait3A_366] : memref<8x128x64xf32, #tpu.memory_space<vmem>> -> memref<1x128x64xf32, #tpu.memory_space<vmem>>
            %dma_wait3A_368 = tpu.memref_squeeze %dma_wait3A_367 : memref<1x128x64xf32, #tpu.memory_space<vmem>> -> memref<128x64xf32, #tpu.memory_space<vmem>>
            %dma_wait3A_369 = arith.constant 0 : i32
            %dma_wait3A_370 = tpu.memref_slice %arg7[%add3A_363, %dma_wait3A_369] : memref<204800x64xf32, #tpu.memory_space<hbm>> -> memref<128x64xf32, #tpu.memory_space<hbm>>
            %dma_wait3A_371 = arith.constant 0 : i32
            %dma_wait3A_372 = tpu.memref_slice %arg7[%add3A_363, %dma_wait3A_371] : memref<204800x64xf32, #tpu.memory_space<hbm>> -> memref<128x64xf32, #tpu.memory_space<hbm>>
            %dma_wait3A_373 = arith.constant 0 : i32
            %dma_wait3A_374 = arith.constant 0 : i32
            %dma_wait3A_375 = tpu.memref_slice %arg13[%dma_wait3A_364, %dma_wait3A_373, %dma_wait3A_374] : memref<8x128x64xf32, #tpu.memory_space<vmem>> -> memref<1x128x64xf32, #tpu.memory_space<vmem>>
            %dma_wait3A_376 = tpu.memref_squeeze %dma_wait3A_375 : memref<1x128x64xf32, #tpu.memory_space<vmem>> -> memref<128x64xf32, #tpu.memory_space<vmem>>
            tpu.wait_dma2 semaphore(%arg23 : memref<!tpu.dma_semaphore, #tpu.memory_space<semaphore_mem>>) src(%dma_wait3A_376 : memref<128x64xf32, #tpu.memory_space<vmem>>) dst(%dma_wait3A_372 : memref<128x64xf32, #tpu.memory_space<hbm>>)
          } else {
          }
          %add3A_344 = arith.constant 8 : i32
          %add3A_345 = arith.addi %scan3A_253, %add3A_344 : i32
          %sub3A_346 = arith.constant 1 : i32
          %sub3A_347 = arith.subi %add3A_345, %sub3A_346 : i32
          %dma_start3A_348 = arith.constant 0 : i32
          %dma_start3A_349 = arith.constant 0 : i32
          %dma_start3A_350 = arith.constant 0 : i32
          %dma_start3A_351 = tpu.memref_slice %arg13[%dma_start3A_348, %dma_start3A_349, %dma_start3A_350] : memref<8x128x64xf32, #tpu.memory_space<vmem>> -> memref<1x128x64xf32, #tpu.memory_space<vmem>>
          %dma_start3A_352 = tpu.memref_squeeze %dma_start3A_351 : memref<1x128x64xf32, #tpu.memory_space<vmem>> -> memref<128x64xf32, #tpu.memory_space<vmem>>
          %dma_start3A_353 = arith.constant 0 : i32
          %dma_start3A_354 = tpu.memref_slice %arg11[%sub3A_347, %dma_start3A_353] : memref<50x128xi32, #tpu.memory_space<vmem>> -> memref<1x128xi32, #tpu.memory_space<vmem>>
          %dma_start3A_355 = tpu.memref_squeeze %dma_start3A_354 : memref<1x128xi32, #tpu.memory_space<vmem>> -> memref<128xi32, #tpu.memory_space<vmem>>
          %dma_start3A_356 = arith.constant 0 : i32
          %dma_start3A_357 = arith.constant 0 : i32
          %dma_start3A_358 = tpu.memref_slice %arg4[%dma_start3A_356, %dma_start3A_357] : memref<100000x64xf32, #tpu.memory_space<hbm>> -> memref<100000x64xf32, #tpu.memory_space<hbm>>
          tpu.enqueue_indirect_dma source(%dma_start3A_358 : memref<100000x64xf32, #tpu.memory_space<hbm>>) target(%dma_start3A_352 : memref<128x64xf32, #tpu.memory_space<vmem>>) offsets(%dma_start3A_355 : memref<128xi32, #tpu.memory_space<vmem>>) semaphore(%arg15 : memref<!tpu.dma_semaphore, #tpu.memory_space<semaphore_mem>>)
        } else {
        }
        %mul3A_324 = arith.constant 128 : i32
        %mul3A_325 = arith.muli %scan3A_253, %mul3A_324 : i32
        %add3A_326 = arith.addi %mul3A_13, %mul3A_325 : i32
        %dma_start3A_327 = arith.constant 1 : i32
        %dma_start3A_328 = arith.constant 0 : i32
        %dma_start3A_329 = arith.constant 0 : i32
        %dma_start3A_330 = tpu.memref_slice %arg13[%dma_start3A_327, %dma_start3A_328, %dma_start3A_329] : memref<8x128x64xf32, #tpu.memory_space<vmem>> -> memref<1x128x64xf32, #tpu.memory_space<vmem>>
        %dma_start3A_331 = tpu.memref_squeeze %dma_start3A_330 : memref<1x128x64xf32, #tpu.memory_space<vmem>> -> memref<128x64xf32, #tpu.memory_space<vmem>>
        %dma_start3A_332 = arith.constant 0 : i32
        %dma_start3A_333 = tpu.memref_slice %arg7[%add3A_326, %dma_start3A_332] : memref<204800x64xf32, #tpu.memory_space<hbm>> -> memref<128x64xf32, #tpu.memory_space<hbm>>
        %dma_start3A_334 = arith.constant 0 : i32
        %dma_start3A_335 = tpu.memref_slice %arg7[%add3A_326, %dma_start3A_334] : memref<204800x64xf32, #tpu.memory_space<hbm>> -> memref<128x64xf32, #tpu.memory_space<hbm>>
        %dma_start3A_336 = arith.constant 0 : i32
        %dma_start3A_337 = arith.constant 0 : i32
        %dma_start3A_338 = tpu.memref_slice %arg13[%dma_start3A_327, %dma_start3A_336, %dma_start3A_337] : memref<8x128x64xf32, #tpu.memory_space<vmem>> -> memref<1x128x64xf32, #tpu.memory_space<vmem>>
        %dma_start3A_339 = tpu.memref_squeeze %dma_start3A_338 : memref<1x128x64xf32, #tpu.memory_space<vmem>> -> memref<128x64xf32, #tpu.memory_space<vmem>>
        tpu.enqueue_dma source(%dma_start3A_339 : memref<128x64xf32, #tpu.memory_space<vmem>>) target(%dma_start3A_335 : memref<128x64xf32, #tpu.memory_space<hbm>>) target_semaphore(%arg24 : memref<!tpu.dma_semaphore, #tpu.memory_space<semaphore_mem>>)
      } else {
      }
      %rem3A_264 = arith.constant 8 : i32
      %rem3A_265 = arith.remsi %scan3A_253, %rem3A_264 : i32
      %eq3A_266 = arith.constant 2 : i32
      %eq3A_267 = arith.cmpi eq, %rem3A_265, %eq3A_266 : i32
      %convert_element_type3A_268 = arith.extui %eq3A_267 : i1 to i32
      %cond3A_269 = arith.constant 0 : i32
      %cond3A_270 = arith.cmpi ne, %convert_element_type3A_268, %cond3A_269 : i32
      scf.if %cond3A_270 {
        %dma_wait3A_306 = arith.constant 2 : i32
        %dma_wait3A_307 = arith.constant 0 : i32
        %dma_wait3A_308 = arith.constant 0 : i32
        %dma_wait3A_309 = tpu.memref_slice %arg13[%dma_wait3A_306, %dma_wait3A_307, %dma_wait3A_308] : memref<8x128x64xf32, #tpu.memory_space<vmem>> -> memref<1x128x64xf32, #tpu.memory_space<vmem>>
        %dma_wait3A_310 = tpu.memref_squeeze %dma_wait3A_309 : memref<1x128x64xf32, #tpu.memory_space<vmem>> -> memref<128x64xf32, #tpu.memory_space<vmem>>
        %dma_wait3A_311 = arith.constant 0 : i32
        %dma_wait3A_312 = tpu.memref_slice %arg11[%scan3A_253, %dma_wait3A_311] : memref<50x128xi32, #tpu.memory_space<vmem>> -> memref<1x128xi32, #tpu.memory_space<vmem>>
        %dma_wait3A_313 = tpu.memref_squeeze %dma_wait3A_312 : memref<1x128xi32, #tpu.memory_space<vmem>> -> memref<128xi32, #tpu.memory_space<vmem>>
        %dma_wait3A_314 = arith.constant 0 : i32
        %dma_wait3A_315 = arith.constant 0 : i32
        %dma_wait3A_316 = tpu.memref_slice %arg4[%dma_wait3A_314, %dma_wait3A_315] : memref<100000x64xf32, #tpu.memory_space<hbm>> -> memref<100000x64xf32, #tpu.memory_space<hbm>>
        tpu.wait_indirect_dma semaphore(%arg17 : memref<!tpu.dma_semaphore, #tpu.memory_space<semaphore_mem>>) src(%dma_wait3A_316 : memref<100000x64xf32, #tpu.memory_space<hbm>>) dst(%dma_wait3A_310 : memref<128x64xf32, #tpu.memory_space<vmem>>)
        %add3A_317 = arith.constant 8 : i32
        %add3A_318 = arith.addi %scan3A_253, %add3A_317 : i32
        %sub3A = arith.constant 1 : i32
        %sub3A_319 = arith.subi %add3A_318, %sub3A : i32
        %lt3A = arith.constant 50 : i32
        %lt3A_320 = arith.cmpi slt, %sub3A_319, %lt3A : i32
        %convert_element_type3A_321 = arith.extui %lt3A_320 : i1 to i32
        %cond3A_322 = arith.constant 0 : i32
        %cond3A_323 = arith.cmpi ne, %convert_element_type3A_321, %cond3A_322 : i32
        scf.if %cond3A_323 {
          %ge3A = arith.constant 1 : i32
          %ge3A_340 = arith.cmpi sge, %scan3A_253, %ge3A : i32
          %convert_element_type3A_341 = arith.extui %ge3A_340 : i1 to i32
          %cond3A_342 = arith.constant 0 : i32
          %cond3A_343 = arith.cmpi ne, %convert_element_type3A_341, %cond3A_342 : i32
          scf.if %cond3A_343 {
            %sub3A_359 = arith.constant 1 : i32
            %sub3A_360 = arith.subi %scan3A_253, %sub3A_359 : i32
            %mul3A_361 = arith.constant 128 : i32
            %mul3A_362 = arith.muli %sub3A_360, %mul3A_361 : i32
            %add3A_363 = arith.addi %mul3A_13, %mul3A_362 : i32
            %dma_wait3A_364 = arith.constant 1 : i32
            %dma_wait3A_365 = arith.constant 0 : i32
            %dma_wait3A_366 = arith.constant 0 : i32
            %dma_wait3A_367 = tpu.memref_slice %arg13[%dma_wait3A_364, %dma_wait3A_365, %dma_wait3A_366] : memref<8x128x64xf32, #tpu.memory_space<vmem>> -> memref<1x128x64xf32, #tpu.memory_space<vmem>>
            %dma_wait3A_368 = tpu.memref_squeeze %dma_wait3A_367 : memref<1x128x64xf32, #tpu.memory_space<vmem>> -> memref<128x64xf32, #tpu.memory_space<vmem>>
            %dma_wait3A_369 = arith.constant 0 : i32
            %dma_wait3A_370 = tpu.memref_slice %arg7[%add3A_363, %dma_wait3A_369] : memref<204800x64xf32, #tpu.memory_space<hbm>> -> memref<128x64xf32, #tpu.memory_space<hbm>>
            %dma_wait3A_371 = arith.constant 0 : i32
            %dma_wait3A_372 = tpu.memref_slice %arg7[%add3A_363, %dma_wait3A_371] : memref<204800x64xf32, #tpu.memory_space<hbm>> -> memref<128x64xf32, #tpu.memory_space<hbm>>
            %dma_wait3A_373 = arith.constant 0 : i32
            %dma_wait3A_374 = arith.constant 0 : i32
            %dma_wait3A_375 = tpu.memref_slice %arg13[%dma_wait3A_364, %dma_wait3A_373, %dma_wait3A_374] : memref<8x128x64xf32, #tpu.memory_space<vmem>> -> memref<1x128x64xf32, #tpu.memory_space<vmem>>
            %dma_wait3A_376 = tpu.memref_squeeze %dma_wait3A_375 : memref<1x128x64xf32, #tpu.memory_space<vmem>> -> memref<128x64xf32, #tpu.memory_space<vmem>>
            tpu.wait_dma2 semaphore(%arg24 : memref<!tpu.dma_semaphore, #tpu.memory_space<semaphore_mem>>) src(%dma_wait3A_376 : memref<128x64xf32, #tpu.memory_space<vmem>>) dst(%dma_wait3A_372 : memref<128x64xf32, #tpu.memory_space<hbm>>)
          } else {
          }
          %add3A_344 = arith.constant 8 : i32
          %add3A_345 = arith.addi %scan3A_253, %add3A_344 : i32
          %sub3A_346 = arith.constant 1 : i32
          %sub3A_347 = arith.subi %add3A_345, %sub3A_346 : i32
          %dma_start3A_348 = arith.constant 1 : i32
          %dma_start3A_349 = arith.constant 0 : i32
          %dma_start3A_350 = arith.constant 0 : i32
          %dma_start3A_351 = tpu.memref_slice %arg13[%dma_start3A_348, %dma_start3A_349, %dma_start3A_350] : memref<8x128x64xf32, #tpu.memory_space<vmem>> -> memref<1x128x64xf32, #tpu.memory_space<vmem>>
          %dma_start3A_352 = tpu.memref_squeeze %dma_start3A_351 : memref<1x128x64xf32, #tpu.memory_space<vmem>> -> memref<128x64xf32, #tpu.memory_space<vmem>>
          %dma_start3A_353 = arith.constant 0 : i32
          %dma_start3A_354 = tpu.memref_slice %arg11[%sub3A_347, %dma_start3A_353] : memref<50x128xi32, #tpu.memory_space<vmem>> -> memref<1x128xi32, #tpu.memory_space<vmem>>
          %dma_start3A_355 = tpu.memref_squeeze %dma_start3A_354 : memref<1x128xi32, #tpu.memory_space<vmem>> -> memref<128xi32, #tpu.memory_space<vmem>>
          %dma_start3A_356 = arith.constant 0 : i32
          %dma_start3A_357 = arith.constant 0 : i32
          %dma_start3A_358 = tpu.memref_slice %arg4[%dma_start3A_356, %dma_start3A_357] : memref<100000x64xf32, #tpu.memory_space<hbm>> -> memref<100000x64xf32, #tpu.memory_space<hbm>>
          tpu.enqueue_indirect_dma source(%dma_start3A_358 : memref<100000x64xf32, #tpu.memory_space<hbm>>) target(%dma_start3A_352 : memref<128x64xf32, #tpu.memory_space<vmem>>) offsets(%dma_start3A_355 : memref<128xi32, #tpu.memory_space<vmem>>) semaphore(%arg16 : memref<!tpu.dma_semaphore, #tpu.memory_space<semaphore_mem>>)
        } else {
        }
        %mul3A_324 = arith.constant 128 : i32
        %mul3A_325 = arith.muli %scan3A_253, %mul3A_324 : i32
        %add3A_326 = arith.addi %mul3A_13, %mul3A_325 : i32
        %dma_start3A_327 = arith.constant 2 : i32
        %dma_start3A_328 = arith.constant 0 : i32
        %dma_start3A_329 = arith.constant 0 : i32
        %dma_start3A_330 = tpu.memref_slice %arg13[%dma_start3A_327, %dma_start3A_328, %dma_start3A_329] : memref<8x128x64xf32, #tpu.memory_space<vmem>> -> memref<1x128x64xf32, #tpu.memory_space<vmem>>
        %dma_start3A_331 = tpu.memref_squeeze %dma_start3A_330 : memref<1x128x64xf32, #tpu.memory_space<vmem>> -> memref<128x64xf32, #tpu.memory_space<vmem>>
        %dma_start3A_332 = arith.constant 0 : i32
        %dma_start3A_333 = tpu.memref_slice %arg7[%add3A_326, %dma_start3A_332] : memref<204800x64xf32, #tpu.memory_space<hbm>> -> memref<128x64xf32, #tpu.memory_space<hbm>>
        %dma_start3A_334 = arith.constant 0 : i32
        %dma_start3A_335 = tpu.memref_slice %arg7[%add3A_326, %dma_start3A_334] : memref<204800x64xf32, #tpu.memory_space<hbm>> -> memref<128x64xf32, #tpu.memory_space<hbm>>
        %dma_start3A_336 = arith.constant 0 : i32
        %dma_start3A_337 = arith.constant 0 : i32
        %dma_start3A_338 = tpu.memref_slice %arg13[%dma_start3A_327, %dma_start3A_336, %dma_start3A_337] : memref<8x128x64xf32, #tpu.memory_space<vmem>> -> memref<1x128x64xf32, #tpu.memory_space<vmem>>
        %dma_start3A_339 = tpu.memref_squeeze %dma_start3A_338 : memref<1x128x64xf32, #tpu.memory_space<vmem>> -> memref<128x64xf32, #tpu.memory_space<vmem>>
        tpu.enqueue_dma source(%dma_start3A_339 : memref<128x64xf32, #tpu.memory_space<vmem>>) target(%dma_start3A_335 : memref<128x64xf32, #tpu.memory_space<hbm>>) target_semaphore(%arg25 : memref<!tpu.dma_semaphore, #tpu.memory_space<semaphore_mem>>)
      } else {
      }
      %rem3A_271 = arith.constant 8 : i32
      %rem3A_272 = arith.remsi %scan3A_253, %rem3A_271 : i32
      %eq3A_273 = arith.constant 3 : i32
      %eq3A_274 = arith.cmpi eq, %rem3A_272, %eq3A_273 : i32
      %convert_element_type3A_275 = arith.extui %eq3A_274 : i1 to i32
      %cond3A_276 = arith.constant 0 : i32
      %cond3A_277 = arith.cmpi ne, %convert_element_type3A_275, %cond3A_276 : i32
      scf.if %cond3A_277 {
        %dma_wait3A_306 = arith.constant 3 : i32
        %dma_wait3A_307 = arith.constant 0 : i32
        %dma_wait3A_308 = arith.constant 0 : i32
        %dma_wait3A_309 = tpu.memref_slice %arg13[%dma_wait3A_306, %dma_wait3A_307, %dma_wait3A_308] : memref<8x128x64xf32, #tpu.memory_space<vmem>> -> memref<1x128x64xf32, #tpu.memory_space<vmem>>
        %dma_wait3A_310 = tpu.memref_squeeze %dma_wait3A_309 : memref<1x128x64xf32, #tpu.memory_space<vmem>> -> memref<128x64xf32, #tpu.memory_space<vmem>>
        %dma_wait3A_311 = arith.constant 0 : i32
        %dma_wait3A_312 = tpu.memref_slice %arg11[%scan3A_253, %dma_wait3A_311] : memref<50x128xi32, #tpu.memory_space<vmem>> -> memref<1x128xi32, #tpu.memory_space<vmem>>
        %dma_wait3A_313 = tpu.memref_squeeze %dma_wait3A_312 : memref<1x128xi32, #tpu.memory_space<vmem>> -> memref<128xi32, #tpu.memory_space<vmem>>
        %dma_wait3A_314 = arith.constant 0 : i32
        %dma_wait3A_315 = arith.constant 0 : i32
        %dma_wait3A_316 = tpu.memref_slice %arg4[%dma_wait3A_314, %dma_wait3A_315] : memref<100000x64xf32, #tpu.memory_space<hbm>> -> memref<100000x64xf32, #tpu.memory_space<hbm>>
        tpu.wait_indirect_dma semaphore(%arg18 : memref<!tpu.dma_semaphore, #tpu.memory_space<semaphore_mem>>) src(%dma_wait3A_316 : memref<100000x64xf32, #tpu.memory_space<hbm>>) dst(%dma_wait3A_310 : memref<128x64xf32, #tpu.memory_space<vmem>>)
        %add3A_317 = arith.constant 8 : i32
        %add3A_318 = arith.addi %scan3A_253, %add3A_317 : i32
        %sub3A = arith.constant 1 : i32
        %sub3A_319 = arith.subi %add3A_318, %sub3A : i32
        %lt3A = arith.constant 50 : i32
        %lt3A_320 = arith.cmpi slt, %sub3A_319, %lt3A : i32
        %convert_element_type3A_321 = arith.extui %lt3A_320 : i1 to i32
        %cond3A_322 = arith.constant 0 : i32
        %cond3A_323 = arith.cmpi ne, %convert_element_type3A_321, %cond3A_322 : i32
        scf.if %cond3A_323 {
          %ge3A = arith.constant 1 : i32
          %ge3A_340 = arith.cmpi sge, %scan3A_253, %ge3A : i32
          %convert_element_type3A_341 = arith.extui %ge3A_340 : i1 to i32
          %cond3A_342 = arith.constant 0 : i32
          %cond3A_343 = arith.cmpi ne, %convert_element_type3A_341, %cond3A_342 : i32
          scf.if %cond3A_343 {
            %sub3A_359 = arith.constant 1 : i32
            %sub3A_360 = arith.subi %scan3A_253, %sub3A_359 : i32
            %mul3A_361 = arith.constant 128 : i32
            %mul3A_362 = arith.muli %sub3A_360, %mul3A_361 : i32
            %add3A_363 = arith.addi %mul3A_13, %mul3A_362 : i32
            %dma_wait3A_364 = arith.constant 2 : i32
            %dma_wait3A_365 = arith.constant 0 : i32
            %dma_wait3A_366 = arith.constant 0 : i32
            %dma_wait3A_367 = tpu.memref_slice %arg13[%dma_wait3A_364, %dma_wait3A_365, %dma_wait3A_366] : memref<8x128x64xf32, #tpu.memory_space<vmem>> -> memref<1x128x64xf32, #tpu.memory_space<vmem>>
            %dma_wait3A_368 = tpu.memref_squeeze %dma_wait3A_367 : memref<1x128x64xf32, #tpu.memory_space<vmem>> -> memref<128x64xf32, #tpu.memory_space<vmem>>
            %dma_wait3A_369 = arith.constant 0 : i32
            %dma_wait3A_370 = tpu.memref_slice %arg7[%add3A_363, %dma_wait3A_369] : memref<204800x64xf32, #tpu.memory_space<hbm>> -> memref<128x64xf32, #tpu.memory_space<hbm>>
            %dma_wait3A_371 = arith.constant 0 : i32
            %dma_wait3A_372 = tpu.memref_slice %arg7[%add3A_363, %dma_wait3A_371] : memref<204800x64xf32, #tpu.memory_space<hbm>> -> memref<128x64xf32, #tpu.memory_space<hbm>>
            %dma_wait3A_373 = arith.constant 0 : i32
            %dma_wait3A_374 = arith.constant 0 : i32
            %dma_wait3A_375 = tpu.memref_slice %arg13[%dma_wait3A_364, %dma_wait3A_373, %dma_wait3A_374] : memref<8x128x64xf32, #tpu.memory_space<vmem>> -> memref<1x128x64xf32, #tpu.memory_space<vmem>>
            %dma_wait3A_376 = tpu.memref_squeeze %dma_wait3A_375 : memref<1x128x64xf32, #tpu.memory_space<vmem>> -> memref<128x64xf32, #tpu.memory_space<vmem>>
            tpu.wait_dma2 semaphore(%arg25 : memref<!tpu.dma_semaphore, #tpu.memory_space<semaphore_mem>>) src(%dma_wait3A_376 : memref<128x64xf32, #tpu.memory_space<vmem>>) dst(%dma_wait3A_372 : memref<128x64xf32, #tpu.memory_space<hbm>>)
          } else {
          }
          %add3A_344 = arith.constant 8 : i32
          %add3A_345 = arith.addi %scan3A_253, %add3A_344 : i32
          %sub3A_346 = arith.constant 1 : i32
          %sub3A_347 = arith.subi %add3A_345, %sub3A_346 : i32
          %dma_start3A_348 = arith.constant 2 : i32
          %dma_start3A_349 = arith.constant 0 : i32
          %dma_start3A_350 = arith.constant 0 : i32
          %dma_start3A_351 = tpu.memref_slice %arg13[%dma_start3A_348, %dma_start3A_349, %dma_start3A_350] : memref<8x128x64xf32, #tpu.memory_space<vmem>> -> memref<1x128x64xf32, #tpu.memory_space<vmem>>
          %dma_start3A_352 = tpu.memref_squeeze %dma_start3A_351 : memref<1x128x64xf32, #tpu.memory_space<vmem>> -> memref<128x64xf32, #tpu.memory_space<vmem>>
          %dma_start3A_353 = arith.constant 0 : i32
          %dma_start3A_354 = tpu.memref_slice %arg11[%sub3A_347, %dma_start3A_353] : memref<50x128xi32, #tpu.memory_space<vmem>> -> memref<1x128xi32, #tpu.memory_space<vmem>>
          %dma_start3A_355 = tpu.memref_squeeze %dma_start3A_354 : memref<1x128xi32, #tpu.memory_space<vmem>> -> memref<128xi32, #tpu.memory_space<vmem>>
          %dma_start3A_356 = arith.constant 0 : i32
          %dma_start3A_357 = arith.constant 0 : i32
          %dma_start3A_358 = tpu.memref_slice %arg4[%dma_start3A_356, %dma_start3A_357] : memref<100000x64xf32, #tpu.memory_space<hbm>> -> memref<100000x64xf32, #tpu.memory_space<hbm>>
          tpu.enqueue_indirect_dma source(%dma_start3A_358 : memref<100000x64xf32, #tpu.memory_space<hbm>>) target(%dma_start3A_352 : memref<128x64xf32, #tpu.memory_space<vmem>>) offsets(%dma_start3A_355 : memref<128xi32, #tpu.memory_space<vmem>>) semaphore(%arg17 : memref<!tpu.dma_semaphore, #tpu.memory_space<semaphore_mem>>)
        } else {
        }
        %mul3A_324 = arith.constant 128 : i32
        %mul3A_325 = arith.muli %scan3A_253, %mul3A_324 : i32
        %add3A_326 = arith.addi %mul3A_13, %mul3A_325 : i32
        %dma_start3A_327 = arith.constant 3 : i32
        %dma_start3A_328 = arith.constant 0 : i32
        %dma_start3A_329 = arith.constant 0 : i32
        %dma_start3A_330 = tpu.memref_slice %arg13[%dma_start3A_327, %dma_start3A_328, %dma_start3A_329] : memref<8x128x64xf32, #tpu.memory_space<vmem>> -> memref<1x128x64xf32, #tpu.memory_space<vmem>>
        %dma_start3A_331 = tpu.memref_squeeze %dma_start3A_330 : memref<1x128x64xf32, #tpu.memory_space<vmem>> -> memref<128x64xf32, #tpu.memory_space<vmem>>
        %dma_start3A_332 = arith.constant 0 : i32
        %dma_start3A_333 = tpu.memref_slice %arg7[%add3A_326, %dma_start3A_332] : memref<204800x64xf32, #tpu.memory_space<hbm>> -> memref<128x64xf32, #tpu.memory_space<hbm>>
        %dma_start3A_334 = arith.constant 0 : i32
        %dma_start3A_335 = tpu.memref_slice %arg7[%add3A_326, %dma_start3A_334] : memref<204800x64xf32, #tpu.memory_space<hbm>> -> memref<128x64xf32, #tpu.memory_space<hbm>>
        %dma_start3A_336 = arith.constant 0 : i32
        %dma_start3A_337 = arith.constant 0 : i32
        %dma_start3A_338 = tpu.memref_slice %arg13[%dma_start3A_327, %dma_start3A_336, %dma_start3A_337] : memref<8x128x64xf32, #tpu.memory_space<vmem>> -> memref<1x128x64xf32, #tpu.memory_space<vmem>>
        %dma_start3A_339 = tpu.memref_squeeze %dma_start3A_338 : memref<1x128x64xf32, #tpu.memory_space<vmem>> -> memref<128x64xf32, #tpu.memory_space<vmem>>
        tpu.enqueue_dma source(%dma_start3A_339 : memref<128x64xf32, #tpu.memory_space<vmem>>) target(%dma_start3A_335 : memref<128x64xf32, #tpu.memory_space<hbm>>) target_semaphore(%arg26 : memref<!tpu.dma_semaphore, #tpu.memory_space<semaphore_mem>>)
      } else {
      }
      %rem3A_278 = arith.constant 8 : i32
      %rem3A_279 = arith.remsi %scan3A_253, %rem3A_278 : i32
      %eq3A_280 = arith.constant 4 : i32
      %eq3A_281 = arith.cmpi eq, %rem3A_279, %eq3A_280 : i32
      %convert_element_type3A_282 = arith.extui %eq3A_281 : i1 to i32
      %cond3A_283 = arith.constant 0 : i32
      %cond3A_284 = arith.cmpi ne, %convert_element_type3A_282, %cond3A_283 : i32
      scf.if %cond3A_284 {
        %dma_wait3A_306 = arith.constant 4 : i32
        %dma_wait3A_307 = arith.constant 0 : i32
        %dma_wait3A_308 = arith.constant 0 : i32
        %dma_wait3A_309 = tpu.memref_slice %arg13[%dma_wait3A_306, %dma_wait3A_307, %dma_wait3A_308] : memref<8x128x64xf32, #tpu.memory_space<vmem>> -> memref<1x128x64xf32, #tpu.memory_space<vmem>>
        %dma_wait3A_310 = tpu.memref_squeeze %dma_wait3A_309 : memref<1x128x64xf32, #tpu.memory_space<vmem>> -> memref<128x64xf32, #tpu.memory_space<vmem>>
        %dma_wait3A_311 = arith.constant 0 : i32
        %dma_wait3A_312 = tpu.memref_slice %arg11[%scan3A_253, %dma_wait3A_311] : memref<50x128xi32, #tpu.memory_space<vmem>> -> memref<1x128xi32, #tpu.memory_space<vmem>>
        %dma_wait3A_313 = tpu.memref_squeeze %dma_wait3A_312 : memref<1x128xi32, #tpu.memory_space<vmem>> -> memref<128xi32, #tpu.memory_space<vmem>>
        %dma_wait3A_314 = arith.constant 0 : i32
        %dma_wait3A_315 = arith.constant 0 : i32
        %dma_wait3A_316 = tpu.memref_slice %arg4[%dma_wait3A_314, %dma_wait3A_315] : memref<100000x64xf32, #tpu.memory_space<hbm>> -> memref<100000x64xf32, #tpu.memory_space<hbm>>
        tpu.wait_indirect_dma semaphore(%arg19 : memref<!tpu.dma_semaphore, #tpu.memory_space<semaphore_mem>>) src(%dma_wait3A_316 : memref<100000x64xf32, #tpu.memory_space<hbm>>) dst(%dma_wait3A_310 : memref<128x64xf32, #tpu.memory_space<vmem>>)
        %add3A_317 = arith.constant 8 : i32
        %add3A_318 = arith.addi %scan3A_253, %add3A_317 : i32
        %sub3A = arith.constant 1 : i32
        %sub3A_319 = arith.subi %add3A_318, %sub3A : i32
        %lt3A = arith.constant 50 : i32
        %lt3A_320 = arith.cmpi slt, %sub3A_319, %lt3A : i32
        %convert_element_type3A_321 = arith.extui %lt3A_320 : i1 to i32
        %cond3A_322 = arith.constant 0 : i32
        %cond3A_323 = arith.cmpi ne, %convert_element_type3A_321, %cond3A_322 : i32
        scf.if %cond3A_323 {
          %ge3A = arith.constant 1 : i32
          %ge3A_340 = arith.cmpi sge, %scan3A_253, %ge3A : i32
          %convert_element_type3A_341 = arith.extui %ge3A_340 : i1 to i32
          %cond3A_342 = arith.constant 0 : i32
          %cond3A_343 = arith.cmpi ne, %convert_element_type3A_341, %cond3A_342 : i32
          scf.if %cond3A_343 {
            %sub3A_359 = arith.constant 1 : i32
            %sub3A_360 = arith.subi %scan3A_253, %sub3A_359 : i32
            %mul3A_361 = arith.constant 128 : i32
            %mul3A_362 = arith.muli %sub3A_360, %mul3A_361 : i32
            %add3A_363 = arith.addi %mul3A_13, %mul3A_362 : i32
            %dma_wait3A_364 = arith.constant 3 : i32
            %dma_wait3A_365 = arith.constant 0 : i32
            %dma_wait3A_366 = arith.constant 0 : i32
            %dma_wait3A_367 = tpu.memref_slice %arg13[%dma_wait3A_364, %dma_wait3A_365, %dma_wait3A_366] : memref<8x128x64xf32, #tpu.memory_space<vmem>> -> memref<1x128x64xf32, #tpu.memory_space<vmem>>
            %dma_wait3A_368 = tpu.memref_squeeze %dma_wait3A_367 : memref<1x128x64xf32, #tpu.memory_space<vmem>> -> memref<128x64xf32, #tpu.memory_space<vmem>>
            %dma_wait3A_369 = arith.constant 0 : i32
            %dma_wait3A_370 = tpu.memref_slice %arg7[%add3A_363, %dma_wait3A_369] : memref<204800x64xf32, #tpu.memory_space<hbm>> -> memref<128x64xf32, #tpu.memory_space<hbm>>
            %dma_wait3A_371 = arith.constant 0 : i32
            %dma_wait3A_372 = tpu.memref_slice %arg7[%add3A_363, %dma_wait3A_371] : memref<204800x64xf32, #tpu.memory_space<hbm>> -> memref<128x64xf32, #tpu.memory_space<hbm>>
            %dma_wait3A_373 = arith.constant 0 : i32
            %dma_wait3A_374 = arith.constant 0 : i32
            %dma_wait3A_375 = tpu.memref_slice %arg13[%dma_wait3A_364, %dma_wait3A_373, %dma_wait3A_374] : memref<8x128x64xf32, #tpu.memory_space<vmem>> -> memref<1x128x64xf32, #tpu.memory_space<vmem>>
            %dma_wait3A_376 = tpu.memref_squeeze %dma_wait3A_375 : memref<1x128x64xf32, #tpu.memory_space<vmem>> -> memref<128x64xf32, #tpu.memory_space<vmem>>
            tpu.wait_dma2 semaphore(%arg26 : memref<!tpu.dma_semaphore, #tpu.memory_space<semaphore_mem>>) src(%dma_wait3A_376 : memref<128x64xf32, #tpu.memory_space<vmem>>) dst(%dma_wait3A_372 : memref<128x64xf32, #tpu.memory_space<hbm>>)
          } else {
          }
          %add3A_344 = arith.constant 8 : i32
          %add3A_345 = arith.addi %scan3A_253, %add3A_344 : i32
          %sub3A_346 = arith.constant 1 : i32
          %sub3A_347 = arith.subi %add3A_345, %sub3A_346 : i32
          %dma_start3A_348 = arith.constant 3 : i32
          %dma_start3A_349 = arith.constant 0 : i32
          %dma_start3A_350 = arith.constant 0 : i32
          %dma_start3A_351 = tpu.memref_slice %arg13[%dma_start3A_348, %dma_start3A_349, %dma_start3A_350] : memref<8x128x64xf32, #tpu.memory_space<vmem>> -> memref<1x128x64xf32, #tpu.memory_space<vmem>>
          %dma_start3A_352 = tpu.memref_squeeze %dma_start3A_351 : memref<1x128x64xf32, #tpu.memory_space<vmem>> -> memref<128x64xf32, #tpu.memory_space<vmem>>
          %dma_start3A_353 = arith.constant 0 : i32
          %dma_start3A_354 = tpu.memref_slice %arg11[%sub3A_347, %dma_start3A_353] : memref<50x128xi32, #tpu.memory_space<vmem>> -> memref<1x128xi32, #tpu.memory_space<vmem>>
          %dma_start3A_355 = tpu.memref_squeeze %dma_start3A_354 : memref<1x128xi32, #tpu.memory_space<vmem>> -> memref<128xi32, #tpu.memory_space<vmem>>
          %dma_start3A_356 = arith.constant 0 : i32
          %dma_start3A_357 = arith.constant 0 : i32
          %dma_start3A_358 = tpu.memref_slice %arg4[%dma_start3A_356, %dma_start3A_357] : memref<100000x64xf32, #tpu.memory_space<hbm>> -> memref<100000x64xf32, #tpu.memory_space<hbm>>
          tpu.enqueue_indirect_dma source(%dma_start3A_358 : memref<100000x64xf32, #tpu.memory_space<hbm>>) target(%dma_start3A_352 : memref<128x64xf32, #tpu.memory_space<vmem>>) offsets(%dma_start3A_355 : memref<128xi32, #tpu.memory_space<vmem>>) semaphore(%arg18 : memref<!tpu.dma_semaphore, #tpu.memory_space<semaphore_mem>>)
        } else {
        }
        %mul3A_324 = arith.constant 128 : i32
        %mul3A_325 = arith.muli %scan3A_253, %mul3A_324 : i32
        %add3A_326 = arith.addi %mul3A_13, %mul3A_325 : i32
        %dma_start3A_327 = arith.constant 4 : i32
        %dma_start3A_328 = arith.constant 0 : i32
        %dma_start3A_329 = arith.constant 0 : i32
        %dma_start3A_330 = tpu.memref_slice %arg13[%dma_start3A_327, %dma_start3A_328, %dma_start3A_329] : memref<8x128x64xf32, #tpu.memory_space<vmem>> -> memref<1x128x64xf32, #tpu.memory_space<vmem>>
        %dma_start3A_331 = tpu.memref_squeeze %dma_start3A_330 : memref<1x128x64xf32, #tpu.memory_space<vmem>> -> memref<128x64xf32, #tpu.memory_space<vmem>>
        %dma_start3A_332 = arith.constant 0 : i32
        %dma_start3A_333 = tpu.memref_slice %arg7[%add3A_326, %dma_start3A_332] : memref<204800x64xf32, #tpu.memory_space<hbm>> -> memref<128x64xf32, #tpu.memory_space<hbm>>
        %dma_start3A_334 = arith.constant 0 : i32
        %dma_start3A_335 = tpu.memref_slice %arg7[%add3A_326, %dma_start3A_334] : memref<204800x64xf32, #tpu.memory_space<hbm>> -> memref<128x64xf32, #tpu.memory_space<hbm>>
        %dma_start3A_336 = arith.constant 0 : i32
        %dma_start3A_337 = arith.constant 0 : i32
        %dma_start3A_338 = tpu.memref_slice %arg13[%dma_start3A_327, %dma_start3A_336, %dma_start3A_337] : memref<8x128x64xf32, #tpu.memory_space<vmem>> -> memref<1x128x64xf32, #tpu.memory_space<vmem>>
        %dma_start3A_339 = tpu.memref_squeeze %dma_start3A_338 : memref<1x128x64xf32, #tpu.memory_space<vmem>> -> memref<128x64xf32, #tpu.memory_space<vmem>>
        tpu.enqueue_dma source(%dma_start3A_339 : memref<128x64xf32, #tpu.memory_space<vmem>>) target(%dma_start3A_335 : memref<128x64xf32, #tpu.memory_space<hbm>>) target_semaphore(%arg27 : memref<!tpu.dma_semaphore, #tpu.memory_space<semaphore_mem>>)
      } else {
      }
      %rem3A_285 = arith.constant 8 : i32
      %rem3A_286 = arith.remsi %scan3A_253, %rem3A_285 : i32
      %eq3A_287 = arith.constant 5 : i32
      %eq3A_288 = arith.cmpi eq, %rem3A_286, %eq3A_287 : i32
      %convert_element_type3A_289 = arith.extui %eq3A_288 : i1 to i32
      %cond3A_290 = arith.constant 0 : i32
      %cond3A_291 = arith.cmpi ne, %convert_element_type3A_289, %cond3A_290 : i32
      scf.if %cond3A_291 {
        %dma_wait3A_306 = arith.constant 5 : i32
        %dma_wait3A_307 = arith.constant 0 : i32
        %dma_wait3A_308 = arith.constant 0 : i32
        %dma_wait3A_309 = tpu.memref_slice %arg13[%dma_wait3A_306, %dma_wait3A_307, %dma_wait3A_308] : memref<8x128x64xf32, #tpu.memory_space<vmem>> -> memref<1x128x64xf32, #tpu.memory_space<vmem>>
        %dma_wait3A_310 = tpu.memref_squeeze %dma_wait3A_309 : memref<1x128x64xf32, #tpu.memory_space<vmem>> -> memref<128x64xf32, #tpu.memory_space<vmem>>
        %dma_wait3A_311 = arith.constant 0 : i32
        %dma_wait3A_312 = tpu.memref_slice %arg11[%scan3A_253, %dma_wait3A_311] : memref<50x128xi32, #tpu.memory_space<vmem>> -> memref<1x128xi32, #tpu.memory_space<vmem>>
        %dma_wait3A_313 = tpu.memref_squeeze %dma_wait3A_312 : memref<1x128xi32, #tpu.memory_space<vmem>> -> memref<128xi32, #tpu.memory_space<vmem>>
        %dma_wait3A_314 = arith.constant 0 : i32
        %dma_wait3A_315 = arith.constant 0 : i32
        %dma_wait3A_316 = tpu.memref_slice %arg4[%dma_wait3A_314, %dma_wait3A_315] : memref<100000x64xf32, #tpu.memory_space<hbm>> -> memref<100000x64xf32, #tpu.memory_space<hbm>>
        tpu.wait_indirect_dma semaphore(%arg20 : memref<!tpu.dma_semaphore, #tpu.memory_space<semaphore_mem>>) src(%dma_wait3A_316 : memref<100000x64xf32, #tpu.memory_space<hbm>>) dst(%dma_wait3A_310 : memref<128x64xf32, #tpu.memory_space<vmem>>)
        %add3A_317 = arith.constant 8 : i32
        %add3A_318 = arith.addi %scan3A_253, %add3A_317 : i32
        %sub3A = arith.constant 1 : i32
        %sub3A_319 = arith.subi %add3A_318, %sub3A : i32
        %lt3A = arith.constant 50 : i32
        %lt3A_320 = arith.cmpi slt, %sub3A_319, %lt3A : i32
        %convert_element_type3A_321 = arith.extui %lt3A_320 : i1 to i32
        %cond3A_322 = arith.constant 0 : i32
        %cond3A_323 = arith.cmpi ne, %convert_element_type3A_321, %cond3A_322 : i32
        scf.if %cond3A_323 {
          %ge3A = arith.constant 1 : i32
          %ge3A_340 = arith.cmpi sge, %scan3A_253, %ge3A : i32
          %convert_element_type3A_341 = arith.extui %ge3A_340 : i1 to i32
          %cond3A_342 = arith.constant 0 : i32
          %cond3A_343 = arith.cmpi ne, %convert_element_type3A_341, %cond3A_342 : i32
          scf.if %cond3A_343 {
            %sub3A_359 = arith.constant 1 : i32
            %sub3A_360 = arith.subi %scan3A_253, %sub3A_359 : i32
            %mul3A_361 = arith.constant 128 : i32
            %mul3A_362 = arith.muli %sub3A_360, %mul3A_361 : i32
            %add3A_363 = arith.addi %mul3A_13, %mul3A_362 : i32
            %dma_wait3A_364 = arith.constant 4 : i32
            %dma_wait3A_365 = arith.constant 0 : i32
            %dma_wait3A_366 = arith.constant 0 : i32
            %dma_wait3A_367 = tpu.memref_slice %arg13[%dma_wait3A_364, %dma_wait3A_365, %dma_wait3A_366] : memref<8x128x64xf32, #tpu.memory_space<vmem>> -> memref<1x128x64xf32, #tpu.memory_space<vmem>>
            %dma_wait3A_368 = tpu.memref_squeeze %dma_wait3A_367 : memref<1x128x64xf32, #tpu.memory_space<vmem>> -> memref<128x64xf32, #tpu.memory_space<vmem>>
            %dma_wait3A_369 = arith.constant 0 : i32
            %dma_wait3A_370 = tpu.memref_slice %arg7[%add3A_363, %dma_wait3A_369] : memref<204800x64xf32, #tpu.memory_space<hbm>> -> memref<128x64xf32, #tpu.memory_space<hbm>>
            %dma_wait3A_371 = arith.constant 0 : i32
            %dma_wait3A_372 = tpu.memref_slice %arg7[%add3A_363, %dma_wait3A_371] : memref<204800x64xf32, #tpu.memory_space<hbm>> -> memref<128x64xf32, #tpu.memory_space<hbm>>
            %dma_wait3A_373 = arith.constant 0 : i32
            %dma_wait3A_374 = arith.constant 0 : i32
            %dma_wait3A_375 = tpu.memref_slice %arg13[%dma_wait3A_364, %dma_wait3A_373, %dma_wait3A_374] : memref<8x128x64xf32, #tpu.memory_space<vmem>> -> memref<1x128x64xf32, #tpu.memory_space<vmem>>
            %dma_wait3A_376 = tpu.memref_squeeze %dma_wait3A_375 : memref<1x128x64xf32, #tpu.memory_space<vmem>> -> memref<128x64xf32, #tpu.memory_space<vmem>>
            tpu.wait_dma2 semaphore(%arg27 : memref<!tpu.dma_semaphore, #tpu.memory_space<semaphore_mem>>) src(%dma_wait3A_376 : memref<128x64xf32, #tpu.memory_space<vmem>>) dst(%dma_wait3A_372 : memref<128x64xf32, #tpu.memory_space<hbm>>)
          } else {
          }
          %add3A_344 = arith.constant 8 : i32
          %add3A_345 = arith.addi %scan3A_253, %add3A_344 : i32
          %sub3A_346 = arith.constant 1 : i32
          %sub3A_347 = arith.subi %add3A_345, %sub3A_346 : i32
          %dma_start3A_348 = arith.constant 4 : i32
          %dma_start3A_349 = arith.constant 0 : i32
          %dma_start3A_350 = arith.constant 0 : i32
          %dma_start3A_351 = tpu.memref_slice %arg13[%dma_start3A_348, %dma_start3A_349, %dma_start3A_350] : memref<8x128x64xf32, #tpu.memory_space<vmem>> -> memref<1x128x64xf32, #tpu.memory_space<vmem>>
          %dma_start3A_352 = tpu.memref_squeeze %dma_start3A_351 : memref<1x128x64xf32, #tpu.memory_space<vmem>> -> memref<128x64xf32, #tpu.memory_space<vmem>>
          %dma_start3A_353 = arith.constant 0 : i32
          %dma_start3A_354 = tpu.memref_slice %arg11[%sub3A_347, %dma_start3A_353] : memref<50x128xi32, #tpu.memory_space<vmem>> -> memref<1x128xi32, #tpu.memory_space<vmem>>
          %dma_start3A_355 = tpu.memref_squeeze %dma_start3A_354 : memref<1x128xi32, #tpu.memory_space<vmem>> -> memref<128xi32, #tpu.memory_space<vmem>>
          %dma_start3A_356 = arith.constant 0 : i32
          %dma_start3A_357 = arith.constant 0 : i32
          %dma_start3A_358 = tpu.memref_slice %arg4[%dma_start3A_356, %dma_start3A_357] : memref<100000x64xf32, #tpu.memory_space<hbm>> -> memref<100000x64xf32, #tpu.memory_space<hbm>>
          tpu.enqueue_indirect_dma source(%dma_start3A_358 : memref<100000x64xf32, #tpu.memory_space<hbm>>) target(%dma_start3A_352 : memref<128x64xf32, #tpu.memory_space<vmem>>) offsets(%dma_start3A_355 : memref<128xi32, #tpu.memory_space<vmem>>) semaphore(%arg19 : memref<!tpu.dma_semaphore, #tpu.memory_space<semaphore_mem>>)
        } else {
        }
        %mul3A_324 = arith.constant 128 : i32
        %mul3A_325 = arith.muli %scan3A_253, %mul3A_324 : i32
        %add3A_326 = arith.addi %mul3A_13, %mul3A_325 : i32
        %dma_start3A_327 = arith.constant 5 : i32
        %dma_start3A_328 = arith.constant 0 : i32
        %dma_start3A_329 = arith.constant 0 : i32
        %dma_start3A_330 = tpu.memref_slice %arg13[%dma_start3A_327, %dma_start3A_328, %dma_start3A_329] : memref<8x128x64xf32, #tpu.memory_space<vmem>> -> memref<1x128x64xf32, #tpu.memory_space<vmem>>
        %dma_start3A_331 = tpu.memref_squeeze %dma_start3A_330 : memref<1x128x64xf32, #tpu.memory_space<vmem>> -> memref<128x64xf32, #tpu.memory_space<vmem>>
        %dma_start3A_332 = arith.constant 0 : i32
        %dma_start3A_333 = tpu.memref_slice %arg7[%add3A_326, %dma_start3A_332] : memref<204800x64xf32, #tpu.memory_space<hbm>> -> memref<128x64xf32, #tpu.memory_space<hbm>>
        %dma_start3A_334 = arith.constant 0 : i32
        %dma_start3A_335 = tpu.memref_slice %arg7[%add3A_326, %dma_start3A_334] : memref<204800x64xf32, #tpu.memory_space<hbm>> -> memref<128x64xf32, #tpu.memory_space<hbm>>
        %dma_start3A_336 = arith.constant 0 : i32
        %dma_start3A_337 = arith.constant 0 : i32
        %dma_start3A_338 = tpu.memref_slice %arg13[%dma_start3A_327, %dma_start3A_336, %dma_start3A_337] : memref<8x128x64xf32, #tpu.memory_space<vmem>> -> memref<1x128x64xf32, #tpu.memory_space<vmem>>
        %dma_start3A_339 = tpu.memref_squeeze %dma_start3A_338 : memref<1x128x64xf32, #tpu.memory_space<vmem>> -> memref<128x64xf32, #tpu.memory_space<vmem>>
        tpu.enqueue_dma source(%dma_start3A_339 : memref<128x64xf32, #tpu.memory_space<vmem>>) target(%dma_start3A_335 : memref<128x64xf32, #tpu.memory_space<hbm>>) target_semaphore(%arg28 : memref<!tpu.dma_semaphore, #tpu.memory_space<semaphore_mem>>)
      } else {
      }
      %rem3A_292 = arith.constant 8 : i32
      %rem3A_293 = arith.remsi %scan3A_253, %rem3A_292 : i32
      %eq3A_294 = arith.constant 6 : i32
      %eq3A_295 = arith.cmpi eq, %rem3A_293, %eq3A_294 : i32
      %convert_element_type3A_296 = arith.extui %eq3A_295 : i1 to i32
      %cond3A_297 = arith.constant 0 : i32
      %cond3A_298 = arith.cmpi ne, %convert_element_type3A_296, %cond3A_297 : i32
      scf.if %cond3A_298 {
        %dma_wait3A_306 = arith.constant 6 : i32
        %dma_wait3A_307 = arith.constant 0 : i32
        %dma_wait3A_308 = arith.constant 0 : i32
        %dma_wait3A_309 = tpu.memref_slice %arg13[%dma_wait3A_306, %dma_wait3A_307, %dma_wait3A_308] : memref<8x128x64xf32, #tpu.memory_space<vmem>> -> memref<1x128x64xf32, #tpu.memory_space<vmem>>
        %dma_wait3A_310 = tpu.memref_squeeze %dma_wait3A_309 : memref<1x128x64xf32, #tpu.memory_space<vmem>> -> memref<128x64xf32, #tpu.memory_space<vmem>>
        %dma_wait3A_311 = arith.constant 0 : i32
        %dma_wait3A_312 = tpu.memref_slice %arg11[%scan3A_253, %dma_wait3A_311] : memref<50x128xi32, #tpu.memory_space<vmem>> -> memref<1x128xi32, #tpu.memory_space<vmem>>
        %dma_wait3A_313 = tpu.memref_squeeze %dma_wait3A_312 : memref<1x128xi32, #tpu.memory_space<vmem>> -> memref<128xi32, #tpu.memory_space<vmem>>
        %dma_wait3A_314 = arith.constant 0 : i32
        %dma_wait3A_315 = arith.constant 0 : i32
        %dma_wait3A_316 = tpu.memref_slice %arg4[%dma_wait3A_314, %dma_wait3A_315] : memref<100000x64xf32, #tpu.memory_space<hbm>> -> memref<100000x64xf32, #tpu.memory_space<hbm>>
        tpu.wait_indirect_dma semaphore(%arg21 : memref<!tpu.dma_semaphore, #tpu.memory_space<semaphore_mem>>) src(%dma_wait3A_316 : memref<100000x64xf32, #tpu.memory_space<hbm>>) dst(%dma_wait3A_310 : memref<128x64xf32, #tpu.memory_space<vmem>>)
        %add3A_317 = arith.constant 8 : i32
        %add3A_318 = arith.addi %scan3A_253, %add3A_317 : i32
        %sub3A = arith.constant 1 : i32
        %sub3A_319 = arith.subi %add3A_318, %sub3A : i32
        %lt3A = arith.constant 50 : i32
        %lt3A_320 = arith.cmpi slt, %sub3A_319, %lt3A : i32
        %convert_element_type3A_321 = arith.extui %lt3A_320 : i1 to i32
        %cond3A_322 = arith.constant 0 : i32
        %cond3A_323 = arith.cmpi ne, %convert_element_type3A_321, %cond3A_322 : i32
        scf.if %cond3A_323 {
          %ge3A = arith.constant 1 : i32
          %ge3A_340 = arith.cmpi sge, %scan3A_253, %ge3A : i32
          %convert_element_type3A_341 = arith.extui %ge3A_340 : i1 to i32
          %cond3A_342 = arith.constant 0 : i32
          %cond3A_343 = arith.cmpi ne, %convert_element_type3A_341, %cond3A_342 : i32
          scf.if %cond3A_343 {
            %sub3A_359 = arith.constant 1 : i32
            %sub3A_360 = arith.subi %scan3A_253, %sub3A_359 : i32
            %mul3A_361 = arith.constant 128 : i32
            %mul3A_362 = arith.muli %sub3A_360, %mul3A_361 : i32
            %add3A_363 = arith.addi %mul3A_13, %mul3A_362 : i32
            %dma_wait3A_364 = arith.constant 5 : i32
            %dma_wait3A_365 = arith.constant 0 : i32
            %dma_wait3A_366 = arith.constant 0 : i32
            %dma_wait3A_367 = tpu.memref_slice %arg13[%dma_wait3A_364, %dma_wait3A_365, %dma_wait3A_366] : memref<8x128x64xf32, #tpu.memory_space<vmem>> -> memref<1x128x64xf32, #tpu.memory_space<vmem>>
            %dma_wait3A_368 = tpu.memref_squeeze %dma_wait3A_367 : memref<1x128x64xf32, #tpu.memory_space<vmem>> -> memref<128x64xf32, #tpu.memory_space<vmem>>
            %dma_wait3A_369 = arith.constant 0 : i32
            %dma_wait3A_370 = tpu.memref_slice %arg7[%add3A_363, %dma_wait3A_369] : memref<204800x64xf32, #tpu.memory_space<hbm>> -> memref<128x64xf32, #tpu.memory_space<hbm>>
            %dma_wait3A_371 = arith.constant 0 : i32
            %dma_wait3A_372 = tpu.memref_slice %arg7[%add3A_363, %dma_wait3A_371] : memref<204800x64xf32, #tpu.memory_space<hbm>> -> memref<128x64xf32, #tpu.memory_space<hbm>>
            %dma_wait3A_373 = arith.constant 0 : i32
            %dma_wait3A_374 = arith.constant 0 : i32
            %dma_wait3A_375 = tpu.memref_slice %arg13[%dma_wait3A_364, %dma_wait3A_373, %dma_wait3A_374] : memref<8x128x64xf32, #tpu.memory_space<vmem>> -> memref<1x128x64xf32, #tpu.memory_space<vmem>>
            %dma_wait3A_376 = tpu.memref_squeeze %dma_wait3A_375 : memref<1x128x64xf32, #tpu.memory_space<vmem>> -> memref<128x64xf32, #tpu.memory_space<vmem>>
            tpu.wait_dma2 semaphore(%arg28 : memref<!tpu.dma_semaphore, #tpu.memory_space<semaphore_mem>>) src(%dma_wait3A_376 : memref<128x64xf32, #tpu.memory_space<vmem>>) dst(%dma_wait3A_372 : memref<128x64xf32, #tpu.memory_space<hbm>>)
          } else {
          }
          %add3A_344 = arith.constant 8 : i32
          %add3A_345 = arith.addi %scan3A_253, %add3A_344 : i32
          %sub3A_346 = arith.constant 1 : i32
          %sub3A_347 = arith.subi %add3A_345, %sub3A_346 : i32
          %dma_start3A_348 = arith.constant 5 : i32
          %dma_start3A_349 = arith.constant 0 : i32
          %dma_start3A_350 = arith.constant 0 : i32
          %dma_start3A_351 = tpu.memref_slice %arg13[%dma_start3A_348, %dma_start3A_349, %dma_start3A_350] : memref<8x128x64xf32, #tpu.memory_space<vmem>> -> memref<1x128x64xf32, #tpu.memory_space<vmem>>
          %dma_start3A_352 = tpu.memref_squeeze %dma_start3A_351 : memref<1x128x64xf32, #tpu.memory_space<vmem>> -> memref<128x64xf32, #tpu.memory_space<vmem>>
          %dma_start3A_353 = arith.constant 0 : i32
          %dma_start3A_354 = tpu.memref_slice %arg11[%sub3A_347, %dma_start3A_353] : memref<50x128xi32, #tpu.memory_space<vmem>> -> memref<1x128xi32, #tpu.memory_space<vmem>>
          %dma_start3A_355 = tpu.memref_squeeze %dma_start3A_354 : memref<1x128xi32, #tpu.memory_space<vmem>> -> memref<128xi32, #tpu.memory_space<vmem>>
          %dma_start3A_356 = arith.constant 0 : i32
          %dma_start3A_357 = arith.constant 0 : i32
          %dma_start3A_358 = tpu.memref_slice %arg4[%dma_start3A_356, %dma_start3A_357] : memref<100000x64xf32, #tpu.memory_space<hbm>> -> memref<100000x64xf32, #tpu.memory_space<hbm>>
          tpu.enqueue_indirect_dma source(%dma_start3A_358 : memref<100000x64xf32, #tpu.memory_space<hbm>>) target(%dma_start3A_352 : memref<128x64xf32, #tpu.memory_space<vmem>>) offsets(%dma_start3A_355 : memref<128xi32, #tpu.memory_space<vmem>>) semaphore(%arg20 : memref<!tpu.dma_semaphore, #tpu.memory_space<semaphore_mem>>)
        } else {
        }
        %mul3A_324 = arith.constant 128 : i32
        %mul3A_325 = arith.muli %scan3A_253, %mul3A_324 : i32
        %add3A_326 = arith.addi %mul3A_13, %mul3A_325 : i32
        %dma_start3A_327 = arith.constant 6 : i32
        %dma_start3A_328 = arith.constant 0 : i32
        %dma_start3A_329 = arith.constant 0 : i32
        %dma_start3A_330 = tpu.memref_slice %arg13[%dma_start3A_327, %dma_start3A_328, %dma_start3A_329] : memref<8x128x64xf32, #tpu.memory_space<vmem>> -> memref<1x128x64xf32, #tpu.memory_space<vmem>>
        %dma_start3A_331 = tpu.memref_squeeze %dma_start3A_330 : memref<1x128x64xf32, #tpu.memory_space<vmem>> -> memref<128x64xf32, #tpu.memory_space<vmem>>
        %dma_start3A_332 = arith.constant 0 : i32
        %dma_start3A_333 = tpu.memref_slice %arg7[%add3A_326, %dma_start3A_332] : memref<204800x64xf32, #tpu.memory_space<hbm>> -> memref<128x64xf32, #tpu.memory_space<hbm>>
        %dma_start3A_334 = arith.constant 0 : i32
        %dma_start3A_335 = tpu.memref_slice %arg7[%add3A_326, %dma_start3A_334] : memref<204800x64xf32, #tpu.memory_space<hbm>> -> memref<128x64xf32, #tpu.memory_space<hbm>>
        %dma_start3A_336 = arith.constant 0 : i32
        %dma_start3A_337 = arith.constant 0 : i32
        %dma_start3A_338 = tpu.memref_slice %arg13[%dma_start3A_327, %dma_start3A_336, %dma_start3A_337] : memref<8x128x64xf32, #tpu.memory_space<vmem>> -> memref<1x128x64xf32, #tpu.memory_space<vmem>>
        %dma_start3A_339 = tpu.memref_squeeze %dma_start3A_338 : memref<1x128x64xf32, #tpu.memory_space<vmem>> -> memref<128x64xf32, #tpu.memory_space<vmem>>
        tpu.enqueue_dma source(%dma_start3A_339 : memref<128x64xf32, #tpu.memory_space<vmem>>) target(%dma_start3A_335 : memref<128x64xf32, #tpu.memory_space<hbm>>) target_semaphore(%arg29 : memref<!tpu.dma_semaphore, #tpu.memory_space<semaphore_mem>>)
      } else {
      }
      %rem3A_299 = arith.constant 8 : i32
      %rem3A_300 = arith.remsi %scan3A_253, %rem3A_299 : i32
      %eq3A_301 = arith.constant 7 : i32
      %eq3A_302 = arith.cmpi eq, %rem3A_300, %eq3A_301 : i32
      %convert_element_type3A_303 = arith.extui %eq3A_302 : i1 to i32
      %cond3A_304 = arith.constant 0 : i32
      %cond3A_305 = arith.cmpi ne, %convert_element_type3A_303, %cond3A_304 : i32
      scf.if %cond3A_305 {
        %dma_wait3A_306 = arith.constant 7 : i32
        %dma_wait3A_307 = arith.constant 0 : i32
        %dma_wait3A_308 = arith.constant 0 : i32
        %dma_wait3A_309 = tpu.memref_slice %arg13[%dma_wait3A_306, %dma_wait3A_307, %dma_wait3A_308] : memref<8x128x64xf32, #tpu.memory_space<vmem>> -> memref<1x128x64xf32, #tpu.memory_space<vmem>>
        %dma_wait3A_310 = tpu.memref_squeeze %dma_wait3A_309 : memref<1x128x64xf32, #tpu.memory_space<vmem>> -> memref<128x64xf32, #tpu.memory_space<vmem>>
        %dma_wait3A_311 = arith.constant 0 : i32
        %dma_wait3A_312 = tpu.memref_slice %arg11[%scan3A_253, %dma_wait3A_311] : memref<50x128xi32, #tpu.memory_space<vmem>> -> memref<1x128xi32, #tpu.memory_space<vmem>>
        %dma_wait3A_313 = tpu.memref_squeeze %dma_wait3A_312 : memref<1x128xi32, #tpu.memory_space<vmem>> -> memref<128xi32, #tpu.memory_space<vmem>>
        %dma_wait3A_314 = arith.constant 0 : i32
        %dma_wait3A_315 = arith.constant 0 : i32
        %dma_wait3A_316 = tpu.memref_slice %arg4[%dma_wait3A_314, %dma_wait3A_315] : memref<100000x64xf32, #tpu.memory_space<hbm>> -> memref<100000x64xf32, #tpu.memory_space<hbm>>
        tpu.wait_indirect_dma semaphore(%arg22 : memref<!tpu.dma_semaphore, #tpu.memory_space<semaphore_mem>>) src(%dma_wait3A_316 : memref<100000x64xf32, #tpu.memory_space<hbm>>) dst(%dma_wait3A_310 : memref<128x64xf32, #tpu.memory_space<vmem>>)
        %add3A_317 = arith.constant 8 : i32
        %add3A_318 = arith.addi %scan3A_253, %add3A_317 : i32
        %sub3A = arith.constant 1 : i32
        %sub3A_319 = arith.subi %add3A_318, %sub3A : i32
        %lt3A = arith.constant 50 : i32
        %lt3A_320 = arith.cmpi slt, %sub3A_319, %lt3A : i32
        %convert_element_type3A_321 = arith.extui %lt3A_320 : i1 to i32
        %cond3A_322 = arith.constant 0 : i32
        %cond3A_323 = arith.cmpi ne, %convert_element_type3A_321, %cond3A_322 : i32
        scf.if %cond3A_323 {
          %ge3A = arith.constant 1 : i32
          %ge3A_340 = arith.cmpi sge, %scan3A_253, %ge3A : i32
          %convert_element_type3A_341 = arith.extui %ge3A_340 : i1 to i32
          %cond3A_342 = arith.constant 0 : i32
          %cond3A_343 = arith.cmpi ne, %convert_element_type3A_341, %cond3A_342 : i32
          scf.if %cond3A_343 {
            %sub3A_359 = arith.constant 1 : i32
            %sub3A_360 = arith.subi %scan3A_253, %sub3A_359 : i32
            %mul3A_361 = arith.constant 128 : i32
            %mul3A_362 = arith.muli %sub3A_360, %mul3A_361 : i32
            %add3A_363 = arith.addi %mul3A_13, %mul3A_362 : i32
            %dma_wait3A_364 = arith.constant 6 : i32
            %dma_wait3A_365 = arith.constant 0 : i32
            %dma_wait3A_366 = arith.constant 0 : i32
            %dma_wait3A_367 = tpu.memref_slice %arg13[%dma_wait3A_364, %dma_wait3A_365, %dma_wait3A_366] : memref<8x128x64xf32, #tpu.memory_space<vmem>> -> memref<1x128x64xf32, #tpu.memory_space<vmem>>
            %dma_wait3A_368 = tpu.memref_squeeze %dma_wait3A_367 : memref<1x128x64xf32, #tpu.memory_space<vmem>> -> memref<128x64xf32, #tpu.memory_space<vmem>>
            %dma_wait3A_369 = arith.constant 0 : i32
            %dma_wait3A_370 = tpu.memref_slice %arg7[%add3A_363, %dma_wait3A_369] : memref<204800x64xf32, #tpu.memory_space<hbm>> -> memref<128x64xf32, #tpu.memory_space<hbm>>
            %dma_wait3A_371 = arith.constant 0 : i32
            %dma_wait3A_372 = tpu.memref_slice %arg7[%add3A_363, %dma_wait3A_371] : memref<204800x64xf32, #tpu.memory_space<hbm>> -> memref<128x64xf32, #tpu.memory_space<hbm>>
            %dma_wait3A_373 = arith.constant 0 : i32
            %dma_wait3A_374 = arith.constant 0 : i32
            %dma_wait3A_375 = tpu.memref_slice %arg13[%dma_wait3A_364, %dma_wait3A_373, %dma_wait3A_374] : memref<8x128x64xf32, #tpu.memory_space<vmem>> -> memref<1x128x64xf32, #tpu.memory_space<vmem>>
            %dma_wait3A_376 = tpu.memref_squeeze %dma_wait3A_375 : memref<1x128x64xf32, #tpu.memory_space<vmem>> -> memref<128x64xf32, #tpu.memory_space<vmem>>
            tpu.wait_dma2 semaphore(%arg29 : memref<!tpu.dma_semaphore, #tpu.memory_space<semaphore_mem>>) src(%dma_wait3A_376 : memref<128x64xf32, #tpu.memory_space<vmem>>) dst(%dma_wait3A_372 : memref<128x64xf32, #tpu.memory_space<hbm>>)
          } else {
          }
          %add3A_344 = arith.constant 8 : i32
          %add3A_345 = arith.addi %scan3A_253, %add3A_344 : i32
          %sub3A_346 = arith.constant 1 : i32
          %sub3A_347 = arith.subi %add3A_345, %sub3A_346 : i32
          %dma_start3A_348 = arith.constant 6 : i32
          %dma_start3A_349 = arith.constant 0 : i32
          %dma_start3A_350 = arith.constant 0 : i32
          %dma_start3A_351 = tpu.memref_slice %arg13[%dma_start3A_348, %dma_start3A_349, %dma_start3A_350] : memref<8x128x64xf32, #tpu.memory_space<vmem>> -> memref<1x128x64xf32, #tpu.memory_space<vmem>>
          %dma_start3A_352 = tpu.memref_squeeze %dma_start3A_351 : memref<1x128x64xf32, #tpu.memory_space<vmem>> -> memref<128x64xf32, #tpu.memory_space<vmem>>
          %dma_start3A_353 = arith.constant 0 : i32
          %dma_start3A_354 = tpu.memref_slice %arg11[%sub3A_347, %dma_start3A_353] : memref<50x128xi32, #tpu.memory_space<vmem>> -> memref<1x128xi32, #tpu.memory_space<vmem>>
          %dma_start3A_355 = tpu.memref_squeeze %dma_start3A_354 : memref<1x128xi32, #tpu.memory_space<vmem>> -> memref<128xi32, #tpu.memory_space<vmem>>
          %dma_start3A_356 = arith.constant 0 : i32
          %dma_start3A_357 = arith.constant 0 : i32
          %dma_start3A_358 = tpu.memref_slice %arg4[%dma_start3A_356, %dma_start3A_357] : memref<100000x64xf32, #tpu.memory_space<hbm>> -> memref<100000x64xf32, #tpu.memory_space<hbm>>
          tpu.enqueue_indirect_dma source(%dma_start3A_358 : memref<100000x64xf32, #tpu.memory_space<hbm>>) target(%dma_start3A_352 : memref<128x64xf32, #tpu.memory_space<vmem>>) offsets(%dma_start3A_355 : memref<128xi32, #tpu.memory_space<vmem>>) semaphore(%arg21 : memref<!tpu.dma_semaphore, #tpu.memory_space<semaphore_mem>>)
        } else {
        }
        %mul3A_324 = arith.constant 128 : i32
        %mul3A_325 = arith.muli %scan3A_253, %mul3A_324 : i32
        %add3A_326 = arith.addi %mul3A_13, %mul3A_325 : i32
        %dma_start3A_327 = arith.constant 7 : i32
        %dma_start3A_328 = arith.constant 0 : i32
        %dma_start3A_329 = arith.constant 0 : i32
        %dma_start3A_330 = tpu.memref_slice %arg13[%dma_start3A_327, %dma_start3A_328, %dma_start3A_329] : memref<8x128x64xf32, #tpu.memory_space<vmem>> -> memref<1x128x64xf32, #tpu.memory_space<vmem>>
        %dma_start3A_331 = tpu.memref_squeeze %dma_start3A_330 : memref<1x128x64xf32, #tpu.memory_space<vmem>> -> memref<128x64xf32, #tpu.memory_space<vmem>>
        %dma_start3A_332 = arith.constant 0 : i32
        %dma_start3A_333 = tpu.memref_slice %arg7[%add3A_326, %dma_start3A_332] : memref<204800x64xf32, #tpu.memory_space<hbm>> -> memref<128x64xf32, #tpu.memory_space<hbm>>
        %dma_start3A_334 = arith.constant 0 : i32
        %dma_start3A_335 = tpu.memref_slice %arg7[%add3A_326, %dma_start3A_334] : memref<204800x64xf32, #tpu.memory_space<hbm>> -> memref<128x64xf32, #tpu.memory_space<hbm>>
        %dma_start3A_336 = arith.constant 0 : i32
        %dma_start3A_337 = arith.constant 0 : i32
        %dma_start3A_338 = tpu.memref_slice %arg13[%dma_start3A_327, %dma_start3A_336, %dma_start3A_337] : memref<8x128x64xf32, #tpu.memory_space<vmem>> -> memref<1x128x64xf32, #tpu.memory_space<vmem>>
        %dma_start3A_339 = tpu.memref_squeeze %dma_start3A_338 : memref<1x128x64xf32, #tpu.memory_space<vmem>> -> memref<128x64xf32, #tpu.memory_space<vmem>>
        tpu.enqueue_dma source(%dma_start3A_339 : memref<128x64xf32, #tpu.memory_space<vmem>>) target(%dma_start3A_335 : memref<128x64xf32, #tpu.memory_space<hbm>>) target_semaphore(%arg30 : memref<!tpu.dma_semaphore, #tpu.memory_space<semaphore_mem>>)
      } else {
      }
    }
    %scan3A_102 = arith.constant 50 : i32
    %add3A_103 = arith.constant 0 : i32
    %add3A_104 = arith.addi %mul3A_13, %add3A_103 : i32
    %dma_wait3A = arith.constant 0 : i32
    %dma_wait3A_105 = arith.constant 0 : i32
    %dma_wait3A_106 = arith.constant 0 : i32
    %dma_wait3A_107 = tpu.memref_slice %arg13[%dma_wait3A, %dma_wait3A_105, %dma_wait3A_106] : memref<8x128x64xf32, #tpu.memory_space<vmem>> -> memref<1x128x64xf32, #tpu.memory_space<vmem>>
    %dma_wait3A_108 = tpu.memref_squeeze %dma_wait3A_107 : memref<1x128x64xf32, #tpu.memory_space<vmem>> -> memref<128x64xf32, #tpu.memory_space<vmem>>
    %dma_wait3A_109 = arith.constant 0 : i32
    %dma_wait3A_110 = tpu.memref_slice %arg7[%add3A_104, %dma_wait3A_109] : memref<204800x64xf32, #tpu.memory_space<hbm>> -> memref<128x64xf32, #tpu.memory_space<hbm>>
    %dma_wait3A_111 = arith.constant 0 : i32
    %dma_wait3A_112 = tpu.memref_slice %arg7[%add3A_104, %dma_wait3A_111] : memref<204800x64xf32, #tpu.memory_space<hbm>> -> memref<128x64xf32, #tpu.memory_space<hbm>>
    %dma_wait3A_113 = arith.constant 0 : i32
    %dma_wait3A_114 = arith.constant 0 : i32
    %dma_wait3A_115 = tpu.memref_slice %arg13[%dma_wait3A, %dma_wait3A_113, %dma_wait3A_114] : memref<8x128x64xf32, #tpu.memory_space<vmem>> -> memref<1x128x64xf32, #tpu.memory_space<vmem>>
    %dma_wait3A_116 = tpu.memref_squeeze %dma_wait3A_115 : memref<1x128x64xf32, #tpu.memory_space<vmem>> -> memref<128x64xf32, #tpu.memory_space<vmem>>
    tpu.wait_dma2 semaphore(%arg23 : memref<!tpu.dma_semaphore, #tpu.memory_space<semaphore_mem>>) src(%dma_wait3A_116 : memref<128x64xf32, #tpu.memory_space<vmem>>) dst(%dma_wait3A_112 : memref<128x64xf32, #tpu.memory_space<hbm>>)
    %add3A_117 = arith.constant 0 : i32
    %add3A_118 = arith.addi %mul3A_13, %add3A_117 : i32
    %dma_wait3A_119 = arith.constant 1 : i32
    %dma_wait3A_120 = arith.constant 0 : i32
    %dma_wait3A_121 = arith.constant 0 : i32
    %dma_wait3A_122 = tpu.memref_slice %arg13[%dma_wait3A_119, %dma_wait3A_120, %dma_wait3A_121] : memref<8x128x64xf32, #tpu.memory_space<vmem>> -> memref<1x128x64xf32, #tpu.memory_space<vmem>>
    %dma_wait3A_123 = tpu.memref_squeeze %dma_wait3A_122 : memref<1x128x64xf32, #tpu.memory_space<vmem>> -> memref<128x64xf32, #tpu.memory_space<vmem>>
    %dma_wait3A_124 = arith.constant 0 : i32
    %dma_wait3A_125 = tpu.memref_slice %arg7[%add3A_118, %dma_wait3A_124] : memref<204800x64xf32, #tpu.memory_space<hbm>> -> memref<128x64xf32, #tpu.memory_space<hbm>>
    %dma_wait3A_126 = arith.constant 0 : i32
    %dma_wait3A_127 = tpu.memref_slice %arg7[%add3A_118, %dma_wait3A_126] : memref<204800x64xf32, #tpu.memory_space<hbm>> -> memref<128x64xf32, #tpu.memory_space<hbm>>
    %dma_wait3A_128 = arith.constant 0 : i32
    %dma_wait3A_129 = arith.constant 0 : i32
    %dma_wait3A_130 = tpu.memref_slice %arg13[%dma_wait3A_119, %dma_wait3A_128, %dma_wait3A_129] : memref<8x128x64xf32, #tpu.memory_space<vmem>> -> memref<1x128x64xf32, #tpu.memory_space<vmem>>
    %dma_wait3A_131 = tpu.memref_squeeze %dma_wait3A_130 : memref<1x128x64xf32, #tpu.memory_space<vmem>> -> memref<128x64xf32, #tpu.memory_space<vmem>>
    tpu.wait_dma2 semaphore(%arg24 : memref<!tpu.dma_semaphore, #tpu.memory_space<semaphore_mem>>) src(%dma_wait3A_131 : memref<128x64xf32, #tpu.memory_space<vmem>>) dst(%dma_wait3A_127 : memref<128x64xf32, #tpu.memory_space<hbm>>)
    %add3A_132 = arith.constant 0 : i32
    %add3A_133 = arith.addi %mul3A_13, %add3A_132 : i32
    %dma_wait3A_134 = arith.constant 2 : i32
    %dma_wait3A_135 = arith.constant 0 : i32
    %dma_wait3A_136 = arith.constant 0 : i32
    %dma_wait3A_137 = tpu.memref_slice %arg13[%dma_wait3A_134, %dma_wait3A_135, %dma_wait3A_136] : memref<8x128x64xf32, #tpu.memory_space<vmem>> -> memref<1x128x64xf32, #tpu.memory_space<vmem>>
    %dma_wait3A_138 = tpu.memref_squeeze %dma_wait3A_137 : memref<1x128x64xf32, #tpu.memory_space<vmem>> -> memref<128x64xf32, #tpu.memory_space<vmem>>
    %dma_wait3A_139 = arith.constant 0 : i32
    %dma_wait3A_140 = tpu.memref_slice %arg7[%add3A_133, %dma_wait3A_139] : memref<204800x64xf32, #tpu.memory_space<hbm>> -> memref<128x64xf32, #tpu.memory_space<hbm>>
    %dma_wait3A_141 = arith.constant 0 : i32
    %dma_wait3A_142 = tpu.memref_slice %arg7[%add3A_133, %dma_wait3A_141] : memref<204800x64xf32, #tpu.memory_space<hbm>> -> memref<128x64xf32, #tpu.memory_space<hbm>>
    %dma_wait3A_143 = arith.constant 0 : i32
    %dma_wait3A_144 = arith.constant 0 : i32
    %dma_wait3A_145 = tpu.memref_slice %arg13[%dma_wait3A_134, %dma_wait3A_143, %dma_wait3A_144] : memref<8x128x64xf32, #tpu.memory_space<vmem>> -> memref<1x128x64xf32, #tpu.memory_space<vmem>>
    %dma_wait3A_146 = tpu.memref_squeeze %dma_wait3A_145 : memref<1x128x64xf32, #tpu.memory_space<vmem>> -> memref<128x64xf32, #tpu.memory_space<vmem>>
    tpu.wait_dma2 semaphore(%arg25 : memref<!tpu.dma_semaphore, #tpu.memory_space<semaphore_mem>>) src(%dma_wait3A_146 : memref<128x64xf32, #tpu.memory_space<vmem>>) dst(%dma_wait3A_142 : memref<128x64xf32, #tpu.memory_space<hbm>>)
    %add3A_147 = arith.constant 0 : i32
    %add3A_148 = arith.addi %mul3A_13, %add3A_147 : i32
    %dma_wait3A_149 = arith.constant 3 : i32
    %dma_wait3A_150 = arith.constant 0 : i32
    %dma_wait3A_151 = arith.constant 0 : i32
    %dma_wait3A_152 = tpu.memref_slice %arg13[%dma_wait3A_149, %dma_wait3A_150, %dma_wait3A_151] : memref<8x128x64xf32, #tpu.memory_space<vmem>> -> memref<1x128x64xf32, #tpu.memory_space<vmem>>
    %dma_wait3A_153 = tpu.memref_squeeze %dma_wait3A_152 : memref<1x128x64xf32, #tpu.memory_space<vmem>> -> memref<128x64xf32, #tpu.memory_space<vmem>>
    %dma_wait3A_154 = arith.constant 0 : i32
    %dma_wait3A_155 = tpu.memref_slice %arg7[%add3A_148, %dma_wait3A_154] : memref<204800x64xf32, #tpu.memory_space<hbm>> -> memref<128x64xf32, #tpu.memory_space<hbm>>
    %dma_wait3A_156 = arith.constant 0 : i32
    %dma_wait3A_157 = tpu.memref_slice %arg7[%add3A_148, %dma_wait3A_156] : memref<204800x64xf32, #tpu.memory_space<hbm>> -> memref<128x64xf32, #tpu.memory_space<hbm>>
    %dma_wait3A_158 = arith.constant 0 : i32
    %dma_wait3A_159 = arith.constant 0 : i32
    %dma_wait3A_160 = tpu.memref_slice %arg13[%dma_wait3A_149, %dma_wait3A_158, %dma_wait3A_159] : memref<8x128x64xf32, #tpu.memory_space<vmem>> -> memref<1x128x64xf32, #tpu.memory_space<vmem>>
    %dma_wait3A_161 = tpu.memref_squeeze %dma_wait3A_160 : memref<1x128x64xf32, #tpu.memory_space<vmem>> -> memref<128x64xf32, #tpu.memory_space<vmem>>
    tpu.wait_dma2 semaphore(%arg26 : memref<!tpu.dma_semaphore, #tpu.memory_space<semaphore_mem>>) src(%dma_wait3A_161 : memref<128x64xf32, #tpu.memory_space<vmem>>) dst(%dma_wait3A_157 : memref<128x64xf32, #tpu.memory_space<hbm>>)
    %add3A_162 = arith.constant 0 : i32
    %add3A_163 = arith.addi %mul3A_13, %add3A_162 : i32
    %dma_wait3A_164 = arith.constant 4 : i32
    %dma_wait3A_165 = arith.constant 0 : i32
    %dma_wait3A_166 = arith.constant 0 : i32
    %dma_wait3A_167 = tpu.memref_slice %arg13[%dma_wait3A_164, %dma_wait3A_165, %dma_wait3A_166] : memref<8x128x64xf32, #tpu.memory_space<vmem>> -> memref<1x128x64xf32, #tpu.memory_space<vmem>>
    %dma_wait3A_168 = tpu.memref_squeeze %dma_wait3A_167 : memref<1x128x64xf32, #tpu.memory_space<vmem>> -> memref<128x64xf32, #tpu.memory_space<vmem>>
    %dma_wait3A_169 = arith.constant 0 : i32
    %dma_wait3A_170 = tpu.memref_slice %arg7[%add3A_163, %dma_wait3A_169] : memref<204800x64xf32, #tpu.memory_space<hbm>> -> memref<128x64xf32, #tpu.memory_space<hbm>>
    %dma_wait3A_171 = arith.constant 0 : i32
    %dma_wait3A_172 = tpu.memref_slice %arg7[%add3A_163, %dma_wait3A_171] : memref<204800x64xf32, #tpu.memory_space<hbm>> -> memref<128x64xf32, #tpu.memory_space<hbm>>
    %dma_wait3A_173 = arith.constant 0 : i32
    %dma_wait3A_174 = arith.constant 0 : i32
    %dma_wait3A_175 = tpu.memref_slice %arg13[%dma_wait3A_164, %dma_wait3A_173, %dma_wait3A_174] : memref<8x128x64xf32, #tpu.memory_space<vmem>> -> memref<1x128x64xf32, #tpu.memory_space<vmem>>
    %dma_wait3A_176 = tpu.memref_squeeze %dma_wait3A_175 : memref<1x128x64xf32, #tpu.memory_space<vmem>> -> memref<128x64xf32, #tpu.memory_space<vmem>>
    tpu.wait_dma2 semaphore(%arg27 : memref<!tpu.dma_semaphore, #tpu.memory_space<semaphore_mem>>) src(%dma_wait3A_176 : memref<128x64xf32, #tpu.memory_space<vmem>>) dst(%dma_wait3A_172 : memref<128x64xf32, #tpu.memory_space<hbm>>)
    %add3A_177 = arith.constant 0 : i32
    %add3A_178 = arith.addi %mul3A_13, %add3A_177 : i32
    %dma_wait3A_179 = arith.constant 5 : i32
    %dma_wait3A_180 = arith.constant 0 : i32
    %dma_wait3A_181 = arith.constant 0 : i32
    %dma_wait3A_182 = tpu.memref_slice %arg13[%dma_wait3A_179, %dma_wait3A_180, %dma_wait3A_181] : memref<8x128x64xf32, #tpu.memory_space<vmem>> -> memref<1x128x64xf32, #tpu.memory_space<vmem>>
    %dma_wait3A_183 = tpu.memref_squeeze %dma_wait3A_182 : memref<1x128x64xf32, #tpu.memory_space<vmem>> -> memref<128x64xf32, #tpu.memory_space<vmem>>
    %dma_wait3A_184 = arith.constant 0 : i32
    %dma_wait3A_185 = tpu.memref_slice %arg7[%add3A_178, %dma_wait3A_184] : memref<204800x64xf32, #tpu.memory_space<hbm>> -> memref<128x64xf32, #tpu.memory_space<hbm>>
    %dma_wait3A_186 = arith.constant 0 : i32
    %dma_wait3A_187 = tpu.memref_slice %arg7[%add3A_178, %dma_wait3A_186] : memref<204800x64xf32, #tpu.memory_space<hbm>> -> memref<128x64xf32, #tpu.memory_space<hbm>>
    %dma_wait3A_188 = arith.constant 0 : i32
    %dma_wait3A_189 = arith.constant 0 : i32
    %dma_wait3A_190 = tpu.memref_slice %arg13[%dma_wait3A_179, %dma_wait3A_188, %dma_wait3A_189] : memref<8x128x64xf32, #tpu.memory_space<vmem>> -> memref<1x128x64xf32, #tpu.memory_space<vmem>>
    %dma_wait3A_191 = tpu.memref_squeeze %dma_wait3A_190 : memref<1x128x64xf32, #tpu.memory_space<vmem>> -> memref<128x64xf32, #tpu.memory_space<vmem>>
    tpu.wait_dma2 semaphore(%arg28 : memref<!tpu.dma_semaphore, #tpu.memory_space<semaphore_mem>>) src(%dma_wait3A_191 : memref<128x64xf32, #tpu.memory_space<vmem>>) dst(%dma_wait3A_187 : memref<128x64xf32, #tpu.memory_space<hbm>>)
    %add3A_192 = arith.constant 0 : i32
    %add3A_193 = arith.addi %mul3A_13, %add3A_192 : i32
    %dma_wait3A_194 = arith.constant 6 : i32
    %dma_wait3A_195 = arith.constant 0 : i32
    %dma_wait3A_196 = arith.constant 0 : i32
    %dma_wait3A_197 = tpu.memref_slice %arg13[%dma_wait3A_194, %dma_wait3A_195, %dma_wait3A_196] : memref<8x128x64xf32, #tpu.memory_space<vmem>> -> memref<1x128x64xf32, #tpu.memory_space<vmem>>
    %dma_wait3A_198 = tpu.memref_squeeze %dma_wait3A_197 : memref<1x128x64xf32, #tpu.memory_space<vmem>> -> memref<128x64xf32, #tpu.memory_space<vmem>>
    %dma_wait3A_199 = arith.constant 0 : i32
    %dma_wait3A_200 = tpu.memref_slice %arg7[%add3A_193, %dma_wait3A_199] : memref<204800x64xf32, #tpu.memory_space<hbm>> -> memref<128x64xf32, #tpu.memory_space<hbm>>
    %dma_wait3A_201 = arith.constant 0 : i32
    %dma_wait3A_202 = tpu.memref_slice %arg7[%add3A_193, %dma_wait3A_201] : memref<204800x64xf32, #tpu.memory_space<hbm>> -> memref<128x64xf32, #tpu.memory_space<hbm>>
    %dma_wait3A_203 = arith.constant 0 : i32
    %dma_wait3A_204 = arith.constant 0 : i32
    %dma_wait3A_205 = tpu.memref_slice %arg13[%dma_wait3A_194, %dma_wait3A_203, %dma_wait3A_204] : memref<8x128x64xf32, #tpu.memory_space<vmem>> -> memref<1x128x64xf32, #tpu.memory_space<vmem>>
    %dma_wait3A_206 = tpu.memref_squeeze %dma_wait3A_205 : memref<1x128x64xf32, #tpu.memory_space<vmem>> -> memref<128x64xf32, #tpu.memory_space<vmem>>
    tpu.wait_dma2 semaphore(%arg29 : memref<!tpu.dma_semaphore, #tpu.memory_space<semaphore_mem>>) src(%dma_wait3A_206 : memref<128x64xf32, #tpu.memory_space<vmem>>) dst(%dma_wait3A_202 : memref<128x64xf32, #tpu.memory_space<hbm>>)
    %add3A_207 = arith.constant 0 : i32
    %add3A_208 = arith.addi %mul3A_13, %add3A_207 : i32
    %dma_wait3A_209 = arith.constant 7 : i32
    %dma_wait3A_210 = arith.constant 0 : i32
    %dma_wait3A_211 = arith.constant 0 : i32
    %dma_wait3A_212 = tpu.memref_slice %arg13[%dma_wait3A_209, %dma_wait3A_210, %dma_wait3A_211] : memref<8x128x64xf32, #tpu.memory_space<vmem>> -> memref<1x128x64xf32, #tpu.memory_space<vmem>>
    %dma_wait3A_213 = tpu.memref_squeeze %dma_wait3A_212 : memref<1x128x64xf32, #tpu.memory_space<vmem>> -> memref<128x64xf32, #tpu.memory_space<vmem>>
    %dma_wait3A_214 = arith.constant 0 : i32
    %dma_wait3A_215 = tpu.memref_slice %arg7[%add3A_208, %dma_wait3A_214] : memref<204800x64xf32, #tpu.memory_space<hbm>> -> memref<128x64xf32, #tpu.memory_space<hbm>>
    %dma_wait3A_216 = arith.constant 0 : i32
    %dma_wait3A_217 = tpu.memref_slice %arg7[%add3A_208, %dma_wait3A_216] : memref<204800x64xf32, #tpu.memory_space<hbm>> -> memref<128x64xf32, #tpu.memory_space<hbm>>
    %dma_wait3A_218 = arith.constant 0 : i32
    %dma_wait3A_219 = arith.constant 0 : i32
    %dma_wait3A_220 = tpu.memref_slice %arg13[%dma_wait3A_209, %dma_wait3A_218, %dma_wait3A_219] : memref<8x128x64xf32, #tpu.memory_space<vmem>> -> memref<1x128x64xf32, #tpu.memory_space<vmem>>
    %dma_wait3A_221 = tpu.memref_squeeze %dma_wait3A_220 : memref<1x128x64xf32, #tpu.memory_space<vmem>> -> memref<128x64xf32, #tpu.memory_space<vmem>>
    tpu.wait_dma2 semaphore(%arg30 : memref<!tpu.dma_semaphore, #tpu.memory_space<semaphore_mem>>) src(%dma_wait3A_221 : memref<128x64xf32, #tpu.memory_space<vmem>>) dst(%dma_wait3A_217 : memref<128x64xf32, #tpu.memory_space<hbm>>)
    %run_scoped3A = arith.constant 0 : i32
    "tpu.region"() ({
      %run_scoped3A_253 = tpu.sem_alloc : memref<!tpu.dma_semaphore, #tpu.memory_space<semaphore_mem>>
      %dma_start3A_254 = arith.constant 0 : i32
      %dma_start3A_255 = tpu.memref_slice %arg12[%run_scoped3A, %dma_start3A_254] : memref<2x32xi32, #tpu.memory_space<vmem>> -> memref<1x32xi32, #tpu.memory_space<vmem>>
      %dma_start3A_256 = tpu.memref_squeeze %dma_start3A_255 : memref<1x32xi32, #tpu.memory_space<vmem>> -> memref<32xi32, #tpu.memory_space<vmem>>
      %dma_start3A_257 = arith.constant 0 : i32
      %dma_start3A_258 = tpu.memref_slice %arg5[%add3A, %dma_start3A_257] : memref<32x32xi32, #tpu.memory_space<hbm>> -> memref<1x32xi32, #tpu.memory_space<hbm>>
      %dma_start3A_259 = tpu.memref_squeeze %dma_start3A_258 : memref<1x32xi32, #tpu.memory_space<hbm>> -> memref<32xi32, #tpu.memory_space<hbm>>
      %dma_start3A_260 = arith.constant 0 : i32
      %dma_start3A_261 = tpu.memref_slice %arg12[%run_scoped3A, %dma_start3A_260] : memref<2x32xi32, #tpu.memory_space<vmem>> -> memref<1x32xi32, #tpu.memory_space<vmem>>
      %dma_start3A_262 = tpu.memref_squeeze %dma_start3A_261 : memref<1x32xi32, #tpu.memory_space<vmem>> -> memref<32xi32, #tpu.memory_space<vmem>>
      %dma_start3A_263 = arith.constant 0 : i32
      %dma_start3A_264 = tpu.memref_slice %arg5[%add3A, %dma_start3A_263] : memref<32x32xi32, #tpu.memory_space<hbm>> -> memref<1x32xi32, #tpu.memory_space<hbm>>
      %dma_start3A_265 = tpu.memref_squeeze %dma_start3A_264 : memref<1x32xi32, #tpu.memory_space<hbm>> -> memref<32xi32, #tpu.memory_space<hbm>>
      tpu.enqueue_dma source(%dma_start3A_265 : memref<32xi32, #tpu.memory_space<hbm>>) target(%dma_start3A_262 : memref<32xi32, #tpu.memory_space<vmem>>) target_semaphore(%run_scoped3A_253 : memref<!tpu.dma_semaphore, #tpu.memory_space<semaphore_mem>>)
      %dma_wait3A_266 = arith.constant 0 : i32
      %dma_wait3A_267 = tpu.memref_slice %arg12[%run_scoped3A, %dma_wait3A_266] : memref<2x32xi32, #tpu.memory_space<vmem>> -> memref<1x32xi32, #tpu.memory_space<vmem>>
      %dma_wait3A_268 = tpu.memref_squeeze %dma_wait3A_267 : memref<1x32xi32, #tpu.memory_space<vmem>> -> memref<32xi32, #tpu.memory_space<vmem>>
      %dma_wait3A_269 = arith.constant 0 : i32
      %dma_wait3A_270 = tpu.memref_slice %arg5[%add3A, %dma_wait3A_269] : memref<32x32xi32, #tpu.memory_space<hbm>> -> memref<1x32xi32, #tpu.memory_space<hbm>>
      %dma_wait3A_271 = tpu.memref_squeeze %dma_wait3A_270 : memref<1x32xi32, #tpu.memory_space<hbm>> -> memref<32xi32, #tpu.memory_space<hbm>>
      %dma_wait3A_272 = arith.constant 0 : i32
      %dma_wait3A_273 = tpu.memref_slice %arg12[%run_scoped3A, %dma_wait3A_272] : memref<2x32xi32, #tpu.memory_space<vmem>> -> memref<1x32xi32, #tpu.memory_space<vmem>>
      %dma_wait3A_274 = tpu.memref_squeeze %dma_wait3A_273 : memref<1x32xi32, #tpu.memory_space<vmem>> -> memref<32xi32, #tpu.memory_space<vmem>>
      %dma_wait3A_275 = arith.constant 0 : i32
      %dma_wait3A_276 = tpu.memref_slice %arg5[%add3A, %dma_wait3A_275] : memref<32x32xi32, #tpu.memory_space<hbm>> -> memref<1x32xi32, #tpu.memory_space<hbm>>
      %dma_wait3A_277 = tpu.memref_squeeze %dma_wait3A_276 : memref<1x32xi32, #tpu.memory_space<hbm>> -> memref<32xi32, #tpu.memory_space<hbm>>
      tpu.wait_dma2 semaphore(%run_scoped3A_253 : memref<!tpu.dma_semaphore, #tpu.memory_space<semaphore_mem>>) src(%dma_wait3A_277 : memref<32xi32, #tpu.memory_space<hbm>>) dst(%dma_wait3A_274 : memref<32xi32, #tpu.memory_space<vmem>>)
      tpu.yield
    }) : () -> ()
    %run_scoped3A_222 = arith.constant 1 : i32
    "tpu.region"() ({
      %run_scoped3A_253 = tpu.sem_alloc : memref<!tpu.dma_semaphore, #tpu.memory_space<semaphore_mem>>
      %dma_start3A_254 = arith.constant 0 : i32
      %dma_start3A_255 = tpu.memref_slice %arg12[%run_scoped3A_222, %dma_start3A_254] : memref<2x32xi32, #tpu.memory_space<vmem>> -> memref<1x32xi32, #tpu.memory_space<vmem>>
      %dma_start3A_256 = tpu.memref_squeeze %dma_start3A_255 : memref<1x32xi32, #tpu.memory_space<vmem>> -> memref<32xi32, #tpu.memory_space<vmem>>
      %dma_start3A_257 = arith.constant 0 : i32
      %dma_start3A_258 = tpu.memref_slice %arg6[%add3A, %dma_start3A_257] : memref<32x32xi32, #tpu.memory_space<hbm>> -> memref<1x32xi32, #tpu.memory_space<hbm>>
      %dma_start3A_259 = tpu.memref_squeeze %dma_start3A_258 : memref<1x32xi32, #tpu.memory_space<hbm>> -> memref<32xi32, #tpu.memory_space<hbm>>
      %dma_start3A_260 = arith.constant 0 : i32
      %dma_start3A_261 = tpu.memref_slice %arg12[%run_scoped3A_222, %dma_start3A_260] : memref<2x32xi32, #tpu.memory_space<vmem>> -> memref<1x32xi32, #tpu.memory_space<vmem>>
      %dma_start3A_262 = tpu.memref_squeeze %dma_start3A_261 : memref<1x32xi32, #tpu.memory_space<vmem>> -> memref<32xi32, #tpu.memory_space<vmem>>
      %dma_start3A_263 = arith.constant 0 : i32
      %dma_start3A_264 = tpu.memref_slice %arg6[%add3A, %dma_start3A_263] : memref<32x32xi32, #tpu.memory_space<hbm>> -> memref<1x32xi32, #tpu.memory_space<hbm>>
      %dma_start3A_265 = tpu.memref_squeeze %dma_start3A_264 : memref<1x32xi32, #tpu.memory_space<hbm>> -> memref<32xi32, #tpu.memory_space<hbm>>
      tpu.enqueue_dma source(%dma_start3A_265 : memref<32xi32, #tpu.memory_space<hbm>>) target(%dma_start3A_262 : memref<32xi32, #tpu.memory_space<vmem>>) target_semaphore(%run_scoped3A_253 : memref<!tpu.dma_semaphore, #tpu.memory_space<semaphore_mem>>)
      %dma_wait3A_266 = arith.constant 0 : i32
      %dma_wait3A_267 = tpu.memref_slice %arg12[%run_scoped3A_222, %dma_wait3A_266] : memref<2x32xi32, #tpu.memory_space<vmem>> -> memref<1x32xi32, #tpu.memory_space<vmem>>
      %dma_wait3A_268 = tpu.memref_squeeze %dma_wait3A_267 : memref<1x32xi32, #tpu.memory_space<vmem>> -> memref<32xi32, #tpu.memory_space<vmem>>
      %dma_wait3A_269 = arith.constant 0 : i32
      %dma_wait3A_270 = tpu.memref_slice %arg6[%add3A, %dma_wait3A_269] : memref<32x32xi32, #tpu.memory_space<hbm>> -> memref<1x32xi32, #tpu.memory_space<hbm>>
      %dma_wait3A_271 = tpu.memref_squeeze %dma_wait3A_270 : memref<1x32xi32, #tpu.memory_space<hbm>> -> memref<32xi32, #tpu.memory_space<hbm>>
      %dma_wait3A_272 = arith.constant 0 : i32
      %dma_wait3A_273 = tpu.memref_slice %arg12[%run_scoped3A_222, %dma_wait3A_272] : memref<2x32xi32, #tpu.memory_space<vmem>> -> memref<1x32xi32, #tpu.memory_space<vmem>>
      %dma_wait3A_274 = tpu.memref_squeeze %dma_wait3A_273 : memref<1x32xi32, #tpu.memory_space<vmem>> -> memref<32xi32, #tpu.memory_space<vmem>>
      %dma_wait3A_275 = arith.constant 0 : i32
      %dma_wait3A_276 = tpu.memref_slice %arg6[%add3A, %dma_wait3A_275] : memref<32x32xi32, #tpu.memory_space<hbm>> -> memref<1x32xi32, #tpu.memory_space<hbm>>
      %dma_wait3A_277 = tpu.memref_squeeze %dma_wait3A_276 : memref<1x32xi32, #tpu.memory_space<hbm>> -> memref<32xi32, #tpu.memory_space<hbm>>
      tpu.wait_dma2 semaphore(%run_scoped3A_253 : memref<!tpu.dma_semaphore, #tpu.memory_space<semaphore_mem>>) src(%dma_wait3A_277 : memref<32xi32, #tpu.memory_space<hbm>>) dst(%dma_wait3A_274 : memref<32xi32, #tpu.memory_space<vmem>>)
      tpu.yield
    }) : () -> ()
    %mul3A_223 = arith.constant 32 : i32
    %mul3A_224 = arith.muli %add3A, %mul3A_223 : i32
    %dma_start3A_225 = arith.constant 0 : i32
    %dma_start3A_226 = arith.constant 0 : i32
    %dma_start3A_227 = tpu.memref_slice %arg12[%dma_start3A_225, %dma_start3A_226] : memref<2x32xi32, #tpu.memory_space<vmem>> -> memref<1x32xi32, #tpu.memory_space<vmem>>
    %dma_start3A_228 = tpu.memref_squeeze %dma_start3A_227 : memref<1x32xi32, #tpu.memory_space<vmem>> -> memref<32xi32, #tpu.memory_space<vmem>>
    %dma_start3A_229 = arith.constant 0 : i32
    %dma_start3A_230 = arith.constant 0 : i32
    %dma_start3A_231 = tpu.memref_slice %arg4[%dma_start3A_229, %dma_start3A_230] : memref<100000x64xf32, #tpu.memory_space<hbm>> -> memref<100000x64xf32, #tpu.memory_space<hbm>>
    tpu.enqueue_indirect_dma source(%dma_start3A_231 : memref<100000x64xf32, #tpu.memory_space<hbm>>) target(%arg14 : memref<32x64xf32, #tpu.memory_space<vmem>>) offsets(%dma_start3A_228 : memref<32xi32, #tpu.memory_space<vmem>>) semaphore(%arg31 : memref<!tpu.dma_semaphore, #tpu.memory_space<semaphore_mem>>)
    %dma_wait3A_232 = arith.constant 0 : i32
    %dma_wait3A_233 = arith.constant 0 : i32
    %dma_wait3A_234 = tpu.memref_slice %arg12[%dma_wait3A_232, %dma_wait3A_233] : memref<2x32xi32, #tpu.memory_space<vmem>> -> memref<1x32xi32, #tpu.memory_space<vmem>>
    %dma_wait3A_235 = tpu.memref_squeeze %dma_wait3A_234 : memref<1x32xi32, #tpu.memory_space<vmem>> -> memref<32xi32, #tpu.memory_space<vmem>>
    %dma_wait3A_236 = arith.constant 0 : i32
    %dma_wait3A_237 = arith.constant 0 : i32
    %dma_wait3A_238 = tpu.memref_slice %arg4[%dma_wait3A_236, %dma_wait3A_237] : memref<100000x64xf32, #tpu.memory_space<hbm>> -> memref<100000x64xf32, #tpu.memory_space<hbm>>
    tpu.wait_indirect_dma semaphore(%arg31 : memref<!tpu.dma_semaphore, #tpu.memory_space<semaphore_mem>>) src(%dma_wait3A_238 : memref<100000x64xf32, #tpu.memory_space<hbm>>) dst(%arg14 : memref<32x64xf32, #tpu.memory_space<vmem>>)
    "tpu.region"() ({
      %run_scoped3A_253 = tpu.sem_alloc : memref<!tpu.dma_semaphore, #tpu.memory_space<semaphore_mem>>
      %dma_start3A_254 = arith.constant 0 : i32
      %dma_start3A_255 = tpu.memref_slice %arg8[%mul3A_224, %dma_start3A_254] : memref<1024x64xf32, #tpu.memory_space<hbm>> -> memref<32x64xf32, #tpu.memory_space<hbm>>
      %dma_start3A_256 = arith.constant 0 : i32
      %dma_start3A_257 = tpu.memref_slice %arg8[%mul3A_224, %dma_start3A_256] : memref<1024x64xf32, #tpu.memory_space<hbm>> -> memref<32x64xf32, #tpu.memory_space<hbm>>
      tpu.enqueue_dma source(%arg14 : memref<32x64xf32, #tpu.memory_space<vmem>>) target(%dma_start3A_257 : memref<32x64xf32, #tpu.memory_space<hbm>>) target_semaphore(%run_scoped3A_253 : memref<!tpu.dma_semaphore, #tpu.memory_space<semaphore_mem>>)
      %dma_wait3A_258 = arith.constant 0 : i32
      %dma_wait3A_259 = tpu.memref_slice %arg8[%mul3A_224, %dma_wait3A_258] : memref<1024x64xf32, #tpu.memory_space<hbm>> -> memref<32x64xf32, #tpu.memory_space<hbm>>
      %dma_wait3A_260 = arith.constant 0 : i32
      %dma_wait3A_261 = tpu.memref_slice %arg8[%mul3A_224, %dma_wait3A_260] : memref<1024x64xf32, #tpu.memory_space<hbm>> -> memref<32x64xf32, #tpu.memory_space<hbm>>
      tpu.wait_dma2 semaphore(%run_scoped3A_253 : memref<!tpu.dma_semaphore, #tpu.memory_space<semaphore_mem>>) src(%arg14 : memref<32x64xf32, #tpu.memory_space<vmem>>) dst(%dma_wait3A_261 : memref<32x64xf32, #tpu.memory_space<hbm>>)
      tpu.yield
    }) : () -> ()
    %dma_start3A_239 = arith.constant 1 : i32
    %dma_start3A_240 = arith.constant 0 : i32
    %dma_start3A_241 = tpu.memref_slice %arg12[%dma_start3A_239, %dma_start3A_240] : memref<2x32xi32, #tpu.memory_space<vmem>> -> memref<1x32xi32, #tpu.memory_space<vmem>>
    %dma_start3A_242 = tpu.memref_squeeze %dma_start3A_241 : memref<1x32xi32, #tpu.memory_space<vmem>> -> memref<32xi32, #tpu.memory_space<vmem>>
    %dma_start3A_243 = arith.constant 0 : i32
    %dma_start3A_244 = arith.constant 0 : i32
    %dma_start3A_245 = tpu.memref_slice %arg4[%dma_start3A_243, %dma_start3A_244] : memref<100000x64xf32, #tpu.memory_space<hbm>> -> memref<100000x64xf32, #tpu.memory_space<hbm>>
    tpu.enqueue_indirect_dma source(%dma_start3A_245 : memref<100000x64xf32, #tpu.memory_space<hbm>>) target(%arg14 : memref<32x64xf32, #tpu.memory_space<vmem>>) offsets(%dma_start3A_242 : memref<32xi32, #tpu.memory_space<vmem>>) semaphore(%arg31 : memref<!tpu.dma_semaphore, #tpu.memory_space<semaphore_mem>>)
    %dma_wait3A_246 = arith.constant 1 : i32
    %dma_wait3A_247 = arith.constant 0 : i32
    %dma_wait3A_248 = tpu.memref_slice %arg12[%dma_wait3A_246, %dma_wait3A_247] : memref<2x32xi32, #tpu.memory_space<vmem>> -> memref<1x32xi32, #tpu.memory_space<vmem>>
    %dma_wait3A_249 = tpu.memref_squeeze %dma_wait3A_248 : memref<1x32xi32, #tpu.memory_space<vmem>> -> memref<32xi32, #tpu.memory_space<vmem>>
    %dma_wait3A_250 = arith.constant 0 : i32
    %dma_wait3A_251 = arith.constant 0 : i32
    %dma_wait3A_252 = tpu.memref_slice %arg4[%dma_wait3A_250, %dma_wait3A_251] : memref<100000x64xf32, #tpu.memory_space<hbm>> -> memref<100000x64xf32, #tpu.memory_space<hbm>>
    tpu.wait_indirect_dma semaphore(%arg31 : memref<!tpu.dma_semaphore, #tpu.memory_space<semaphore_mem>>) src(%dma_wait3A_252 : memref<100000x64xf32, #tpu.memory_space<hbm>>) dst(%arg14 : memref<32x64xf32, #tpu.memory_space<vmem>>)
    "tpu.region"() ({
      %run_scoped3A_253 = tpu.sem_alloc : memref<!tpu.dma_semaphore, #tpu.memory_space<semaphore_mem>>
      %dma_start3A_254 = arith.constant 0 : i32
      %dma_start3A_255 = tpu.memref_slice %arg9[%mul3A_224, %dma_start3A_254] : memref<1024x64xf32, #tpu.memory_space<hbm>> -> memref<32x64xf32, #tpu.memory_space<hbm>>
      %dma_start3A_256 = arith.constant 0 : i32
      %dma_start3A_257 = tpu.memref_slice %arg9[%mul3A_224, %dma_start3A_256] : memref<1024x64xf32, #tpu.memory_space<hbm>> -> memref<32x64xf32, #tpu.memory_space<hbm>>
      tpu.enqueue_dma source(%arg14 : memref<32x64xf32, #tpu.memory_space<vmem>>) target(%dma_start3A_257 : memref<32x64xf32, #tpu.memory_space<hbm>>) target_semaphore(%run_scoped3A_253 : memref<!tpu.dma_semaphore, #tpu.memory_space<semaphore_mem>>)
      %dma_wait3A_258 = arith.constant 0 : i32
      %dma_wait3A_259 = tpu.memref_slice %arg9[%mul3A_224, %dma_wait3A_258] : memref<1024x64xf32, #tpu.memory_space<hbm>> -> memref<32x64xf32, #tpu.memory_space<hbm>>
      %dma_wait3A_260 = arith.constant 0 : i32
      %dma_wait3A_261 = tpu.memref_slice %arg9[%mul3A_224, %dma_wait3A_260] : memref<1024x64xf32, #tpu.memory_space<hbm>> -> memref<32x64xf32, #tpu.memory_space<hbm>>
      tpu.wait_dma2 semaphore(%run_scoped3A_253 : memref<!tpu.dma_semaphore, #tpu.memory_space<semaphore_mem>>) src(%arg14 : memref<32x64xf32, #tpu.memory_space<vmem>>) dst(%dma_wait3A_261 : memref<32x64xf32, #tpu.memory_space<hbm>>)
      tpu.yield
    }) : () -> ()
    return
  }
}

module attributes {stable_mosaic.version = 14 : i64} {
  func.func @_p123_body(%arg0: i32, %arg1: memref<3200x64xf32, #tpu.memory_space<vmem>>, %arg2: memref<16x64xf32, #tpu.memory_space<vmem>>, %arg3: memref<16x1xf32, #tpu.memory_space<vmem>>, %arg4: memref<64x128xbf16, #tpu.memory_space<vmem>>, %arg5: memref<64x128xbf16, #tpu.memory_space<vmem>>, %arg6: memref<64x128xbf16, #tpu.memory_space<vmem>>, %arg7: memref<1x128xf32, #tpu.memory_space<vmem>>, %arg8: memref<1x128xf32, #tpu.memory_space<vmem>>, %arg9: memref<128x64xbf16, #tpu.memory_space<vmem>>, %arg10: memref<1x64xf32, #tpu.memory_space<vmem>>, %arg11: memref<1x64xf32, #tpu.memory_space<vmem>>, %arg12: memref<1x64xf32, #tpu.memory_space<vmem>>, %arg13: memref<1x1xf32, #tpu.memory_space<vmem>>, %arg14: memref<16x64xf32, #tpu.memory_space<vmem>>, %arg15: memref<204800x64xbf16, #tpu.memory_space<vmem>>, %arg16: memref<2x128xf32, #tpu.memory_space<vmem>>, %arg17: memref<2x64xf32, #tpu.memory_space<vmem>>) attributes {dimension_semantics = [#tpu.dimension_semantics<arbitrary>], iteration_bounds = array<i64: 192>, scalar_prefetch = 0 : i64, scratch_operands = 3 : i64, tpu.core_type = #tpu.core_type<tc>, window_params = [{transform_indices = @transform_0, window_bounds = array<i64: 3200, 64>}, {transform_indices = @transform_1, window_bounds = array<i64: 16, 64>}, {transform_indices = @transform_2, window_bounds = array<i64: 16, 1>}, {pipeline_mode = #tpu.pipeline_mode<synchronous>, transform_indices = @transform_3, window_bounds = array<i64: 64, 128>}, {pipeline_mode = #tpu.pipeline_mode<synchronous>, transform_indices = @transform_4, window_bounds = array<i64: 64, 128>}, {pipeline_mode = #tpu.pipeline_mode<synchronous>, transform_indices = @transform_5, window_bounds = array<i64: 64, 128>}, {pipeline_mode = #tpu.pipeline_mode<synchronous>, transform_indices = @transform_6, window_bounds = array<i64: 1, 128>}, {pipeline_mode = #tpu.pipeline_mode<synchronous>, transform_indices = @transform_7, window_bounds = array<i64: 1, 128>}, {pipeline_mode = #tpu.pipeline_mode<synchronous>, transform_indices = @transform_8, window_bounds = array<i64: 128, 64>}, {pipeline_mode = #tpu.pipeline_mode<synchronous>, transform_indices = @transform_9, window_bounds = array<i64: 1, 64>}, {pipeline_mode = #tpu.pipeline_mode<synchronous>, transform_indices = @transform_10, window_bounds = array<i64: 1, 64>}, {pipeline_mode = #tpu.pipeline_mode<synchronous>, transform_indices = @transform_11, window_bounds = array<i64: 1, 64>}, {pipeline_mode = #tpu.pipeline_mode<synchronous>, transform_indices = @transform_12, window_bounds = array<i64: 1, 1>}, {transform_indices = @transform_13, window_bounds = array<i64: 16, 64>}]} {
    %eq3A = arith.constant 0 : i32
    %eq3A_0 = arith.cmpi eq, %arg0, %eq3A : i32
    %convert_element_type3A = arith.extui %eq3A_0 : i1 to i32
    %cond3A = arith.constant 0 : i32
    %cond3A_1 = arith.cmpi ne, %convert_element_type3A, %cond3A : i32
    scf.if %cond3A_1 {
      %broadcast_in_dim3A = arith.constant 0.000000e+00 : f32
      %broadcast_in_dim3A_17 = vector.broadcast %broadcast_in_dim3A : f32 to vector<2x128xf32>
      %swap3A = arith.constant 0 : index
      %swap3A_18 = arith.constant 0 : index
      %swap3A_19 = vector.load %arg16[%swap3A, %swap3A_18] : memref<2x128xf32, #tpu.memory_space<vmem>>, vector<2x128xf32>
      tpu.vector_store %arg16[%swap3A, %swap3A_18], %broadcast_in_dim3A_17 {strides = array<i32>} : memref<2x128xf32, #tpu.memory_space<vmem>>, vector<2x128xf32>,
      %broadcast_in_dim3A_20 = arith.constant 0.000000e+00 : f32
      %broadcast_in_dim3A_21 = vector.broadcast %broadcast_in_dim3A_20 : f32 to vector<2x64xf32>
      %swap3A_22 = arith.constant 0 : index
      %swap3A_23 = arith.constant 0 : index
      %swap3A_24 = vector.load %arg17[%swap3A_22, %swap3A_23] : memref<2x64xf32, #tpu.memory_space<vmem>>, vector<2x64xf32>
      tpu.vector_store %arg17[%swap3A_22, %swap3A_23], %broadcast_in_dim3A_21 {strides = array<i32>} : memref<2x64xf32, #tpu.memory_space<vmem>>, vector<2x64xf32>,
    } else {
    }
    %lt3A = arith.constant 64 : i32
    %lt3A_2 = arith.cmpi slt, %arg0, %lt3A : i32
    %convert_element_type3A_3 = arith.extui %lt3A_2 : i1 to i32
    %cond3A_4 = arith.constant 0 : i32
    %cond3A_5 = arith.cmpi ne, %convert_element_type3A_3, %cond3A_4 : i32
    scf.if %cond3A_5 {
      %get3A = arith.constant 0 : index
      %get3A_17 = arith.constant 0 : index
      %get3A_18 = vector.load %arg1[%get3A, %get3A_17] : memref<3200x64xf32, #tpu.memory_space<vmem>>, vector<3200x64xf32>
      %reshape3A = vector.shape_cast %get3A_18 : vector<3200x64xf32> to vector<16x200x64xf32>
      %iota3A = tpu.iota {dimensions = array<i32: 1>} : vector<16x200x64xi32>
      %convert_element_type3A_19 = arith.sitofp %iota3A : vector<16x200x64xi32> to vector<16x200x64xf32>
      %get3A_20 = arith.constant 0 : index
      %get3A_21 = arith.constant 0 : index
      %get3A_22 = vector.load %arg3[%get3A_20, %get3A_21] : memref<16x1xf32, #tpu.memory_space<vmem>>, vector<16x1xf32>
      %reshape3A_23 = vector.shape_cast %get3A_22 : vector<16x1xf32> to vector<16x1x1xf32>
      %lt3A_24 = vector.broadcast %reshape3A_23 : vector<16x1x1xf32> to vector<16x200x64xf32>
      %lt3A_25 = arith.cmpf olt, %convert_element_type3A_19, %lt3A_24 : vector<16x200x64xf32>
      %jit3A = arith.constant 0.000000e+00 : f32
      %broadcast_in_dim3A = vector.broadcast %jit3A : f32 to vector<16x200x64xf32>
      %select_n3A = arith.select %lt3A_25, %reshape3A, %broadcast_in_dim3A : vector<16x200x64xi1>, vector<16x200x64xf32>
      %get3A_26 = arith.constant 0 : index
      %get3A_27 = arith.constant 0 : index
      %get3A_28 = vector.load %arg2[%get3A_26, %get3A_27] : memref<16x64xf32, #tpu.memory_space<vmem>>, vector<16x64xf32>
      %reshape3A_29 = vector.shape_cast %get3A_28 : vector<16x64xf32> to vector<16x1x64xf32>
      %broadcast_in_dim3A_30 = vector.shape_cast %reshape3A_29 : vector<16x1x64xf32> to vector<16x1x64xf32>
      %broadcast_in_dim3A_31 = vector.broadcast %broadcast_in_dim3A_30 : vector<16x1x64xf32> to vector<16x200x64xf32>
      %reshape3A_32 = vector.shape_cast %select_n3A : vector<16x200x64xf32> to vector<3200x64xf32>
      %convert_element_type3A_33 = arith.truncf %reshape3A_32 : vector<3200x64xf32> to vector<3200x64xbf16>
      %mul3A = arith.mulf %broadcast_in_dim3A_31, %select_n3A : vector<16x200x64xf32>
      %reshape3A_34 = vector.shape_cast %mul3A : vector<16x200x64xf32> to vector<3200x64xf32>
      %convert_element_type3A_35 = arith.truncf %reshape3A_34 : vector<3200x64xf32> to vector<3200x64xbf16>
      %get3A_36 = arith.constant 0 : index
      %get3A_37 = arith.constant 0 : index
      %get3A_38 = vector.load %arg5[%get3A_36, %get3A_37] : memref<64x128xbf16, #tpu.memory_space<vmem>>, vector<64x128xbf16>
      %dot_general3A = arith.constant dense<0.000000e+00> : vector<3200x128xf32>
      %dot_general3A_39 = tpu.matmul %convert_element_type3A_33, %get3A_38, %dot_general3A {dimension_numbers = #tpu.dot_dimension_numbers<[1], [0], [0], [1], [0, 0, 1, 1], [], []>, transpose_lhs_hint = false} : vector<3200x64xbf16>, vector<64x128xbf16>, vector<3200x128xf32> -> vector<3200x128xf32>
      %get3A_40 = arith.constant 0 : index
      %get3A_41 = arith.constant 0 : index
      %get3A_42 = vector.load %arg6[%get3A_40, %get3A_41] : memref<64x128xbf16, #tpu.memory_space<vmem>>, vector<64x128xbf16>
      %dot_general3A_43 = arith.constant dense<0.000000e+00> : vector<3200x128xf32>
      %dot_general3A_44 = tpu.matmul %convert_element_type3A_35, %get3A_42, %dot_general3A_43 {dimension_numbers = #tpu.dot_dimension_numbers<[1], [0], [0], [1], [0, 0, 1, 1], [], []>, transpose_lhs_hint = false} : vector<3200x64xbf16>, vector<64x128xbf16>, vector<3200x128xf32> -> vector<3200x128xf32>
      %add3A = arith.addf %dot_general3A_39, %dot_general3A_44 : vector<3200x128xf32>
      %get3A_45 = arith.constant 0 : index
      %get3A_46 = arith.constant 0 : index
      %get3A_47 = vector.load %arg2[%get3A_45, %get3A_46] : memref<16x64xf32, #tpu.memory_space<vmem>>, vector<16x64xf32>
      %convert_element_type3A_48 = arith.truncf %get3A_47 : vector<16x64xf32> to vector<16x64xbf16>
      %get3A_49 = arith.constant 0 : index
      %get3A_50 = arith.constant 0 : index
      %get3A_51 = vector.load %arg4[%get3A_49, %get3A_50] : memref<64x128xbf16, #tpu.memory_space<vmem>>, vector<64x128xbf16>
      %dot_general3A_52 = arith.constant dense<0.000000e+00> : vector<16x128xf32>
      %dot_general3A_53 = tpu.matmul %convert_element_type3A_48, %get3A_51, %dot_general3A_52 {dimension_numbers = #tpu.dot_dimension_numbers<[1], [0], [0], [1], [0, 0, 1, 1], [], []>, transpose_lhs_hint = false} : vector<16x64xbf16>, vector<64x128xbf16>, vector<16x128xf32> -> vector<16x128xf32>
      %reshape3A_54 = vector.shape_cast %add3A : vector<3200x128xf32> to vector<16x200x128xf32>
      %reshape3A_55 = vector.shape_cast %dot_general3A_53 : vector<16x128xf32> to vector<16x1x128xf32>
      %add3A_56 = vector.broadcast %reshape3A_55 : vector<16x1x128xf32> to vector<16x200x128xf32>
      %add3A_57 = arith.addf %reshape3A_54, %add3A_56 : vector<16x200x128xf32>
      %reshape3A_58 = vector.shape_cast %add3A_57 : vector<16x200x128xf32> to vector<3200x128xf32>
      %get3A_59 = arith.constant 0 : index
      %get3A_60 = arith.constant 0 : index
      %get3A_61 = vector.load %arg7[%get3A_59, %get3A_60] : memref<1x128xf32, #tpu.memory_space<vmem>>, vector<1x128xf32>
      %add3A_62 = vector.broadcast %get3A_61 : vector<1x128xf32> to vector<3200x128xf32>
      %add3A_63 = arith.addf %reshape3A_58, %add3A_62 : vector<3200x128xf32>
      %get3A_64 = arith.constant 0 : index
      %get3A_65 = arith.constant 0 : index
      %get3A_66 = vector.load %arg16[%get3A_64, %get3A_65] : memref<2x128xf32, #tpu.memory_space<vmem>>, vector<1x128xf32>
      %reduce_sum3A = arith.constant dense<0.000000e+00> : vector<128xf32>
      %reduce_sum3A_67 = vector.multi_reduction <add>, %add3A_63, %reduce_sum3A [0] : vector<3200x128xf32> to vector<128xf32>
      %broadcast_in_dim3A_68 = vector.shape_cast %reduce_sum3A_67 : vector<128xf32> to vector<1x128xf32>
      %add3A_69 = arith.addf %get3A_66, %broadcast_in_dim3A_68 : vector<1x128xf32>
      %swap3A = arith.constant 0 : index
      %swap3A_70 = arith.constant 0 : index
      %swap3A_71 = vector.load %arg16[%swap3A, %swap3A_70] : memref<2x128xf32, #tpu.memory_space<vmem>>, vector<1x128xf32>
      tpu.vector_store %arg16[%swap3A, %swap3A_70], %add3A_69 {strides = array<i32>} : memref<2x128xf32, #tpu.memory_space<vmem>>, vector<1x128xf32>,
      %get3A_72 = arith.constant 1 : index
      %get3A_73 = arith.constant 0 : index
      %get3A_74 = vector.load %arg16[%get3A_72, %get3A_73] : memref<2x128xf32, #tpu.memory_space<vmem>>, vector<1x128xf32>
      %mul3A_75 = arith.mulf %add3A_63, %add3A_63 : vector<3200x128xf32>
      %reduce_sum3A_76 = arith.constant dense<0.000000e+00> : vector<128xf32>
      %reduce_sum3A_77 = vector.multi_reduction <add>, %mul3A_75, %reduce_sum3A_76 [0] : vector<3200x128xf32> to vector<128xf32>
      %broadcast_in_dim3A_78 = vector.shape_cast %reduce_sum3A_77 : vector<128xf32> to vector<1x128xf32>
      %add3A_79 = arith.addf %get3A_74, %broadcast_in_dim3A_78 : vector<1x128xf32>
      %swap3A_80 = arith.constant 1 : index
      %swap3A_81 = arith.constant 0 : index
      %swap3A_82 = vector.load %arg16[%swap3A_80, %swap3A_81] : memref<2x128xf32, #tpu.memory_space<vmem>>, vector<1x128xf32>
      tpu.vector_store %arg16[%swap3A_80, %swap3A_81], %add3A_79 {strides = array<i32>} : memref<2x128xf32, #tpu.memory_space<vmem>>, vector<1x128xf32>,
    } else {
    }
    %ge3A = arith.constant 64 : i32
    %ge3A_6 = arith.cmpi sge, %arg0, %ge3A : i32
    %lt3A_7 = arith.constant 128 : i32
    %lt3A_8 = arith.cmpi slt, %arg0, %lt3A_7 : i32
    %and3A = arith.andi %ge3A_6, %lt3A_8 : i1
    %convert_element_type3A_9 = arith.extui %and3A : i1 to i32
    %cond3A_10 = arith.constant 0 : i32
    %cond3A_11 = arith.cmpi ne, %convert_element_type3A_9, %cond3A_10 : i32
    scf.if %cond3A_11 {
      %sub3A = arith.constant 64 : i32
      %sub3A_17 = arith.subi %arg0, %sub3A : i32
      %get3A = arith.constant 0 : index
      %get3A_18 = arith.constant 0 : index
      %get3A_19 = vector.load %arg1[%get3A, %get3A_18] : memref<3200x64xf32, #tpu.memory_space<vmem>>, vector<3200x64xf32>
      %reshape3A = vector.shape_cast %get3A_19 : vector<3200x64xf32> to vector<16x200x64xf32>
      %iota3A = tpu.iota {dimensions = array<i32: 1>} : vector<16x200x64xi32>
      %convert_element_type3A_20 = arith.sitofp %iota3A : vector<16x200x64xi32> to vector<16x200x64xf32>
      %get3A_21 = arith.constant 0 : index
      %get3A_22 = arith.constant 0 : index
      %get3A_23 = vector.load %arg3[%get3A_21, %get3A_22] : memref<16x1xf32, #tpu.memory_space<vmem>>, vector<16x1xf32>
      %reshape3A_24 = vector.shape_cast %get3A_23 : vector<16x1xf32> to vector<16x1x1xf32>
      %lt3A_25 = vector.broadcast %reshape3A_24 : vector<16x1x1xf32> to vector<16x200x64xf32>
      %lt3A_26 = arith.cmpf olt, %convert_element_type3A_20, %lt3A_25 : vector<16x200x64xf32>
      %jit3A = arith.constant 0.000000e+00 : f32
      %broadcast_in_dim3A = vector.broadcast %jit3A : f32 to vector<16x200x64xf32>
      %select_n3A = arith.select %lt3A_26, %reshape3A, %broadcast_in_dim3A : vector<16x200x64xi1>, vector<16x200x64xf32>
      %get3A_27 = arith.constant 0 : index
      %get3A_28 = arith.constant 0 : index
      %get3A_29 = vector.load %arg2[%get3A_27, %get3A_28] : memref<16x64xf32, #tpu.memory_space<vmem>>, vector<16x64xf32>
      %reshape3A_30 = vector.shape_cast %get3A_29 : vector<16x64xf32> to vector<16x1x64xf32>
      %broadcast_in_dim3A_31 = vector.shape_cast %reshape3A_30 : vector<16x1x64xf32> to vector<16x1x64xf32>
      %broadcast_in_dim3A_32 = vector.broadcast %broadcast_in_dim3A_31 : vector<16x1x64xf32> to vector<16x200x64xf32>
      %reshape3A_33 = vector.shape_cast %select_n3A : vector<16x200x64xf32> to vector<3200x64xf32>
      %convert_element_type3A_34 = arith.truncf %reshape3A_33 : vector<3200x64xf32> to vector<3200x64xbf16>
      %mul3A = arith.mulf %broadcast_in_dim3A_32, %select_n3A : vector<16x200x64xf32>
      %reshape3A_35 = vector.shape_cast %mul3A : vector<16x200x64xf32> to vector<3200x64xf32>
      %convert_element_type3A_36 = arith.truncf %reshape3A_35 : vector<3200x64xf32> to vector<3200x64xbf16>
      %get3A_37 = arith.constant 0 : index
      %get3A_38 = arith.constant 0 : index
      %get3A_39 = vector.load %arg5[%get3A_37, %get3A_38] : memref<64x128xbf16, #tpu.memory_space<vmem>>, vector<64x128xbf16>
      %dot_general3A = arith.constant dense<0.000000e+00> : vector<3200x128xf32>
      %dot_general3A_40 = tpu.matmul %convert_element_type3A_34, %get3A_39, %dot_general3A {dimension_numbers = #tpu.dot_dimension_numbers<[1], [0], [0], [1], [0, 0, 1, 1], [], []>, transpose_lhs_hint = false} : vector<3200x64xbf16>, vector<64x128xbf16>, vector<3200x128xf32> -> vector<3200x128xf32>
      %get3A_41 = arith.constant 0 : index
      %get3A_42 = arith.constant 0 : index
      %get3A_43 = vector.load %arg6[%get3A_41, %get3A_42] : memref<64x128xbf16, #tpu.memory_space<vmem>>, vector<64x128xbf16>
      %dot_general3A_44 = arith.constant dense<0.000000e+00> : vector<3200x128xf32>
      %dot_general3A_45 = tpu.matmul %convert_element_type3A_36, %get3A_43, %dot_general3A_44 {dimension_numbers = #tpu.dot_dimension_numbers<[1], [0], [0], [1], [0, 0, 1, 1], [], []>, transpose_lhs_hint = false} : vector<3200x64xbf16>, vector<64x128xbf16>, vector<3200x128xf32> -> vector<3200x128xf32>
      %add3A = arith.addf %dot_general3A_40, %dot_general3A_45 : vector<3200x128xf32>
      %get3A_46 = arith.constant 0 : index
      %get3A_47 = arith.constant 0 : index
      %get3A_48 = vector.load %arg2[%get3A_46, %get3A_47] : memref<16x64xf32, #tpu.memory_space<vmem>>, vector<16x64xf32>
      %convert_element_type3A_49 = arith.truncf %get3A_48 : vector<16x64xf32> to vector<16x64xbf16>
      %get3A_50 = arith.constant 0 : index
      %get3A_51 = arith.constant 0 : index
      %get3A_52 = vector.load %arg4[%get3A_50, %get3A_51] : memref<64x128xbf16, #tpu.memory_space<vmem>>, vector<64x128xbf16>
      %dot_general3A_53 = arith.constant dense<0.000000e+00> : vector<16x128xf32>
      %dot_general3A_54 = tpu.matmul %convert_element_type3A_49, %get3A_52, %dot_general3A_53 {dimension_numbers = #tpu.dot_dimension_numbers<[1], [0], [0], [1], [0, 0, 1, 1], [], []>, transpose_lhs_hint = false} : vector<16x64xbf16>, vector<64x128xbf16>, vector<16x128xf32> -> vector<16x128xf32>
      %reshape3A_55 = vector.shape_cast %add3A : vector<3200x128xf32> to vector<16x200x128xf32>
      %reshape3A_56 = vector.shape_cast %dot_general3A_54 : vector<16x128xf32> to vector<16x1x128xf32>
      %add3A_57 = vector.broadcast %reshape3A_56 : vector<16x1x128xf32> to vector<16x200x128xf32>
      %add3A_58 = arith.addf %reshape3A_55, %add3A_57 : vector<16x200x128xf32>
      %reshape3A_59 = vector.shape_cast %add3A_58 : vector<16x200x128xf32> to vector<3200x128xf32>
      %get3A_60 = arith.constant 0 : index
      %get3A_61 = arith.constant 0 : index
      %get3A_62 = vector.load %arg7[%get3A_60, %get3A_61] : memref<1x128xf32, #tpu.memory_space<vmem>>, vector<1x128xf32>
      %add3A_63 = vector.broadcast %get3A_62 : vector<1x128xf32> to vector<3200x128xf32>
      %add3A_64 = arith.addf %reshape3A_59, %add3A_63 : vector<3200x128xf32>
      %get3A_65 = arith.constant 0 : index
      %get3A_66 = arith.constant 0 : index
      %get3A_67 = vector.load %arg16[%get3A_65, %get3A_66] : memref<2x128xf32, #tpu.memory_space<vmem>>, vector<2x128xf32>
      %get3A_68 = arith.constant 0 : index
      %get3A_69 = arith.constant 0 : index
      %get3A_70 = vector.load %arg8[%get3A_68, %get3A_69] : memref<1x128xf32, #tpu.memory_space<vmem>>, vector<1x128xf32>
      %slice3A = vector.extract_strided_slice %get3A_67 {offsets = [0, 0], sizes = [1, 128], strides = [1, 1]} : vector<2x128xf32> to vector<1x128xf32>
      %mul3A_71 = arith.constant 4.88281239E-6 : f32
      %mul3A_72 = vector.broadcast %mul3A_71 : f32 to vector<1x128xf32>
      %mul3A_73 = arith.mulf %slice3A, %mul3A_72 : vector<1x128xf32>
      %slice3A_74 = vector.extract_strided_slice %get3A_67 {offsets = [1, 0], sizes = [1, 128], strides = [1, 1]} : vector<2x128xf32> to vector<1x128xf32>
      %mul3A_75 = arith.constant 4.88281239E-6 : f32
      %mul3A_76 = vector.broadcast %mul3A_75 : f32 to vector<1x128xf32>
      %mul3A_77 = arith.mulf %slice3A_74, %mul3A_76 : vector<1x128xf32>
      %mul3A_78 = arith.mulf %mul3A_73, %mul3A_73 : vector<1x128xf32>
      %sub3A_79 = arith.subf %mul3A_77, %mul3A_78 : vector<1x128xf32>
      %sub3A_80 = vector.broadcast %mul3A_73 : vector<1x128xf32> to vector<3200x128xf32>
      %sub3A_81 = arith.subf %add3A_64, %sub3A_80 : vector<3200x128xf32>
      %add3A_82 = arith.constant 9.99999974E-6 : f32
      %add3A_83 = vector.broadcast %add3A_82 : f32 to vector<1x128xf32>
      %add3A_84 = arith.addf %sub3A_79, %add3A_83 : vector<1x128xf32>
      %rsqrt3A = math.rsqrt %add3A_84 : vector<1x128xf32>
      %mul3A_85 = vector.broadcast %rsqrt3A : vector<1x128xf32> to vector<3200x128xf32>
      %mul3A_86 = arith.mulf %sub3A_81, %mul3A_85 : vector<3200x128xf32>
      %logistic3A = arith.negf %mul3A_86 : vector<3200x128xf32>
      %logistic3A_87 = math.exp %logistic3A : vector<3200x128xf32>
      %logistic3A_88 = arith.constant 1.000000e+00 : f32
      %logistic3A_89 = vector.broadcast %logistic3A_88 : f32 to vector<3200x128xf32>
      %logistic3A_90 = arith.addf %logistic3A_89, %logistic3A_87 : vector<3200x128xf32>
      %logistic3A_91 = arith.divf %logistic3A_89, %logistic3A_90 : vector<3200x128xf32>
      %sub3A_92 = arith.constant 1.000000e+00 : f32
      %sub3A_93 = vector.broadcast %sub3A_92 : f32 to vector<3200x128xf32>
      %sub3A_94 = arith.subf %sub3A_93, %logistic3A_91 : vector<3200x128xf32>
      %mul3A_95 = vector.broadcast %get3A_70 : vector<1x128xf32> to vector<3200x128xf32>
      %mul3A_96 = arith.mulf %sub3A_94, %mul3A_95 : vector<3200x128xf32>
      %add3A_97 = arith.addf %logistic3A_91, %mul3A_96 : vector<3200x128xf32>
      %mul3A_98 = arith.mulf %add3A_64, %add3A_97 : vector<3200x128xf32>
      %convert_element_type3A_99 = arith.truncf %mul3A_98 : vector<3200x128xf32> to vector<3200x128xbf16>
      %get3A_100 = arith.constant 0 : index
      %get3A_101 = arith.constant 0 : index
      %get3A_102 = vector.load %arg9[%get3A_100, %get3A_101] : memref<128x64xbf16, #tpu.memory_space<vmem>>, vector<128x64xbf16>
      %dot_general3A_103 = arith.constant dense<0.000000e+00> : vector<3200x64xf32>
      %dot_general3A_104 = tpu.matmul %convert_element_type3A_99, %get3A_102, %dot_general3A_103 {dimension_numbers = #tpu.dot_dimension_numbers<[1], [0], [0], [1], [0, 0, 1, 1], [], []>, transpose_lhs_hint = false} : vector<3200x128xbf16>, vector<128x64xbf16>, vector<3200x64xf32> -> vector<3200x64xf32>
      %get3A_105 = arith.constant 0 : index
      %get3A_106 = arith.constant 0 : index
      %get3A_107 = vector.load %arg10[%get3A_105, %get3A_106] : memref<1x64xf32, #tpu.memory_space<vmem>>, vector<1x64xf32>
      %add3A_108 = vector.broadcast %get3A_107 : vector<1x64xf32> to vector<3200x64xf32>
      %add3A_109 = arith.addf %dot_general3A_104, %add3A_108 : vector<3200x64xf32>
      %convert_element_type3A_110 = arith.truncf %add3A_109 : vector<3200x64xf32> to vector<3200x64xbf16>
      %mul3A_111 = arith.constant 3200 : i32
      %mul3A_112 = arith.muli %sub3A_17, %mul3A_111 : i32
      %swap3A = arith.index_cast %mul3A_112 : i32 to index
      %swap3A_113 = arith.constant 0 : index
      %swap3A_114 = vector.load %arg15[%swap3A, %swap3A_113] : memref<204800x64xbf16, #tpu.memory_space<vmem>>, vector<3200x64xbf16>
      tpu.vector_store %arg15[%swap3A, %swap3A_113], %convert_element_type3A_110 {strides = array<i32>} : memref<204800x64xbf16, #tpu.memory_space<vmem>>, vector<3200x64xbf16>,
      %get3A_115 = arith.constant 0 : index
      %get3A_116 = arith.constant 0 : index
      %get3A_117 = vector.load %arg17[%get3A_115, %get3A_116] : memref<2x64xf32, #tpu.memory_space<vmem>>, vector<1x64xf32>
      %reduce_sum3A = arith.constant dense<0.000000e+00> : vector<64xf32>
      %reduce_sum3A_118 = vector.multi_reduction <add>, %add3A_109, %reduce_sum3A [0] : vector<3200x64xf32> to vector<64xf32>
      %broadcast_in_dim3A_119 = vector.shape_cast %reduce_sum3A_118 : vector<64xf32> to vector<1x64xf32>
      %add3A_120 = arith.addf %get3A_117, %broadcast_in_dim3A_119 : vector<1x64xf32>
      %swap3A_121 = arith.constant 0 : index
      %swap3A_122 = arith.constant 0 : index
      %swap3A_123 = vector.load %arg17[%swap3A_121, %swap3A_122] : memref<2x64xf32, #tpu.memory_space<vmem>>, vector<1x64xf32>
      tpu.vector_store %arg17[%swap3A_121, %swap3A_122], %add3A_120 {strides = array<i32>} : memref<2x64xf32, #tpu.memory_space<vmem>>, vector<1x64xf32>,
      %get3A_124 = arith.constant 1 : index
      %get3A_125 = arith.constant 0 : index
      %get3A_126 = vector.load %arg17[%get3A_124, %get3A_125] : memref<2x64xf32, #tpu.memory_space<vmem>>, vector<1x64xf32>
      %mul3A_127 = arith.mulf %add3A_109, %add3A_109 : vector<3200x64xf32>
      %reduce_sum3A_128 = arith.constant dense<0.000000e+00> : vector<64xf32>
      %reduce_sum3A_129 = vector.multi_reduction <add>, %mul3A_127, %reduce_sum3A_128 [0] : vector<3200x64xf32> to vector<64xf32>
      %broadcast_in_dim3A_130 = vector.shape_cast %reduce_sum3A_129 : vector<64xf32> to vector<1x64xf32>
      %add3A_131 = arith.addf %get3A_126, %broadcast_in_dim3A_130 : vector<1x64xf32>
      %swap3A_132 = arith.constant 1 : index
      %swap3A_133 = arith.constant 0 : index
      %swap3A_134 = vector.load %arg17[%swap3A_132, %swap3A_133] : memref<2x64xf32, #tpu.memory_space<vmem>>, vector<1x64xf32>
      tpu.vector_store %arg17[%swap3A_132, %swap3A_133], %add3A_131 {strides = array<i32>} : memref<2x64xf32, #tpu.memory_space<vmem>>, vector<1x64xf32>,
    } else {
    }
    %ge3A_12 = arith.constant 128 : i32
    %ge3A_13 = arith.cmpi sge, %arg0, %ge3A_12 : i32
    %convert_element_type3A_14 = arith.extui %ge3A_13 : i1 to i32
    %cond3A_15 = arith.constant 0 : i32
    %cond3A_16 = arith.cmpi ne, %convert_element_type3A_14, %cond3A_15 : i32
    scf.if %cond3A_16 {
      %sub3A = arith.constant 128 : i32
      %sub3A_17 = arith.subi %arg0, %sub3A : i32
      %mul3A = arith.constant 3200 : i32
      %mul3A_18 = arith.muli %sub3A_17, %mul3A : i32
      %get3A = arith.index_cast %mul3A_18 : i32 to index
      %get3A_19 = arith.constant 0 : index
      %get3A_20 = vector.load %arg15[%get3A, %get3A_19] : memref<204800x64xbf16, #tpu.memory_space<vmem>>, vector<3200x64xbf16>
      %convert_element_type3A_21 = arith.extf %get3A_20 : vector<3200x64xbf16> to vector<3200x64xf32>
      %get3A_22 = arith.constant 0 : index
      %get3A_23 = arith.constant 0 : index
      %get3A_24 = vector.load %arg17[%get3A_22, %get3A_23] : memref<2x64xf32, #tpu.memory_space<vmem>>, vector<2x64xf32>
      %get3A_25 = arith.constant 0 : index
      %get3A_26 = arith.constant 0 : index
      %get3A_27 = vector.load %arg11[%get3A_25, %get3A_26] : memref<1x64xf32, #tpu.memory_space<vmem>>, vector<1x64xf32>
      %slice3A = vector.extract_strided_slice %get3A_24 {offsets = [0, 0], sizes = [1, 64], strides = [1, 1]} : vector<2x64xf32> to vector<1x64xf32>
      %mul3A_28 = arith.constant 4.88281239E-6 : f32
      %mul3A_29 = vector.broadcast %mul3A_28 : f32 to vector<1x64xf32>
      %mul3A_30 = arith.mulf %slice3A, %mul3A_29 : vector<1x64xf32>
      %slice3A_31 = vector.extract_strided_slice %get3A_24 {offsets = [1, 0], sizes = [1, 64], strides = [1, 1]} : vector<2x64xf32> to vector<1x64xf32>
      %mul3A_32 = arith.constant 4.88281239E-6 : f32
      %mul3A_33 = vector.broadcast %mul3A_32 : f32 to vector<1x64xf32>
      %mul3A_34 = arith.mulf %slice3A_31, %mul3A_33 : vector<1x64xf32>
      %mul3A_35 = arith.mulf %mul3A_30, %mul3A_30 : vector<1x64xf32>
      %sub3A_36 = arith.subf %mul3A_34, %mul3A_35 : vector<1x64xf32>
      %sub3A_37 = vector.broadcast %mul3A_30 : vector<1x64xf32> to vector<3200x64xf32>
      %sub3A_38 = arith.subf %convert_element_type3A_21, %sub3A_37 : vector<3200x64xf32>
      %add3A = arith.constant 9.99999974E-6 : f32
      %add3A_39 = vector.broadcast %add3A : f32 to vector<1x64xf32>
      %add3A_40 = arith.addf %sub3A_36, %add3A_39 : vector<1x64xf32>
      %rsqrt3A = math.rsqrt %add3A_40 : vector<1x64xf32>
      %mul3A_41 = vector.broadcast %rsqrt3A : vector<1x64xf32> to vector<3200x64xf32>
      %mul3A_42 = arith.mulf %sub3A_38, %mul3A_41 : vector<3200x64xf32>
      %logistic3A = arith.negf %mul3A_42 : vector<3200x64xf32>
      %logistic3A_43 = math.exp %logistic3A : vector<3200x64xf32>
      %logistic3A_44 = arith.constant 1.000000e+00 : f32
      %logistic3A_45 = vector.broadcast %logistic3A_44 : f32 to vector<3200x64xf32>
      %logistic3A_46 = arith.addf %logistic3A_45, %logistic3A_43 : vector<3200x64xf32>
      %logistic3A_47 = arith.divf %logistic3A_45, %logistic3A_46 : vector<3200x64xf32>
      %sub3A_48 = arith.constant 1.000000e+00 : f32
      %sub3A_49 = vector.broadcast %sub3A_48 : f32 to vector<3200x64xf32>
      %sub3A_50 = arith.subf %sub3A_49, %logistic3A_47 : vector<3200x64xf32>
      %mul3A_51 = vector.broadcast %get3A_27 : vector<1x64xf32> to vector<3200x64xf32>
      %mul3A_52 = arith.mulf %sub3A_50, %mul3A_51 : vector<3200x64xf32>
      %add3A_53 = arith.addf %logistic3A_47, %mul3A_52 : vector<3200x64xf32>
      %mul3A_54 = arith.mulf %convert_element_type3A_21, %add3A_53 : vector<3200x64xf32>
      %get3A_55 = arith.constant 0 : index
      %get3A_56 = arith.constant 0 : index
      %get3A_57 = vector.load %arg12[%get3A_55, %get3A_56] : memref<1x64xf32, #tpu.memory_space<vmem>>, vector<1x64xf32>
      %mul3A_58 = vector.broadcast %get3A_57 : vector<1x64xf32> to vector<3200x64xf32>
      %mul3A_59 = arith.mulf %mul3A_54, %mul3A_58 : vector<3200x64xf32>
      %reduce_sum3A = arith.constant dense<0.000000e+00> : vector<3200xf32>
      %reduce_sum3A_60 = vector.multi_reduction <add>, %mul3A_59, %reduce_sum3A [1] : vector<3200x64xf32> to vector<3200xf32>
      %broadcast_in_dim3A = vector.shape_cast %reduce_sum3A_60 : vector<3200xf32> to vector<3200x1xf32>
      %get3A_61 = arith.constant 0 : index
      %get3A_62 = arith.constant 0 : index
      %get3A_63 = vector.load %arg13[%get3A_61, %get3A_62] : memref<1x1xf32, #tpu.memory_space<vmem>>, vector<1x1xf32>
      %add3A_64 = vector.broadcast %get3A_63 : vector<1x1xf32> to vector<3200x1xf32>
      %add3A_65 = arith.addf %broadcast_in_dim3A, %add3A_64 : vector<3200x1xf32>
      %reshape3A = vector.shape_cast %add3A_65 : vector<3200x1xf32> to vector<16x200x1xf32>
      %iota3A = tpu.iota {dimensions = array<i32: 1>} : vector<16x200x1xi32>
      %convert_element_type3A_66 = arith.sitofp %iota3A : vector<16x200x1xi32> to vector<16x200x1xf32>
      %get3A_67 = arith.constant 0 : index
      %get3A_68 = arith.constant 0 : index
      %get3A_69 = vector.load %arg3[%get3A_67, %get3A_68] : memref<16x1xf32, #tpu.memory_space<vmem>>, vector<16x1xf32>
      %reshape3A_70 = vector.shape_cast %get3A_69 : vector<16x1xf32> to vector<16x1x1xf32>
      %lt3A_71 = vector.broadcast %reshape3A_70 : vector<16x1x1xf32> to vector<16x200x1xf32>
      %lt3A_72 = arith.cmpf olt, %convert_element_type3A_66, %lt3A_71 : vector<16x200x1xf32>
      %jit3A = arith.constant 0.000000e+00 : f32
      %broadcast_in_dim3A_73 = vector.broadcast %jit3A : f32 to vector<16x200x1xf32>
      %select_n3A = arith.select %lt3A_72, %reshape3A, %broadcast_in_dim3A_73 : vector<16x200x1xi1>, vector<16x200x1xf32>
      %get3A_74 = arith.constant 0 : index
      %get3A_75 = arith.constant 0 : index
      %get3A_76 = vector.load %arg1[%get3A_74, %get3A_75] : memref<3200x64xf32, #tpu.memory_space<vmem>>, vector<3200x64xf32>
      %reshape3A_77 = vector.shape_cast %get3A_76 : vector<3200x64xf32> to vector<16x200x64xf32>
      %mul3A_78 = vector.broadcast %select_n3A : vector<16x200x1xf32> to vector<16x200x64xf32>
      %mul3A_79 = arith.mulf %reshape3A_77, %mul3A_78 : vector<16x200x64xf32>
      %reduce_sum3A_80 = arith.constant dense<0.000000e+00> : vector<16x64xf32>
      %reduce_sum3A_81 = vector.multi_reduction <add>, %mul3A_79, %reduce_sum3A_80 [1] : vector<16x200x64xf32> to vector<16x64xf32>
      %swap3A = arith.constant 0 : index
      %swap3A_82 = arith.constant 0 : index
      %swap3A_83 = vector.load %arg14[%swap3A, %swap3A_82] : memref<16x64xf32, #tpu.memory_space<vmem>>, vector<16x64xf32>
      tpu.vector_store %arg14[%swap3A, %swap3A_82], %reduce_sum3A_81 {strides = array<i32>} : memref<16x64xf32, #tpu.memory_space<vmem>>, vector<16x64xf32>,
    } else {
    }
    return
  }
  func.func @transform_0(%arg0: i32) -> (i32, i32) {
    %rem3A = arith.constant 64 : i32
    %rem3A_0 = arith.remsi %arg0, %rem3A : i32
    %c0_i32 = arith.constant 0 : i32
    %c0_i32_1 = arith.constant 0 : i32
    return %rem3A_0, %c0_i32 : i32, i32
  }
  func.func @transform_1(%arg0: i32) -> (i32, i32) {
    %rem3A = arith.constant 64 : i32
    %rem3A_0 = arith.remsi %arg0, %rem3A : i32
    %c0_i32 = arith.constant 0 : i32
    %c0_i32_1 = arith.constant 0 : i32
    return %rem3A_0, %c0_i32 : i32, i32
  }
  func.func @transform_2(%arg0: i32) -> (i32, i32) {
    %rem3A = arith.constant 64 : i32
    %rem3A_0 = arith.remsi %arg0, %rem3A : i32
    %c0_i32 = arith.constant 0 : i32
    %c0_i32_1 = arith.constant 0 : i32
    return %rem3A_0, %c0_i32 : i32, i32
  }
  func.func @transform_3(%arg0: i32) -> (i32, i32) {
    %c0_i32 = arith.constant 0 : i32
    %c0_i32_0 = arith.constant 0 : i32
    %c0_i32_1 = arith.constant 0 : i32
    return %c0_i32, %c0_i32_0 : i32, i32
  }
  func.func @transform_4(%arg0: i32) -> (i32, i32) {
    %c0_i32 = arith.constant 0 : i32
    %c0_i32_0 = arith.constant 0 : i32
    %c0_i32_1 = arith.constant 0 : i32
    return %c0_i32, %c0_i32_0 : i32, i32
  }
  func.func @transform_5(%arg0: i32) -> (i32, i32) {
    %c0_i32 = arith.constant 0 : i32
    %c0_i32_0 = arith.constant 0 : i32
    %c0_i32_1 = arith.constant 0 : i32
    return %c0_i32, %c0_i32_0 : i32, i32
  }
  func.func @transform_6(%arg0: i32) -> (i32, i32) {
    %c0_i32 = arith.constant 0 : i32
    %c0_i32_0 = arith.constant 0 : i32
    %c0_i32_1 = arith.constant 0 : i32
    return %c0_i32, %c0_i32_0 : i32, i32
  }
  func.func @transform_7(%arg0: i32) -> (i32, i32) {
    %c0_i32 = arith.constant 0 : i32
    %c0_i32_0 = arith.constant 0 : i32
    %c0_i32_1 = arith.constant 0 : i32
    return %c0_i32, %c0_i32_0 : i32, i32
  }
  func.func @transform_8(%arg0: i32) -> (i32, i32) {
    %c0_i32 = arith.constant 0 : i32
    %c0_i32_0 = arith.constant 0 : i32
    %c0_i32_1 = arith.constant 0 : i32
    return %c0_i32, %c0_i32_0 : i32, i32
  }
  func.func @transform_9(%arg0: i32) -> (i32, i32) {
    %c0_i32 = arith.constant 0 : i32
    %c0_i32_0 = arith.constant 0 : i32
    %c0_i32_1 = arith.constant 0 : i32
    return %c0_i32, %c0_i32_0 : i32, i32
  }
  func.func @transform_10(%arg0: i32) -> (i32, i32) {
    %c0_i32 = arith.constant 0 : i32
    %c0_i32_0 = arith.constant 0 : i32
    %c0_i32_1 = arith.constant 0 : i32
    return %c0_i32, %c0_i32_0 : i32, i32
  }
  func.func @transform_11(%arg0: i32) -> (i32, i32) {
    %c0_i32 = arith.constant 0 : i32
    %c0_i32_0 = arith.constant 0 : i32
    %c0_i32_1 = arith.constant 0 : i32
    return %c0_i32, %c0_i32_0 : i32, i32
  }
  func.func @transform_12(%arg0: i32) -> (i32, i32) {
    %c0_i32 = arith.constant 0 : i32
    %c0_i32_0 = arith.constant 0 : i32
    %c0_i32_1 = arith.constant 0 : i32
    return %c0_i32, %c0_i32_0 : i32, i32
  }
  func.func @transform_13(%arg0: i32) -> (i32, i32) {
    %sub3A = arith.constant 128 : i32
    %sub3A_0 = arith.subi %arg0, %sub3A : i32
    %max3A = arith.constant 0 : i32
    %max3A_1 = arith.maxsi %sub3A_0, %max3A : i32
    %c0_i32 = arith.constant 0 : i32
    %c0_i32_2 = arith.constant 0 : i32
    return %max3A_1, %c0_i32 : i32, i32
  }
}

module attributes {stable_mosaic.version = 14 : i64} {
  func.func @_p4_body(%arg0: memref<1024x64xf32, #tpu.memory_space<vmem>>, %arg1: memref<1024x64xf32, #tpu.memory_space<vmem>>, %arg2: memref<1024x64xf32, #tpu.memory_space<vmem>>, %arg3: memref<192x1024xbf16, #tpu.memory_space<vmem>>, %arg4: memref<1x1024xf32, #tpu.memory_space<vmem>>, %arg5: memref<1x1024xf32, #tpu.memory_space<vmem>>, %arg6: memref<1024x512xbf16, #tpu.memory_space<vmem>>, %arg7: memref<1x512xf32, #tpu.memory_space<vmem>>, %arg8: memref<1x512xf32, #tpu.memory_space<vmem>>, %arg9: memref<1x512xf32, #tpu.memory_space<vmem>>, %arg10: memref<1x1xf32, #tpu.memory_space<vmem>>, %arg11: memref<1024x416xf32, #tpu.memory_space<vmem>>, %arg12: memref<1x416xf32, #tpu.memory_space<vmem>>, %arg13: memref<1x1xf32, #tpu.memory_space<vmem>>, %arg14: memref<1024x1664xf32, #tpu.memory_space<vmem>>, %arg15: memref<1664x1024xbf16, #tpu.memory_space<vmem>>, %arg16: memref<1x1024xf32, #tpu.memory_space<vmem>>, %arg17: memref<1024x512xbf16, #tpu.memory_space<vmem>>, %arg18: memref<1x512xf32, #tpu.memory_space<vmem>>, %arg19: memref<1x512xf32, #tpu.memory_space<vmem>>, %arg20: memref<1x1xf32, #tpu.memory_space<vmem>>, %arg21: memref<1024x1xf32, #tpu.memory_space<vmem>>) attributes {dimension_semantics = [], scalar_prefetch = 0 : i64, scratch_operands = 0 : i64, tpu.core_type = #tpu.core_type<tc>} {
    %get3A = arith.constant 0 : index
    %get3A_0 = arith.constant 0 : index
    %get3A_1 = vector.load %arg0[%get3A, %get3A_0] : memref<1024x64xf32, #tpu.memory_space<vmem>>, vector<1024x64xf32>
    %get3A_2 = arith.constant 0 : index
    %get3A_3 = arith.constant 0 : index
    %get3A_4 = vector.load %arg1[%get3A_2, %get3A_3] : memref<1024x64xf32, #tpu.memory_space<vmem>>, vector<1024x64xf32>
    %get3A_5 = arith.constant 0 : index
    %get3A_6 = arith.constant 0 : index
    %get3A_7 = vector.load %arg2[%get3A_5, %get3A_6] : memref<1024x64xf32, #tpu.memory_space<vmem>>, vector<1024x64xf32>
    %concatenate3A = tpu.concatenate %get3A_1, %get3A_4, %get3A_7 in 1 : vector<1024x64xf32>, vector<1024x64xf32>, vector<1024x64xf32> -> vector<1024x192xf32>
    %convert_element_type3A = arith.truncf %concatenate3A : vector<1024x192xf32> to vector<1024x192xbf16>
    %get3A_8 = arith.constant 0 : index
    %get3A_9 = arith.constant 0 : index
    %get3A_10 = vector.load %arg3[%get3A_8, %get3A_9] : memref<192x1024xbf16, #tpu.memory_space<vmem>>, vector<192x1024xbf16>
    %dot_general3A = arith.constant dense<0.000000e+00> : vector<1024x1024xf32>
    %dot_general3A_11 = tpu.matmul %convert_element_type3A, %get3A_10, %dot_general3A {dimension_numbers = #tpu.dot_dimension_numbers<[1], [0], [0], [1], [0, 0, 1, 1], [], []>, transpose_lhs_hint = false} : vector<1024x192xbf16>, vector<192x1024xbf16>, vector<1024x1024xf32> -> vector<1024x1024xf32>
    %get3A_12 = arith.constant 0 : index
    %get3A_13 = arith.constant 0 : index
    %get3A_14 = vector.load %arg4[%get3A_12, %get3A_13] : memref<1x1024xf32, #tpu.memory_space<vmem>>, vector<1x1024xf32>
    %add3A = vector.broadcast %get3A_14 : vector<1x1024xf32> to vector<1024x1024xf32>
    %add3A_15 = arith.addf %dot_general3A_11, %add3A : vector<1024x1024xf32>
    %get3A_16 = arith.constant 0 : index
    %get3A_17 = arith.constant 0 : index
    %get3A_18 = vector.load %arg5[%get3A_16, %get3A_17] : memref<1x1024xf32, #tpu.memory_space<vmem>>, vector<1x1024xf32>
    %reduce_sum3A = arith.constant dense<0.000000e+00> : vector<1024xf32>
    %reduce_sum3A_19 = vector.multi_reduction <add>, %add3A_15, %reduce_sum3A [0] : vector<1024x1024xf32> to vector<1024xf32>
    %broadcast_in_dim3A = vector.shape_cast %reduce_sum3A_19 : vector<1024xf32> to vector<1x1024xf32>
    %mul3A = arith.constant 9.765625E-4 : f32
    %mul3A_20 = vector.broadcast %mul3A : f32 to vector<1x1024xf32>
    %mul3A_21 = arith.mulf %broadcast_in_dim3A, %mul3A_20 : vector<1x1024xf32>
    %sub3A = vector.broadcast %mul3A_21 : vector<1x1024xf32> to vector<1024x1024xf32>
    %sub3A_22 = arith.subf %add3A_15, %sub3A : vector<1024x1024xf32>
    %mul3A_23 = arith.mulf %sub3A_22, %sub3A_22 : vector<1024x1024xf32>
    %reduce_sum3A_24 = arith.constant dense<0.000000e+00> : vector<1024xf32>
    %reduce_sum3A_25 = vector.multi_reduction <add>, %mul3A_23, %reduce_sum3A_24 [0] : vector<1024x1024xf32> to vector<1024xf32>
    %broadcast_in_dim3A_26 = vector.shape_cast %reduce_sum3A_25 : vector<1024xf32> to vector<1x1024xf32>
    %mul3A_27 = arith.constant 9.765625E-4 : f32
    %mul3A_28 = vector.broadcast %mul3A_27 : f32 to vector<1x1024xf32>
    %mul3A_29 = arith.mulf %broadcast_in_dim3A_26, %mul3A_28 : vector<1x1024xf32>
    %add3A_30 = arith.constant 9.99999974E-6 : f32
    %add3A_31 = vector.broadcast %add3A_30 : f32 to vector<1x1024xf32>
    %add3A_32 = arith.addf %mul3A_29, %add3A_31 : vector<1x1024xf32>
    %rsqrt3A = math.rsqrt %add3A_32 : vector<1x1024xf32>
    %mul3A_33 = vector.broadcast %rsqrt3A : vector<1x1024xf32> to vector<1024x1024xf32>
    %mul3A_34 = arith.mulf %sub3A_22, %mul3A_33 : vector<1024x1024xf32>
    %logistic3A = arith.negf %mul3A_34 : vector<1024x1024xf32>
    %logistic3A_35 = math.exp %logistic3A : vector<1024x1024xf32>
    %logistic3A_36 = arith.constant 1.000000e+00 : f32
    %logistic3A_37 = vector.broadcast %logistic3A_36 : f32 to vector<1024x1024xf32>
    %logistic3A_38 = arith.addf %logistic3A_37, %logistic3A_35 : vector<1024x1024xf32>
    %logistic3A_39 = arith.divf %logistic3A_37, %logistic3A_38 : vector<1024x1024xf32>
    %sub3A_40 = arith.constant 1.000000e+00 : f32
    %sub3A_41 = vector.broadcast %sub3A_40 : f32 to vector<1024x1024xf32>
    %sub3A_42 = arith.subf %sub3A_41, %logistic3A_39 : vector<1024x1024xf32>
    %mul3A_43 = vector.broadcast %get3A_18 : vector<1x1024xf32> to vector<1024x1024xf32>
    %mul3A_44 = arith.mulf %sub3A_42, %mul3A_43 : vector<1024x1024xf32>
    %add3A_45 = arith.addf %logistic3A_39, %mul3A_44 : vector<1024x1024xf32>
    %mul3A_46 = arith.mulf %add3A_15, %add3A_45 : vector<1024x1024xf32>
    %convert_element_type3A_47 = arith.truncf %mul3A_46 : vector<1024x1024xf32> to vector<1024x1024xbf16>
    %get3A_48 = arith.constant 0 : index
    %get3A_49 = arith.constant 0 : index
    %get3A_50 = vector.load %arg6[%get3A_48, %get3A_49] : memref<1024x512xbf16, #tpu.memory_space<vmem>>, vector<1024x512xbf16>
    %dot_general3A_51 = arith.constant dense<0.000000e+00> : vector<1024x512xf32>
    %dot_general3A_52 = tpu.matmul %convert_element_type3A_47, %get3A_50, %dot_general3A_51 {dimension_numbers = #tpu.dot_dimension_numbers<[1], [0], [0], [1], [0, 0, 1, 1], [], []>, transpose_lhs_hint = false} : vector<1024x1024xbf16>, vector<1024x512xbf16>, vector<1024x512xf32> -> vector<1024x512xf32>
    %get3A_53 = arith.constant 0 : index
    %get3A_54 = arith.constant 0 : index
    %get3A_55 = vector.load %arg7[%get3A_53, %get3A_54] : memref<1x512xf32, #tpu.memory_space<vmem>>, vector<1x512xf32>
    %add3A_56 = vector.broadcast %get3A_55 : vector<1x512xf32> to vector<1024x512xf32>
    %add3A_57 = arith.addf %dot_general3A_52, %add3A_56 : vector<1024x512xf32>
    %get3A_58 = arith.constant 0 : index
    %get3A_59 = arith.constant 0 : index
    %get3A_60 = vector.load %arg8[%get3A_58, %get3A_59] : memref<1x512xf32, #tpu.memory_space<vmem>>, vector<1x512xf32>
    %reduce_sum3A_61 = arith.constant dense<0.000000e+00> : vector<512xf32>
    %reduce_sum3A_62 = vector.multi_reduction <add>, %add3A_57, %reduce_sum3A_61 [0] : vector<1024x512xf32> to vector<512xf32>
    %broadcast_in_dim3A_63 = vector.shape_cast %reduce_sum3A_62 : vector<512xf32> to vector<1x512xf32>
    %mul3A_64 = arith.constant 9.765625E-4 : f32
    %mul3A_65 = vector.broadcast %mul3A_64 : f32 to vector<1x512xf32>
    %mul3A_66 = arith.mulf %broadcast_in_dim3A_63, %mul3A_65 : vector<1x512xf32>
    %sub3A_67 = vector.broadcast %mul3A_66 : vector<1x512xf32> to vector<1024x512xf32>
    %sub3A_68 = arith.subf %add3A_57, %sub3A_67 : vector<1024x512xf32>
    %mul3A_69 = arith.mulf %sub3A_68, %sub3A_68 : vector<1024x512xf32>
    %reduce_sum3A_70 = arith.constant dense<0.000000e+00> : vector<512xf32>
    %reduce_sum3A_71 = vector.multi_reduction <add>, %mul3A_69, %reduce_sum3A_70 [0] : vector<1024x512xf32> to vector<512xf32>
    %broadcast_in_dim3A_72 = vector.shape_cast %reduce_sum3A_71 : vector<512xf32> to vector<1x512xf32>
    %mul3A_73 = arith.constant 9.765625E-4 : f32
    %mul3A_74 = vector.broadcast %mul3A_73 : f32 to vector<1x512xf32>
    %mul3A_75 = arith.mulf %broadcast_in_dim3A_72, %mul3A_74 : vector<1x512xf32>
    %add3A_76 = arith.constant 9.99999974E-6 : f32
    %add3A_77 = vector.broadcast %add3A_76 : f32 to vector<1x512xf32>
    %add3A_78 = arith.addf %mul3A_75, %add3A_77 : vector<1x512xf32>
    %rsqrt3A_79 = math.rsqrt %add3A_78 : vector<1x512xf32>
    %mul3A_80 = vector.broadcast %rsqrt3A_79 : vector<1x512xf32> to vector<1024x512xf32>
    %mul3A_81 = arith.mulf %sub3A_68, %mul3A_80 : vector<1024x512xf32>
    %logistic3A_82 = arith.negf %mul3A_81 : vector<1024x512xf32>
    %logistic3A_83 = math.exp %logistic3A_82 : vector<1024x512xf32>
    %logistic3A_84 = arith.constant 1.000000e+00 : f32
    %logistic3A_85 = vector.broadcast %logistic3A_84 : f32 to vector<1024x512xf32>
    %logistic3A_86 = arith.addf %logistic3A_85, %logistic3A_83 : vector<1024x512xf32>
    %logistic3A_87 = arith.divf %logistic3A_85, %logistic3A_86 : vector<1024x512xf32>
    %sub3A_88 = arith.constant 1.000000e+00 : f32
    %sub3A_89 = vector.broadcast %sub3A_88 : f32 to vector<1024x512xf32>
    %sub3A_90 = arith.subf %sub3A_89, %logistic3A_87 : vector<1024x512xf32>
    %mul3A_91 = vector.broadcast %get3A_60 : vector<1x512xf32> to vector<1024x512xf32>
    %mul3A_92 = arith.mulf %sub3A_90, %mul3A_91 : vector<1024x512xf32>
    %add3A_93 = arith.addf %logistic3A_87, %mul3A_92 : vector<1024x512xf32>
    %mul3A_94 = arith.mulf %add3A_57, %add3A_93 : vector<1024x512xf32>
    %get3A_95 = arith.constant 0 : index
    %get3A_96 = arith.constant 0 : index
    %get3A_97 = vector.load %arg9[%get3A_95, %get3A_96] : memref<1x512xf32, #tpu.memory_space<vmem>>, vector<1x512xf32>
    %mul3A_98 = vector.broadcast %get3A_97 : vector<1x512xf32> to vector<1024x512xf32>
    %mul3A_99 = arith.mulf %mul3A_94, %mul3A_98 : vector<1024x512xf32>
    %reduce_sum3A_100 = arith.constant dense<0.000000e+00> : vector<1024xf32>
    %reduce_sum3A_101 = vector.multi_reduction <add>, %mul3A_99, %reduce_sum3A_100 [1] : vector<1024x512xf32> to vector<1024xf32>
    %broadcast_in_dim3A_102 = vector.shape_cast %reduce_sum3A_101 : vector<1024xf32> to vector<1024x1xf32>
    %get3A_103 = arith.constant 0 : index
    %get3A_104 = arith.constant 0 : index
    %get3A_105 = vector.load %arg10[%get3A_103, %get3A_104] : memref<1x1xf32, #tpu.memory_space<vmem>>, vector<1x1xf32>
    %add3A_106 = vector.broadcast %get3A_105 : vector<1x1xf32> to vector<1024x1xf32>
    %add3A_107 = arith.addf %broadcast_in_dim3A_102, %add3A_106 : vector<1024x1xf32>
    %get3A_108 = arith.constant 0 : index
    %get3A_109 = arith.constant 0 : index
    %get3A_110 = vector.load %arg11[%get3A_108, %get3A_109] : memref<1024x416xf32, #tpu.memory_space<vmem>>, vector<1024x416xf32>
    %get3A_111 = arith.constant 0 : index
    %get3A_112 = arith.constant 0 : index
    %get3A_113 = vector.load %arg12[%get3A_111, %get3A_112] : memref<1x416xf32, #tpu.memory_space<vmem>>, vector<1x416xf32>
    %mul3A_114 = vector.broadcast %get3A_113 : vector<1x416xf32> to vector<1024x416xf32>
    %mul3A_115 = arith.mulf %get3A_110, %mul3A_114 : vector<1024x416xf32>
    %reduce_sum3A_116 = arith.constant dense<0.000000e+00> : vector<1024xf32>
    %reduce_sum3A_117 = vector.multi_reduction <add>, %mul3A_115, %reduce_sum3A_116 [1] : vector<1024x416xf32> to vector<1024xf32>
    %broadcast_in_dim3A_118 = vector.shape_cast %reduce_sum3A_117 : vector<1024xf32> to vector<1024x1xf32>
    %get3A_119 = arith.constant 0 : index
    %get3A_120 = arith.constant 0 : index
    %get3A_121 = vector.load %arg13[%get3A_119, %get3A_120] : memref<1x1xf32, #tpu.memory_space<vmem>>, vector<1x1xf32>
    %add3A_122 = vector.broadcast %get3A_121 : vector<1x1xf32> to vector<1024x1xf32>
    %add3A_123 = arith.addf %broadcast_in_dim3A_118, %add3A_122 : vector<1024x1xf32>
    %get3A_124 = arith.constant 0 : index
    %get3A_125 = arith.constant 0 : index
    %get3A_126 = vector.load %arg14[%get3A_124, %get3A_125] : memref<1024x1664xf32, #tpu.memory_space<vmem>>, vector<1024x1664xf32>
    %convert_element_type3A_127 = arith.truncf %get3A_126 : vector<1024x1664xf32> to vector<1024x1664xbf16>
    %get3A_128 = arith.constant 0 : index
    %get3A_129 = arith.constant 0 : index
    %get3A_130 = vector.load %arg15[%get3A_128, %get3A_129] : memref<1664x1024xbf16, #tpu.memory_space<vmem>>, vector<1664x1024xbf16>
    %dot_general3A_131 = arith.constant dense<0.000000e+00> : vector<1024x1024xf32>
    %dot_general3A_132 = tpu.matmul %convert_element_type3A_127, %get3A_130, %dot_general3A_131 {dimension_numbers = #tpu.dot_dimension_numbers<[1], [0], [0], [1], [0, 0, 1, 1], [], []>, transpose_lhs_hint = false} : vector<1024x1664xbf16>, vector<1664x1024xbf16>, vector<1024x1024xf32> -> vector<1024x1024xf32>
    %get3A_133 = arith.constant 0 : index
    %get3A_134 = arith.constant 0 : index
    %get3A_135 = vector.load %arg16[%get3A_133, %get3A_134] : memref<1x1024xf32, #tpu.memory_space<vmem>>, vector<1x1024xf32>
    %add3A_136 = vector.broadcast %get3A_135 : vector<1x1024xf32> to vector<1024x1024xf32>
    %add3A_137 = arith.addf %dot_general3A_132, %add3A_136 : vector<1024x1024xf32>
    %reduce_sum3A_138 = arith.constant dense<0.000000e+00> : vector<1024xf32>
    %reduce_sum3A_139 = vector.multi_reduction <add>, %add3A_137, %reduce_sum3A_138 [0] : vector<1024x1024xf32> to vector<1024xf32>
    %broadcast_in_dim3A_140 = vector.shape_cast %reduce_sum3A_139 : vector<1024xf32> to vector<1x1024xf32>
    %mul3A_141 = arith.constant 9.765625E-4 : f32
    %mul3A_142 = vector.broadcast %mul3A_141 : f32 to vector<1x1024xf32>
    %mul3A_143 = arith.mulf %broadcast_in_dim3A_140, %mul3A_142 : vector<1x1024xf32>
    %sub3A_144 = vector.broadcast %mul3A_143 : vector<1x1024xf32> to vector<1024x1024xf32>
    %sub3A_145 = arith.subf %add3A_137, %sub3A_144 : vector<1024x1024xf32>
    %mul3A_146 = arith.mulf %sub3A_145, %sub3A_145 : vector<1024x1024xf32>
    %reduce_sum3A_147 = arith.constant dense<0.000000e+00> : vector<1024xf32>
    %reduce_sum3A_148 = vector.multi_reduction <add>, %mul3A_146, %reduce_sum3A_147 [0] : vector<1024x1024xf32> to vector<1024xf32>
    %broadcast_in_dim3A_149 = vector.shape_cast %reduce_sum3A_148 : vector<1024xf32> to vector<1x1024xf32>
    %mul3A_150 = arith.constant 9.765625E-4 : f32
    %mul3A_151 = vector.broadcast %mul3A_150 : f32 to vector<1x1024xf32>
    %mul3A_152 = arith.mulf %broadcast_in_dim3A_149, %mul3A_151 : vector<1x1024xf32>
    %add3A_153 = arith.constant 9.99999974E-6 : f32
    %add3A_154 = vector.broadcast %add3A_153 : f32 to vector<1x1024xf32>
    %add3A_155 = arith.addf %mul3A_152, %add3A_154 : vector<1x1024xf32>
    %rsqrt3A_156 = math.rsqrt %add3A_155 : vector<1x1024xf32>
    %mul3A_157 = vector.broadcast %rsqrt3A_156 : vector<1x1024xf32> to vector<1024x1024xf32>
    %mul3A_158 = arith.mulf %sub3A_145, %mul3A_157 : vector<1024x1024xf32>
    %max3A = arith.constant 0.000000e+00 : f32
    %max3A_159 = vector.broadcast %max3A : f32 to vector<1024x1024xf32>
    %max3A_160 = arith.maximumf %mul3A_158, %max3A_159 : vector<1024x1024xf32>
    %convert_element_type3A_161 = arith.truncf %max3A_160 : vector<1024x1024xf32> to vector<1024x1024xbf16>
    %get3A_162 = arith.constant 0 : index
    %get3A_163 = arith.constant 0 : index
    %get3A_164 = vector.load %arg17[%get3A_162, %get3A_163] : memref<1024x512xbf16, #tpu.memory_space<vmem>>, vector<1024x512xbf16>
    %dot_general3A_165 = arith.constant dense<0.000000e+00> : vector<1024x512xf32>
    %dot_general3A_166 = tpu.matmul %convert_element_type3A_161, %get3A_164, %dot_general3A_165 {dimension_numbers = #tpu.dot_dimension_numbers<[1], [0], [0], [1], [0, 0, 1, 1], [], []>, transpose_lhs_hint = false} : vector<1024x1024xbf16>, vector<1024x512xbf16>, vector<1024x512xf32> -> vector<1024x512xf32>
    %get3A_167 = arith.constant 0 : index
    %get3A_168 = arith.constant 0 : index
    %get3A_169 = vector.load %arg18[%get3A_167, %get3A_168] : memref<1x512xf32, #tpu.memory_space<vmem>>, vector<1x512xf32>
    %add3A_170 = vector.broadcast %get3A_169 : vector<1x512xf32> to vector<1024x512xf32>
    %add3A_171 = arith.addf %dot_general3A_166, %add3A_170 : vector<1024x512xf32>
    %reduce_sum3A_172 = arith.constant dense<0.000000e+00> : vector<512xf32>
    %reduce_sum3A_173 = vector.multi_reduction <add>, %add3A_171, %reduce_sum3A_172 [0] : vector<1024x512xf32> to vector<512xf32>
    %broadcast_in_dim3A_174 = vector.shape_cast %reduce_sum3A_173 : vector<512xf32> to vector<1x512xf32>
    %mul3A_175 = arith.constant 9.765625E-4 : f32
    %mul3A_176 = vector.broadcast %mul3A_175 : f32 to vector<1x512xf32>
    %mul3A_177 = arith.mulf %broadcast_in_dim3A_174, %mul3A_176 : vector<1x512xf32>
    %sub3A_178 = vector.broadcast %mul3A_177 : vector<1x512xf32> to vector<1024x512xf32>
    %sub3A_179 = arith.subf %add3A_171, %sub3A_178 : vector<1024x512xf32>
    %mul3A_180 = arith.mulf %sub3A_179, %sub3A_179 : vector<1024x512xf32>
    %reduce_sum3A_181 = arith.constant dense<0.000000e+00> : vector<512xf32>
    %reduce_sum3A_182 = vector.multi_reduction <add>, %mul3A_180, %reduce_sum3A_181 [0] : vector<1024x512xf32> to vector<512xf32>
    %broadcast_in_dim3A_183 = vector.shape_cast %reduce_sum3A_182 : vector<512xf32> to vector<1x512xf32>
    %mul3A_184 = arith.constant 9.765625E-4 : f32
    %mul3A_185 = vector.broadcast %mul3A_184 : f32 to vector<1x512xf32>
    %mul3A_186 = arith.mulf %broadcast_in_dim3A_183, %mul3A_185 : vector<1x512xf32>
    %add3A_187 = arith.constant 9.99999974E-6 : f32
    %add3A_188 = vector.broadcast %add3A_187 : f32 to vector<1x512xf32>
    %add3A_189 = arith.addf %mul3A_186, %add3A_188 : vector<1x512xf32>
    %rsqrt3A_190 = math.rsqrt %add3A_189 : vector<1x512xf32>
    %mul3A_191 = vector.broadcast %rsqrt3A_190 : vector<1x512xf32> to vector<1024x512xf32>
    %mul3A_192 = arith.mulf %sub3A_179, %mul3A_191 : vector<1024x512xf32>
    %max3A_193 = arith.constant 0.000000e+00 : f32
    %max3A_194 = vector.broadcast %max3A_193 : f32 to vector<1024x512xf32>
    %max3A_195 = arith.maximumf %mul3A_192, %max3A_194 : vector<1024x512xf32>
    %get3A_196 = arith.constant 0 : index
    %get3A_197 = arith.constant 0 : index
    %get3A_198 = vector.load %arg19[%get3A_196, %get3A_197] : memref<1x512xf32, #tpu.memory_space<vmem>>, vector<1x512xf32>
    %mul3A_199 = vector.broadcast %get3A_198 : vector<1x512xf32> to vector<1024x512xf32>
    %mul3A_200 = arith.mulf %max3A_195, %mul3A_199 : vector<1024x512xf32>
    %reduce_sum3A_201 = arith.constant dense<0.000000e+00> : vector<1024xf32>
    %reduce_sum3A_202 = vector.multi_reduction <add>, %mul3A_200, %reduce_sum3A_201 [1] : vector<1024x512xf32> to vector<1024xf32>
    %broadcast_in_dim3A_203 = vector.shape_cast %reduce_sum3A_202 : vector<1024xf32> to vector<1024x1xf32>
    %get3A_204 = arith.constant 0 : index
    %get3A_205 = arith.constant 0 : index
    %get3A_206 = vector.load %arg20[%get3A_204, %get3A_205] : memref<1x1xf32, #tpu.memory_space<vmem>>, vector<1x1xf32>
    %add3A_207 = vector.broadcast %get3A_206 : vector<1x1xf32> to vector<1024x1xf32>
    %add3A_208 = arith.addf %broadcast_in_dim3A_203, %add3A_207 : vector<1024x1xf32>
    %add3A_209 = arith.addf %add3A_107, %add3A_123 : vector<1024x1xf32>
    %add3A_210 = arith.addf %add3A_209, %add3A_208 : vector<1024x1xf32>
    %logistic3A_211 = arith.negf %add3A_210 : vector<1024x1xf32>
    %logistic3A_212 = math.exp %logistic3A_211 : vector<1024x1xf32>
    %logistic3A_213 = arith.constant 1.000000e+00 : f32
    %logistic3A_214 = vector.broadcast %logistic3A_213 : f32 to vector<1024x1xf32>
    %logistic3A_215 = arith.addf %logistic3A_214, %logistic3A_212 : vector<1024x1xf32>
    %logistic3A_216 = arith.divf %logistic3A_214, %logistic3A_215 : vector<1024x1xf32>
    %swap3A = arith.constant 0 : index
    %swap3A_217 = arith.constant 0 : index
    %swap3A_218 = vector.load %arg21[%swap3A, %swap3A_217] : memref<1024x1xf32, #tpu.memory_space<vmem>>, vector<1024x1xf32>
    tpu.vector_store %arg21[%swap3A, %swap3A_217], %logistic3A_216 {strides = array<i32>} : memref<1024x1xf32, #tpu.memory_space<vmem>>, vector<1024x1xf32>,
    return
  }
}

</mosaic_0001>

<sc_bundles>
// kernel: kernel.6.cloned.1.call-start
scs
__scs_entry_jumppad:
0x0: {  	(pc) =	sbr.rel $0x88, $3  }
0x1: {  	(tag) =	ssettag $0x0;
	lr =	simm.s32 $0x1  }
0x2: {  	[smem:$0x3F80] =	sst lr;
	_ =	strace $0xD0000000  }
0x3: {  	_ = 	snop  }
0x4: {  	_ = 	snop  }
0x5: {  	_ = 	snop  }
0x6: {  	_ = 	snop  }
0x7: {  	_ = 	snop  }
__scs_overlays_trampoline_lowered:
0x8: {  	[smem:$0x3F8F] =	sst s0  }
0x9: {  	[smem:$0x3F90] =	sst s1  }
0xa: {  	[smem:$0x3F91] =	sst s2  }
0xb: {  	[smem:$0x3F92] =	sst s3  }
0xc: {  	[smem:$0x3F93] =	sst s4  }
0xd: {  	[smem:$0x3F94] =	sst s5  }
0xe: {  	[smem:$0x3F95] =	sst s6  }
0xf: {  	[smem:$0x3F96] =	sst s7  }
0x10: {  	[smem:$0x3F97] =	sst s8  }
0x11: {  	[smem:$0x3F98] =	sst s9;
	s0 =	simm.s32 @!p0 $0x0  }
0x12: {  	s1 =	sld [smem:$0x3F7E];
	s0 =	simm.s32 @p0 $0x1  }
0x13: {  	[smem:$0x3F99] =	sst s0;
	s0 =	simm.s32 @!p1 $0x0  }
0x14: {  	s2 =	sld [smem:$0x3F7D];
	s0 =	simm.s32 @p1 $0x1  }
0x15: {  	[smem:$0x3F9A] =	sst s0;
	s0 =	simm.s32 @!p2 $0x0  }
0x16: {  	s3 =	sld [smem:$0x3FDB];
	s0 =	simm.s32 @p2 $0x1  }
0x17: {  	s4 =	simm.s32 $0x1BF5;
	[smem:$0x3F9C] =	sst s0  }
0x18: {  	s0 =	sld [smem:$0x3F7F];
	_ =	swait.ge [sflag:s4], $0x0  }
0x19: {  	s7 =	sld [smem:$0x3F80]  }
0x1a: {  	s8 =	sadd.s32 $0xFFFFE003, lr  }
0x1b: {  	s9 =	sadd.s32 $0xFFFFFEF7, lr;
	s5 =	simm.s32 $0xFFFFFFFF;
	p2 =	slt.u32 s8, $0xFFFFF086  }
0x1c: {  	p1 =	slt.u32 s9, $0xF7A;
	s5 =	simm.s32 @!p2 $0x0  }
0x1d: {  	s5 =	simm.s32 @p1 $0x1;
	p0 =	seq.s32 s7, s2  }
0x1e: {  	s7 =	smul.u32 @!p0 $0xF7A, s2;
	p2 =	seq.s32 @!p0 s5, $0x0  }
0x1f: {  	s9 =	smul.u32 $0xF7A, s1;
	s8 =	simm.s32 @!p0 $0x1BF5;
	p2 =	por !p2, p0  }
0x20: {  	[sflag:s8] =	ssyncset.s32 @!p0 $0xFFFFF086;
	s6 =	sadd.s32 @!p0 s3, s7;
	s7 =	simm.s32 @!p0 $0x108  }
0x21: {  	s3 =	sadd.s32 s3, s9;
	s6 =	sadd.s32 @!p0 $0x88, s6;
	s7 =	simm.s32 @p2 $0x1082  }
0x22: {  	[simem:s7], [sflag:s8] =	dma.local @!p0 [hbm:s6], $0xF7A  }
0x23: {  	s9 =	sor.u32 $0xD0000000, s2;
	s6 =	simm.s32 $0x108;
	_ =	swait.ge @!p0 [sflag:s8], $0x0  }
0x24: {  	s3 =	sadd.s32 $0x88, s3;
	s6 =	simm.s32 @!p1 $0x1082;
	[sflag:s4] =	ssyncset.s32 $0xFFFFF086  }
0x25: {  	[simem:s6], [sflag:s4] =	dma.local [hbm:s3], $0xF7A  }
0x26: {  	[smem:$0x3F80] =	sst s1;
	(tag) =	ssettag s2;
	_ =	strace s9  }
0x27: {  	s1 =	sld [smem:$0x3F90]  }
0x28: {  	s2 =	sld [smem:$0x3F91]  }
0x29: {  	s4 =	sld [smem:$0x3F93]  }
0x2a: {  	p0 =	seq.s32 s5, $0x0;
	s5 =	sld [smem:$0x3F94]  }
0x2b: {  	s6 =	sld [smem:$0x3F95]  }
0x2c: {  	s7 =	sld [smem:$0x3F96]  }
0x2d: {  	s3 =	simm.s32 $0x108;
	s8 =	sld [smem:$0x3F97]  }
0x2e: {  	s3 =	simm.s32 @!p0 $0x1082;
	s9 =	sld [smem:$0x3F98]  }
0x2f: {  	lr =	sadd.s32 s0, s3;
	s0 =	sld [smem:$0x3F8F]  }
0x30: {  	s3 =	sld [smem:$0x3F92]  }
0x31: {  	[smem:$0x3F9B] =	sst s10  }
0x32: {  	s10 =	sld [smem:$0x3F99];
	_ =	sdelay $0x3  }
0x33: {  	p0 =	seq.s32 s10, $0x1;
	s10 =	sld [smem:$0x3F9B];
	_ =	sdelay $0x3  }
0x34: {  	[smem:$0x3F9B] =	sst s10  }
0x35: {  	s10 =	sld [smem:$0x3F9A];
	_ =	sdelay $0x3  }
0x36: {  	p1 =	seq.s32 s10, $0x1;
	s10 =	sld [smem:$0x3F9B];
	_ =	sdelay $0x3  }
0x37: {  	[smem:$0x3F9B] =	sst s10  }
0x38: {  	s10 =	sld [smem:$0x3F9C]  }
0x39: {  	_ = 	snop;
	(pc) =	sbr.ind lr, $3  }
0x3a: {  	_ = 	snop  }
0x3b: {  	_ = 	snop  }
0x3c: {  	p2 =	seq.s32 s10, $0x1;
	s10 =	sld [smem:$0x3F9B]  }
0x3d: {  	_ =	shalt  }
0x3e: {  	_ =	shalt  }
0x3f: {  	_ =	shalt  }
0x40: {  	_ =	shalt  }
0x41: {  	_ =	shalt  }
0x42: {  	_ =	shalt  }
0x43: {  	_ =	shalt  }
0x44: {  	_ =	shalt  }
0x45: {  	_ =	shalt  }
0x46: {  	_ =	shalt  }
0x47: {  	_ =	shalt  }
0x48: {  	_ =	shalt  }
0x49: {  	_ =	shalt  }
0x4a: {  	_ =	shalt  }
0x4b: {  	_ =	shalt  }
0x4c: {  	_ =	shalt  }
0x4d: {  	_ =	shalt  }
0x4e: {  	_ =	shalt  }
0x4f: {  	_ =	shalt  }
0x50: {  	_ =	shalt  }
0x51: {  	_ =	shalt  }
0x52: {  	_ =	shalt  }
0x53: {  	_ =	shalt  }
0x54: {  	_ =	shalt  }
0x55: {  	_ =	shalt  }
0x56: {  	_ =	shalt  }
0x57: {  	_ =	shalt  }
0x58: {  	_ =	shalt  }
0x59: {  	_ =	shalt  }
0x5a: {  	_ =	shalt  }
0x5b: {  	_ =	shalt  }
0x5c: {  	_ =	shalt  }
0x5d: {  	_ =	shalt  }
0x5e: {  	_ =	shalt  }
0x5f: {  	_ =	shalt  }
0x60: {  	_ =	shalt  }
0x61: {  	_ =	shalt  }
0x62: {  	_ =	shalt  }
0x63: {  	_ =	shalt  }
0x64: {  	_ =	shalt  }
0x65: {  	_ =	shalt  }
0x66: {  	_ =	shalt  }
0x67: {  	_ =	shalt  }
0x68: {  	_ =	shalt  }
0x69: {  	_ =	shalt  }
0x6a: {  	_ =	shalt  }
0x6b: {  	_ =	shalt  }
0x6c: {  	_ =	shalt  }
0x6d: {  	_ =	shalt  }
0x6e: {  	_ =	shalt  }
0x6f: {  	_ =	shalt  }
0x70: {  	_ =	shalt  }
0x71: {  	_ =	shalt  }
0x72: {  	_ =	shalt  }
0x73: {  	_ =	shalt  }
0x74: {  	_ =	shalt  }
0x75: {  	_ =	shalt  }
0x76: {  	_ =	shalt  }
0x77: {  	_ =	shalt  }
0x78: {  	_ =	shalt  }
0x79: {  	_ =	shalt  }
0x7a: {  	_ =	shalt  }
0x7b: {  	_ =	shalt  }
0x7c: {  	_ =	shalt  }
0x7d: {  	_ =	shalt  }
0x7e: {  	_ =	shalt  }
0x7f: {  	_ =	shalt  }
0x80: {  	_ =	shalt  }
0x81: {  	_ =	shalt  }
0x82: {  	_ =	shalt  }
0x83: {  	_ =	shalt  }
0x84: {  	_ =	shalt  }
0x85: {  	_ =	shalt  }
0x86: {  	_ =	shalt  }
0x87: {  	_ =	shalt  }
.Lfunc_end0:
.L_simem_size_0:
called_computation_lowered:
.L_overlay_start_0:
0x88: {  	s2 =	sld [smem:$0x3FD9]  }
0x89: {  	s3 =	sld [smem:$0x3FFE];
	_ =	sdelay $0x1  }
0x8a: {  	s1 =	srdreg.scid  }
0x8b: {  	s0 =	sand.u32 $0x1, s1  }
0x8c: {  	s17 =	sshll.u32 s0, $0xA;
	s2 =	sadd.s32 s3, s2  }
0x8d: {  	s2 =	sadd.s32 s2, s17  }
0x8e: {  	[smem:$0x3FA7] =	sst s2  }
0x8f: {  	_ = 	snop  }
0x90: {  	s2 =	sld [smem:$0x3FC9]  }
0x91: {  	s18 =	sld [smem:$0x3FC8]  }
0x92: {  	s4 =	sld [smem:$0x3FC6];
	(tm) =	ssettm $0x1  }
0x93: {  	s5 =	sld [smem:$0x3FFB];
	_ =	sdelay $0x3  }
0x94: {  	_ =	strace s5  }
0x95: {  	s5 =	sld [smem:$0x3FFC];
	_ =	sdelay $0x3  }
0x96: {  	_ =	strace s5  }
0x97: {  	s5 =	sld [smem:$0x3FFD];
	_ =	sdelay $0x3  }
0x98: {  	_ =	strace s5  }
0x99: {  	_ =	strace $0x8FFFFFFF  }
0x9a: {  	s19 =	sld [smem:$0x3FDB];
	_ =	sdelay $0x1  }
0x9b: {  	s6 =	simm.s32 $_scs_section_size  }
0x9c: {  	s7 =	simm.s32 $_size__tile_overlayer_lowered;
	s8 =	simm.s32 $_tile_overlayer_lowered  }
0x9d: {  	s22 =	simm.s32 $0x1BFF;
	s21 =	sshll.u32 s8, $0x1;
	s5 =	sadd.s32 s6, s19  }
0x9e: {  	s9 =	simm.s32 $0x0;
	s20 =	sshll.u32 s7, $0x1;
	s7 =	sadd.s32 s21, s5  }
0x9f: {  	[timem:s9], [sflag:s22] =	dma.local [hbm:s7], s20  }
0xa0: {  	_ =	swait.ge [sflag:s22], s20  }
0xa1: {  	s6 =	ssub.s32 $0x0, s20;
	[sflag:s22] =	ssyncset.done $0x0  }
0xa2: {  	[sflag:s22] =	ssyncadd.s32 s6;
	_ =	sdelay $0x1  }
0xa3: {  	s23 =	simm.s32 $0x1B8B  }
0xa4: {  	_ =	swait.ge [sflag:s23], $0x1  }
0xa5: {  	[sflag:s23] =	ssyncset.done $0x0  }
0xa6: {  	s25 =	simm.s32 $0x1B8E;
	s24 =	sld [smem:$0x3FFE];
	[sflag:s23] =	ssyncadd.s32 $0xFFFFFFFF  }
0xa7: {  	s26 =	simm.s32 $execute0_lowered;
	[smem:$0x3FD2] =	sst s25  }
0xa8: {  	s7 =	sshll.u32 s26, $0x1;
	_ =	strace $0x80000046;
	[dreg:$0x1] =	wrdreg $0xFFFFFFFF  }
0xa9: {  	s28 =	simm.s32 $_size_execute0_lowered;
	s5 =	sadd.s32 s5, s7;
	[dreg:$0x0] =	wrdreg $0x0  }
0xaa: {  	s7 =	sshll.u32 s28, $0x1;
	[dreg:$0x2] =	wrdreg s5  }
0xab: {  	[dreg:$0x3] =	wrdreg s7  }
0xac: {  	[dreg:$0x4] =	wrdreg $0xC0  }
0xad: {  	_ =	task [dreg:s9], $0x5FFFF  }
0xae: {  	[dreg:$0x1] =	wrdreg $0xFFFFFFFF  }
0xaf: {  	[dreg:$0x0] =	wrdreg $0x60  }
0xb0: {  	[dreg:$0x2] =	wrdreg s24  }
0xb1: {  	[dreg:$0x3] =	wrdreg s18  }
0xb2: {  	[dreg:$0x4] =	wrdreg s2  }
0xb3: {  	[dreg:$0x5] =	wrdreg s4  }
0xb4: {  	[dreg:$0x6] =	wrdreg $0x9  }
0xb5: {  	_ =	task.clear_ibuf [dreg:s9], $0x7FFFF;
	_ =	strace $0x90000046  }
0xb6: {  	s29 =	simm.s32 $0x9;
	_ =	strace $0x80000048  }
0xb7: {  	_ =	swait.ge [sflag:s29], $0x1  }
0xb8: {  	[sflag:s29] =	ssyncadd.s32 $0xFFFFFFFF  }
0xb9: {  	_ =	strace $0x90000048  }
0xba: {  	_ =	sfence  }
0xbb: {  	s30 =	sld [smem:$0x0];
	_ =	sdelay $0x2  }
0xbc: {  	s31 =	sshll.u32 s1, $0xD;
	s1 =	sshrl.u32 s1, $0x2  }
0xbd: {  	s3 =	sand.u32 $0x4000, s31;
	s1 =	sadd.s32 s1, s30  }
0xbe: {  	s0 =	sor.u32 s3, s0;
	s1 =	sshll.u32 s1, $0x11  }
0xbf: {  	s0 =	sor.u32 s1, s0  }
0xc0: {  	s0 =	sadd.s32 $0x8F2B, s0  }
0xc1: {  	[sflag:s0] =	ssyncadd.remote.s32 $0x1  }
0xc2: {  	_ =	sfence.sel $0xFFFF  }
0xc3: {  	[dreg:$0x0] =	wrdreg $0xFFFFFFFF;
	(pc) =	sbr.abs _section_cstart, $3  }
0xc4: {  	[dreg:$0x1] =	wrdreg $0xFFFFFFFF  }
0xc5: {  	_ =	task.clear_ibuf [dreg:s9], $0x2FFFF;
	_ =	strace $0x9FFFFFFF  }
0xc6: {  	(tm) =	ssettm $0x7FFFFFFF  }
0xc7: {  	_ =	shalt  }
tec
execute0_lowered:
.L_overlay_start_1:
0x0: {  	(tag) =	ssettag $0x1  }
0x1: {  	s0 =	rddreg [dreg:$0x0]  }
0x2: {  	s1 =	rddreg [dreg:$0x1]  }
0x3: {  	s2 =	srdreg.scid;
	s6 =	rddreg [dreg:$0x2]  }
0x4: {  	s5 =	stileid.u32;
	s8 =	rddreg [dreg:$0x3]  }
0x5: {  	s12 =	simm.s32 $0x12;
	s13 =	simm.s32 $0x80;
	s14 =	simm.s32 $0x11  }
0x6: {  	s30 =	simm.s32 $0x9;
	s31 =	simm.s32 $0xA;
	s15 =	simm.s32 $0xD  }
0x7: {  	s16 =	simm.s32 $0xE;
	s17 =	simm.s32 $0xF;
	s18 =	simm.s32 $0x10  }
0x8: {  	s19 =	simm.s32 $0x3200;
	s20 =	simm.s32 $0x3220;
	s21 =	simm.s32 $0x20  }
0x9: {  	s22 =	simm.s32 $0x13240;
	s2 =	sand.u32 $0x1, s2;
	s3 =	sshll.u32 s5, $0x1  }
0xa: {  	s23 =	simm.s32 $0x0;
	s5 =	smul.u32 $0xC8000, s5;
	s7 =	sor.u32 s2, s3  }
0xb: {  	s3 =	simm.s32 $0x0;
	s9 =	smul.u32 $0x64000, s2;
	s2 =	ssub.s32 $0x2, s2  }
0xc: {  	s4 =	smul.u32 $0x320, s7;
	[smem:$0x7FF] =	sst s3;
	s26 =	sshll.u32 s7, $0x8  }
0xd: {  	s28 =	sshrl.u32 s2, $0x1;
	s7 =	sshll.u32 s7, $0x2;
	_ =	strace $0x80000047  }
0xe: {  	s5 =	sadd.s32 s9, s5;
	s2 =	ssub.s32 s2, s28;
	s6 =	sadd.s32 s6, s7  }
.Ltmp0:
0xf: {  	s7 =	sadd.s32 s8, s7;
	s5 =	sshrl.u32 s5, $0x3;
	(pc) =	sbr.rel .LBB2_1-.Ltmp0, $4  }
0x10: {  	s10 =	sadd.s32 s4, s0;
	s4 =	sadd.s32 $0x192200, s0;
	s11 =	sadd.s32 s5, s0  }
0x11: {  	s0 =	sadd.s32 s26, s0;
	s29 =	sadd.s32 $0x5400, s10;
	s10 =	smax.u32 s2, $0x1  }
0x12: {  	s2 =	simm.s32 $0xB;
	[dreg:$0x5] =	wrdreg s29;
	s8 =	sadd.s32 $0xD800, s0  }
0x13: {  	s9 =	sadd.s32 $0xB800, s0;
	s26 =	sadd.s32 $0x255800, s11;
	s0 =	simm.s32 $0xC  }
.LBB2_10:
0x14: {  	_ =	swait.ge [sflag:s30], $0x2000  }
0x15: {  	[sflag:s30] =	ssyncset.done $0x0  }
0x16: {  	[sflag:s30] =	ssyncadd.s32 $0xFFFFE000  }
0x17: {  	_ =	swait.ge [sflag:s31], $0x2000  }
0x18: {  	[sflag:s31] =	ssyncset.done $0x0  }
0x19: {  	[sflag:s31] =	ssyncadd.s32 $0xFFFFE000  }
0x1a: {  	_ =	swait.ge [sflag:s2], $0x2000  }
0x1b: {  	[sflag:s2] =	ssyncset.done $0x0  }
0x1c: {  	[sflag:s2] =	ssyncadd.s32 $0xFFFFE000  }
0x1d: {  	_ =	swait.ge [sflag:s0], $0x2000  }
0x1e: {  	[sflag:s0] =	ssyncset.done $0x0  }
0x1f: {  	[sflag:s0] =	ssyncadd.s32 $0xFFFFE000  }
0x20: {  	_ =	swait.ge [sflag:s15], $0x2000  }
0x21: {  	[sflag:s15] =	ssyncset.done $0x0  }
0x22: {  	[sflag:s15] =	ssyncadd.s32 $0xFFFFE000  }
0x23: {  	_ =	swait.ge [sflag:s16], $0x2000  }
0x24: {  	[sflag:s16] =	ssyncset.done $0x0  }
0x25: {  	[sflag:s16] =	ssyncadd.s32 $0xFFFFE000  }
0x26: {  	_ =	swait.ge [sflag:s17], $0x2000  }
0x27: {  	[sflag:s17] =	ssyncset.done $0x0  }
0x28: {  	[sflag:s17] =	ssyncadd.s32 $0xFFFFE000  }
0x29: {  	_ =	swait.ge [sflag:s18], $0x2000  }
0x2a: {  	[sflag:s18] =	ssyncset.done $0x0  }
0x2b: {  	[sflag:s18] =	ssyncadd.s32 $0xFFFFE000  }
0x2c: {  	[tilespmem:s19], [sflag:$0x12] =	stream.linear.gather [hbm4b:s6+s3], $0x20, $0x38;
	[tilespmem:$0x13A40] =	vst v63  }
0x2d: {  	_ =	swait.ge [sflag:s12], $0x20  }
0x2e: {  	[sflag:s12] =	ssyncset.done $0x0  }
0x2f: {  	[sflag:s12] =	ssyncadd.s32 $0xFFFFFFE0  }
0x30: {  	[tilespmem:s20], [sflag:$0x12] =	stream.linear.gather [hbm4b:s7+s3], $0x20, $0x38;
	[tilespmem:$0x13A40] =	vst v63  }
0x31: {  	_ =	swait.ge [sflag:s12], $0x20  }
0x32: {  	[sflag:s12] =	ssyncset.done $0x0  }
0x33: {  	[sflag:s12] =	ssyncadd.s32 $0xFFFFFFE0  }
0x34: {  	[tilespmem:s22], [sflag:$0x11] =	stream.indirect.gather [hbm4b:s4+s21], $0x40, s19, s21, $0xb8;
	[tilespmem:$0x13A40] =	vst v63  }
0x35: {  	_ =	swait.ge [sflag:s14], $0x800  }
0x36: {  	[sflag:s14] =	ssyncset.done $0x0  }
0x37: {  	[sflag:s14] =	ssyncadd.s32 $0xFFFFF800  }
0x38: {  	[hbm4b:s8+s3] =	stream.linear.scatter [tilespmem:s22], [sflag:$0x12], $0x800, $0x38;
	[tilespmem:$0x13A40] =	vst v63  }
0x39: {  	_ =	swait.ge [sflag:s12], $0x800  }
0x3a: {  	[sflag:s12] =	ssyncset.done $0x0  }
0x3b: {  	[sflag:s12] =	ssyncadd.s32 $0xFFFFF800  }
0x3c: {  	[tilespmem:s22], [sflag:$0x11] =	stream.indirect.gather [hbm4b:s4+s21], $0x40, s20, s21, $0xb8;
	[tilespmem:$0x13A40] =	vst v63  }
0x3d: {  	s23 =	sadd.s32 $0x1, s23;
	_ =	swait.ge [sflag:s14], $0x800  }
0x3e: {  	p0 =	sne.s32 s23, s10;
	[sflag:s14] =	ssyncset.done $0x0  }
.Ltmp1:
0x3f: {  	[sflag:s14] =	ssyncadd.s32 $0xFFFFF800;
	(pc) =	sbr.rel @!p0 .LBB2_11-.Ltmp1, $4  }
0x40: {  	[hbm4b:s9+s3] =	stream.linear.scatter [tilespmem:s22], [sflag:$0x12], $0x800, $0x38;
	[tilespmem:$0x13A40] =	vst v63  }
0x41: {  	_ =	swait.ge [sflag:s12], $0x800  }
0x42: {  	[sflag:s12] =	ssyncset.done $0x0  }
0x43: {  	[sflag:s12] =	ssyncadd.s32 $0xFFFFF800  }
.LBB2_1:
0x44: {  	s5 =	rddreg [dreg:$0x5]  }
0x45: {  	[tilespmem:s3], [sflag:$0x12] =	stream.linear.gather [hbm4b:s5+s3], $0x1900, $0x38;
	[tilespmem:$0x13A40] =	vst v63  }
0x46: {  	_ =	swait.ge [sflag:s12], $0x1900  }
0x47: {  	[sflag:s12] =	ssyncset.done $0x0  }
0x48: {  	s11 =	simm.s32 $0x0;
	[sflag:s12] =	ssyncadd.s32 $0xFFFFE700  }
.LBB2_2:
0x49: {  	p0 =	sne.s32 s11, $0x6200  }
.Ltmp2:
0x4a: {  	_ = 	snop;
	(pc) =	sbr.rel @p0 .LBB2_2-.Ltmp2, $4  }
0x4b: {  	_ = 	snop  }
0x4c: {  	s24 =	sshra.s32 s11, $0x2  }
0x4d: {  	s11 =	sadd.s32 $0x200, s11;
	s25 =	sadd.s32 $0x1900, s24  }
0x4e: {  	[tilespmem:s25], [sflag:$0x11] =	stream.indirect.gather [hbm4b:s1+s13], $0x1, s24, s13, $0xb8;
	[tilespmem:$0x13A40] =	vst v63  }
0x4f: {  	_ =	swait.ge [sflag:s14], $0x80  }
0x50: {  	s11 =	simm.s32 $0x31;
	[sflag:s14] =	ssyncset.done $0x0  }
.LBB2_4:
0x51: {  	p0 =	sne.s32 s11, $0x1;
	s11 =	sadd.s32 $0xFFFFFFFF, s11;
	[sflag:s14] =	ssyncadd.s32 $0xFFFFFF80  }
.Ltmp3:
0x52: {  	(pc) =	sbr.rel @p0 .LBB2_4-.Ltmp3, $3  }
0x53: {  	_ =	sdelay $0x1  }
0x54: {  	_ =	swait.ge [sflag:s14], $0x80  }
0x55: {  	[sflag:s14] =	ssyncset.done $0x0  }
0x56: {  	[sflag:s14] =	ssyncadd.s32 $0xFFFFFF80;
	s5 =	simm.s32 $0x1900;
	s11 =	simm.s32 $0x3240  }
0x57: {  	[tilespmem:s11], [sflag:$0x1] =	stream.indirect.gather [hbm4b:s4+s13], $0x40, s5, s13, $0xb8;
	[tilespmem:$0x13A40] =	vst v63  }
0x58: {  	s24 =	simm.s32 $0x1980;
	s25 =	simm.s32 $0x5240  }
0x59: {  	[tilespmem:s25], [sflag:$0x2] =	stream.indirect.gather [hbm4b:s4+s13], $0x40, s24, s13, $0xb8;
	[tilespmem:$0x13A40] =	vst v63  }
0x5a: {  	s28 =	simm.s32 $0x1A00;
	s29 =	simm.s32 $0x7240  }
0x5b: {  	[tilespmem:s29], [sflag:$0x3] =	stream.indirect.gather [hbm4b:s4+s13], $0x40, s28, s13, $0xb8;
	[tilespmem:$0x13A40] =	vst v63  }
0x5c: {  	s24 =	simm.s32 $0x1A80;
	s25 =	simm.s32 $0x9240  }
0x5d: {  	[tilespmem:s25], [sflag:$0x4] =	stream.indirect.gather [hbm4b:s4+s13], $0x40, s24, s13, $0xb8;
	[tilespmem:$0x13A40] =	vst v63  }
0x5e: {  	s28 =	simm.s32 $0x1B00;
	s29 =	simm.s32 $0xB240  }
0x5f: {  	[tilespmem:s29], [sflag:$0x5] =	stream.indirect.gather [hbm4b:s4+s13], $0x40, s28, s13, $0xb8;
	[tilespmem:$0x13A40] =	vst v63  }
.Ltmp4:
0x60: {  	s11 =	smov.u32 s26;
	(pc) =	sbr.rel .LBB2_6-.Ltmp4, $4  }
0x61: {  	s24 =	simm.s32 $0x1B80;
	s25 =	simm.s32 $0xD240;
	s28 =	simm.s32 $0x1C00  }
0x62: {  	[tilespmem:s25], [sflag:$0x6] =	stream.indirect.gather [hbm4b:s4+s13], $0x40, s24, s13, $0xb8;
	[tilespmem:$0x13A40] =	vst v63  }
0x63: {  	s29 =	simm.s32 $0xF240;
	s24 =	simm.s32 $0x0;
	s25 =	simm.s32 $0x1C80  }
0x64: {  	[tilespmem:s29], [sflag:$0x7] =	stream.indirect.gather [hbm4b:s4+s13], $0x40, s28, s13, $0xb8;
	[tilespmem:$0x13A40] =	vst v63  }
.LBB2_8:
0x65: {  	p0 =	sgt.s32 s28, $0x5  }
0x66: {  	p1 =	seq.s32 @p0 s28, $0x6  }
0x67: {  	p2 =	por !p1, !p0  }
0x68: {  	p4 =	sgt.u32 @!p2 s24, $0x2A  }
0x69: {  	p3 =	por @p0 p4, !p1  }
0x6a: {  	p3 =	por p3, !p0  }
0x6b: {  	p5 =	seq.s32 @!p3 s24, $0x0  }
0x6c: {  	s5 =	simm.s32 @!p2 $0x7;
	p4 =	por @!p2 p5, p4  }
0x6d: {  	_ =	swait.ge @!p2 [sflag:s5], $0x2000;
	p4 =	por @p0 p4, !p1  }
0x6e: {  	[sflag:s5] =	ssyncset.done @!p2 $0x0;
	p4 =	por p4, !p0  }
0x6f: {  	[sflag:s5] =	ssyncadd.s32 @!p2 $0xFFFFE000;
	s5 =	simm.s32 @!p4 $0xE  }
0x70: {  	_ =	swait.ge @!p4 [sflag:s5], $0x2000  }
0x71: {  	[sflag:s5] =	ssyncset.done @!p4 $0x0  }
0x72: {  	s29 =	simm.s32 @!p3 $0xD240;
	[sflag:s5] =	ssyncadd.s32 @!p4 $0xFFFFE000;
	s5 =	simm.s32 @!p3 $0x80  }
0x73: {  	[tilespmem:s29], [sflag:$0x6] =	stream.indirect.gather @!p3 [hbm4b:s4+s5], $0x40, s25, s5, $0xb8;
	[tilespmem:$0x13A40] =	vst v63  }
0x74: {  	s5 =	simm.s32 @!p2 $0x0;
	s29 =	simm.s32 @!p2 $0xF240  }
0x75: {  	[hbm4b:s11+s5] =	stream.linear.scatter @!p2 [tilespmem:s29], [sflag:$0xF], $0x2000, $0x38;
	[tilespmem:$0x13A40] =	vst v63  }
0x76: {  	p2 =	por p1, !p0  }
0x77: {  	p4 =	sgt.u32 @!p2 s24, $0x2A  }
0x78: {  	p3 =	por @p0 p4, p1  }
0x79: {  	p3 =	por p3, !p0  }
0x7a: {  	p5 =	seq.s32 @!p3 s24, $0x0  }
0x7b: {  	s5 =	simm.s32 @!p2 $0x8;
	p4 =	por @!p2 p5, p4  }
0x7c: {  	_ =	swait.ge @!p2 [sflag:s5], $0x2000;
	p1 =	por @p0 p4, p1  }
0x7d: {  	[sflag:s5] =	ssyncset.done @!p2 $0x0;
	p1 =	por p1, !p0  }
0x7e: {  	[sflag:s5] =	ssyncadd.s32 @!p2 $0xFFFFE000;
	s5 =	simm.s32 @!p1 $0xF  }
0x7f: {  	_ =	swait.ge @!p1 [sflag:s5], $0x2000  }
0x80: {  	[sflag:s5] =	ssyncset.done @!p1 $0x0  }
0x81: {  	s29 =	simm.s32 @!p3 $0xF240;
	[sflag:s5] =	ssyncadd.s32 @!p1 $0xFFFFE000;
	s5 =	simm.s32 @!p3 $0x80  }
0x82: {  	[tilespmem:s29], [sflag:$0x7] =	stream.indirect.gather @!p3 [hbm4b:s4+s5], $0x40, s25, s5, $0xb8;
	[tilespmem:$0x13A40] =	vst v63  }
0x83: {  	p1 =	seq.s32 @!p0 s28, $0x4;
	s5 =	simm.s32 @!p2 $0x0;
	s29 =	simm.s32 @!p2 $0x11240  }
0x84: {  	[hbm4b:s11+s5] =	stream.linear.scatter @!p2 [tilespmem:s29], [sflag:$0x10], $0x2000, $0x38;
	[tilespmem:$0x13A40] =	vst v63  }
0x85: {  	p2 =	por !p1, p0  }
0x86: {  	p4 =	sgt.u32 @!p2 s24, $0x2A  }
0x87: {  	p3 =	por @!p0 p4, !p1  }
0x88: {  	p3 =	por p3, p0  }
0x89: {  	p5 =	seq.s32 @!p3 s24, $0x0  }
0x8a: {  	s5 =	simm.s32 @!p2 $0x5;
	p4 =	por @!p2 p5, p4  }
0x8b: {  	_ =	swait.ge @!p2 [sflag:s5], $0x2000;
	p4 =	por @!p0 p4, !p1  }
0x8c: {  	[sflag:s5] =	ssyncset.done @!p2 $0x0;
	p4 =	por p4, p0  }
0x8d: {  	[sflag:s5] =	ssyncadd.s32 @!p2 $0xFFFFE000;
	s5 =	simm.s32 @!p4 $0xC  }
0x8e: {  	_ =	swait.ge @!p4 [sflag:s5], $0x2000  }
0x8f: {  	[sflag:s5] =	ssyncset.done @!p4 $0x0  }
0x90: {  	s28 =	simm.s32 @!p3 $0x9240;
	[sflag:s5] =	ssyncadd.s32 @!p4 $0xFFFFE000;
	s5 =	simm.s32 @!p3 $0x80  }
0x91: {  	[tilespmem:s28], [sflag:$0x4] =	stream.indirect.gather @!p3 [hbm4b:s4+s5], $0x40, s25, s5, $0xb8;
	[tilespmem:$0x13A40] =	vst v63  }
0x92: {  	s5 =	simm.s32 @!p2 $0x0;
	s28 =	simm.s32 @!p2 $0xB240  }
0x93: {  	[hbm4b:s11+s5] =	stream.linear.scatter @!p2 [tilespmem:s28], [sflag:$0xD], $0x2000, $0x38;
	[tilespmem:$0x13A40] =	vst v63  }
0x94: {  	p2 =	por p1, p0  }
0x95: {  	p4 =	sgt.u32 @!p2 s24, $0x2A  }
0x96: {  	p3 =	por @!p0 p4, p1  }
0x97: {  	p3 =	por p3, p0  }
0x98: {  	p5 =	seq.s32 @!p3 s24, $0x0  }
0x99: {  	s5 =	simm.s32 @!p2 $0x6;
	p4 =	por @!p2 p5, p4  }
0x9a: {  	_ =	swait.ge @!p2 [sflag:s5], $0x2000;
	p1 =	por @!p0 p4, p1  }
0x9b: {  	[sflag:s5] =	ssyncset.done @!p2 $0x0;
	p0 =	por p1, p0  }
0x9c: {  	[sflag:s5] =	ssyncadd.s32 @!p2 $0xFFFFE000;
	s5 =	simm.s32 @!p0 $0xD  }
0x9d: {  	_ =	swait.ge @!p0 [sflag:s5], $0x2000  }
0x9e: {  	[sflag:s5] =	ssyncset.done @!p0 $0x0  }
0x9f: {  	s28 =	simm.s32 @!p3 $0xB240;
	[sflag:s5] =	ssyncadd.s32 @!p0 $0xFFFFE000;
	s5 =	simm.s32 @!p3 $0x80  }
0xa0: {  	[tilespmem:s28], [sflag:$0x5] =	stream.indirect.gather @!p3 [hbm4b:s4+s5], $0x40, s25, s5, $0xb8;
	[tilespmem:$0x13A40] =	vst v63  }
0xa1: {  	s5 =	simm.s32 @!p2 $0x0;
	s28 =	simm.s32 @!p2 $0xD240  }
0xa2: {  	[hbm4b:s11+s5] =	stream.linear.scatter @!p2 [tilespmem:s28], [sflag:$0xE], $0x2000, $0x38;
	[tilespmem:$0x13A40] =	vst v63  }
.LBB2_9:
0xa3: {  	s24 =	sadd.s32 $0x1, s24  }
0xa4: {  	p0 =	sne.s32 s24, $0x32  }
.Ltmp5:
0xa5: {  	_ = 	snop;
	(pc) =	sbr.rel @!p0 .LBB2_10-.Ltmp5, $2  }
0xa6: {  	_ =	sdelay $0x2  }
0xa7: {  	s25 =	sadd.s32 $0x80, s25;
	s11 =	sadd.s32 $0x400, s11  }
.LBB2_6:
0xa8: {  	s28 =	sand.u32 $0x7, s24  }
0xa9: {  	p0 =	sgt.s32 s28, $0x3  }
.Ltmp6:
0xaa: {  	_ = 	snop;
	(pc) =	sbr.rel @p0 .LBB2_8-.Ltmp6, $1  }
0xab: {  	_ =	sdelay $0x3  }
0xac: {  	p0 =	sgt.s32 s28, $0x1  }
0xad: {  	p1 =	seq.s32 @p0 s28, $0x2  }
0xae: {  	p2 =	por !p1, !p0  }
0xaf: {  	p4 =	sgt.u32 @!p2 s24, $0x2A  }
0xb0: {  	p3 =	por @p0 p4, !p1  }
0xb1: {  	p3 =	por p3, !p0  }
0xb2: {  	p5 =	seq.s32 @!p3 s24, $0x0  }
0xb3: {  	s29 =	simm.s32 @!p2 $0x3;
	p4 =	por @!p2 p5, p4  }
0xb4: {  	_ =	swait.ge @!p2 [sflag:s29], $0x2000;
	p4 =	por @p0 p4, !p1  }
0xb5: {  	[sflag:s29] =	ssyncset.done @!p2 $0x0;
	p4 =	por p4, !p0  }
0xb6: {  	[sflag:s29] =	ssyncadd.s32 @!p2 $0xFFFFE000;
	s29 =	simm.s32 @!p4 $0xA  }
0xb7: {  	_ =	swait.ge @!p4 [sflag:s29], $0x2000  }
0xb8: {  	[sflag:s29] =	ssyncset.done @!p4 $0x0  }
0xb9: {  	s5 =	simm.s32 @!p3 $0x5240;
	[sflag:s29] =	ssyncadd.s32 @!p4 $0xFFFFE000;
	s29 =	simm.s32 @!p3 $0x80  }
0xba: {  	[tilespmem:s5], [sflag:$0x2] =	stream.indirect.gather @!p3 [hbm4b:s4+s29], $0x40, s25, s29, $0xb8;
	[tilespmem:$0x13A40] =	vst v63  }
0xbb: {  	s5 =	simm.s32 @!p2 $0x0;
	s29 =	simm.s32 @!p2 $0x7240  }
0xbc: {  	[hbm4b:s11+s5] =	stream.linear.scatter @!p2 [tilespmem:s29], [sflag:$0xB], $0x2000, $0x38;
	[tilespmem:$0x13A40] =	vst v63  }
0xbd: {  	p2 =	por p1, !p0  }
0xbe: {  	p4 =	sgt.u32 @!p2 s24, $0x2A  }
0xbf: {  	p3 =	por @p0 p4, p1  }
0xc0: {  	p3 =	por p3, !p0  }
0xc1: {  	p5 =	seq.s32 @!p3 s24, $0x0  }
0xc2: {  	s5 =	simm.s32 @!p2 $0x4;
	p4 =	por @!p2 p5, p4  }
0xc3: {  	_ =	swait.ge @!p2 [sflag:s5], $0x2000;
	p1 =	por @p0 p4, p1  }
0xc4: {  	[sflag:s5] =	ssyncset.done @!p2 $0x0;
	p1 =	por p1, !p0  }
0xc5: {  	[sflag:s5] =	ssyncadd.s32 @!p2 $0xFFFFE000;
	s5 =	simm.s32 @!p1 $0xB  }
0xc6: {  	_ =	swait.ge @!p1 [sflag:s5], $0x2000  }
0xc7: {  	[sflag:s5] =	ssyncset.done @!p1 $0x0  }
0xc8: {  	s29 =	simm.s32 @!p3 $0x7240;
	[sflag:s5] =	ssyncadd.s32 @!p1 $0xFFFFE000;
	s5 =	simm.s32 @!p3 $0x80  }
0xc9: {  	[tilespmem:s29], [sflag:$0x3] =	stream.indirect.gather @!p3 [hbm4b:s4+s5], $0x40, s25, s5, $0xb8;
	[tilespmem:$0x13A40] =	vst v63  }
0xca: {  	p1 =	seq.s32 @!p0 s28, $0x0;
	s5 =	simm.s32 @!p2 $0x0;
	s29 =	simm.s32 @!p2 $0x9240  }
0xcb: {  	[hbm4b:s11+s5] =	stream.linear.scatter @!p2 [tilespmem:s29], [sflag:$0xC], $0x2000, $0x38;
	[tilespmem:$0x13A40] =	vst v63  }
0xcc: {  	p2 =	por !p1, p0  }
0xcd: {  	p4 =	sgt.u32 @!p2 s24, $0x2A  }
0xce: {  	p3 =	por @!p0 p4, !p1  }
0xcf: {  	p3 =	por p3, p0  }
0xd0: {  	p5 =	seq.s32 @!p3 s24, $0x0  }
0xd1: {  	s5 =	simm.s32 @!p2 $0x1;
	p4 =	por @!p2 p5, p4  }
0xd2: {  	_ =	swait.ge @!p2 [sflag:s5], $0x2000;
	p4 =	por @!p0 p4, !p1  }
0xd3: {  	[sflag:s5] =	ssyncset.done @!p2 $0x0;
	p4 =	por p4, p0  }
0xd4: {  	[sflag:s5] =	ssyncadd.s32 @!p2 $0xFFFFE000;
	s5 =	simm.s32 @!p4 $0x10  }
0xd5: {  	_ =	swait.ge @!p4 [sflag:s5], $0x2000  }
0xd6: {  	[sflag:s5] =	ssyncset.done @!p4 $0x0  }
0xd7: {  	s28 =	simm.s32 @!p3 $0x11240;
	[sflag:s5] =	ssyncadd.s32 @!p4 $0xFFFFE000;
	s5 =	simm.s32 @!p3 $0x80  }
0xd8: {  	[tilespmem:s28], [sflag:$0x8] =	stream.indirect.gather @!p3 [hbm4b:s4+s5], $0x40, s25, s5, $0xb8;
	[tilespmem:$0x13A40] =	vst v63  }
0xd9: {  	s5 =	simm.s32 @!p2 $0x0;
	s28 =	simm.s32 @!p2 $0x3240  }
0xda: {  	[hbm4b:s11+s5] =	stream.linear.scatter @!p2 [tilespmem:s28], [sflag:$0x9], $0x2000, $0x38;
	[tilespmem:$0x13A40] =	vst v63  }
0xdb: {  	p2 =	por p1, p0  }
0xdc: {  	p4 =	sgt.u32 @!p2 s24, $0x2A  }
0xdd: {  	p3 =	por @!p0 p4, p1  }
0xde: {  	p3 =	por p3, p0  }
0xdf: {  	p5 =	seq.s32 @!p3 s24, $0x0  }
0xe0: {  	s5 =	simm.s32 @!p2 $0x2;
	p4 =	por @!p2 p5, p4  }
0xe1: {  	_ =	swait.ge @!p2 [sflag:s5], $0x2000;
	p1 =	por @!p0 p4, p1  }
0xe2: {  	[sflag:s5] =	ssyncset.done @!p2 $0x0;
	p0 =	por p1, p0  }
0xe3: {  	[sflag:s5] =	ssyncadd.s32 @!p2 $0xFFFFE000;
	s5 =	simm.s32 @!p0 $0x9  }
0xe4: {  	_ =	swait.ge @!p0 [sflag:s5], $0x2000  }
.Ltmp7:
0xe5: {  	[sflag:s5] =	ssyncset.done @!p0 $0x0;
	(pc) =	sbr.rel .LBB2_9-.Ltmp7, $4  }
0xe6: {  	s28 =	simm.s32 @!p3 $0x3240;
	[sflag:s5] =	ssyncadd.s32 @!p0 $0xFFFFE000;
	s5 =	simm.s32 @!p3 $0x80  }
0xe7: {  	[tilespmem:s28], [sflag:$0x1] =	stream.indirect.gather @!p3 [hbm4b:s4+s5], $0x40, s25, s5, $0xb8;
	[tilespmem:$0x13A40] =	vst v63  }
0xe8: {  	s5 =	simm.s32 @!p2 $0x0;
	s28 =	simm.s32 @!p2 $0x5240  }
0xe9: {  	[hbm4b:s11+s5] =	stream.linear.scatter @!p2 [tilespmem:s28], [sflag:$0xA], $0x2000, $0x38;
	[tilespmem:$0x13A40] =	vst v63  }
.LBB2_11:
0xea: {  	_ =	sfence.sel $0x180000  }
0xeb: {  	[bflag:$0x0] =	sbarrier.arrive $0xFFFF  }
0xec: {  	_ =	strace $0x90000047  }
0xed: {  	s0 =	stileid.u32;
	[bflag:$0x2] =	sbarrier.arrive $0xFFFF  }
0xee: {  	p0 =	sne.s32 s0, $0x0;
	s0 =	rddreg [dreg:$0x4]  }
0xef: {  	s0 =	sadd.s32 @!p0 $0x100000, s0  }
0xf0: {  	[sflag:s0] =	ssyncadd.tile.s32 @!p0 $0x1;
	_ =	shalt  }
.Lfunc_end2:
_tile_overlayer_lowered:
.L_overlay_start_2:
0xf1: {  	(tag) =	ssettag $0x2  }
0xf2: {  	s0 =	rddreg [dreg:$0x0];
	s2 =	stileid.u32  }
0xf3: {  	s1 =	rddreg [dreg:$0x1];
	p0 =	sne.s32 s2, $0x0  }
0xf4: {  	s3 =	rddreg [dreg:$0x2];
	[bflag:$0x3] =	sbarrier.arrive $0xFFFF;
	s2 =	simm.s32 @!p0 $0x1C12  }
0xf5: {  	[timem:s3], [sflag:s2] =	dma.local @!p0 [hbm:s0], s1  }
0xf6: {  	s0 =	simm.s32 @!p0 $0x12  }
0xf7: {  	_ =	swait.ge @!p0 [sflag:s0], s1  }
0xf8: {  	s1 =	ssub.s32 @!p0 $0x0, s1;
	[sflag:s0] =	ssyncset.done @!p0 $0x0  }
0xf9: {  	[sflag:s0] =	ssyncadd.s32 @!p0 s1  }
0xfa: {  	[bflag:$0x3] =	sbarrier.arrive $0xFFFF  }
0xfb: {  	_ =	shalt  }

// kernel: kernel.9.cloned.1.call-start
scs
__scs_entry_jumppad:
0x0: {  	(pc) =	sbr.rel $0x88, $3  }
0x1: {  	(tag) =	ssettag $0x0;
	lr =	simm.s32 $0x1  }
0x2: {  	[smem:$0x3F80] =	sst lr;
	_ =	strace $0xD0000000  }
0x3: {  	_ = 	snop  }
0x4: {  	_ = 	snop  }
0x5: {  	_ = 	snop  }
0x6: {  	_ = 	snop  }
0x7: {  	_ = 	snop  }
__scs_overlays_trampoline_lowered:
0x8: {  	[smem:$0x3F8F] =	sst s0  }
0x9: {  	[smem:$0x3F90] =	sst s1  }
0xa: {  	[smem:$0x3F91] =	sst s2  }
0xb: {  	[smem:$0x3F92] =	sst s3  }
0xc: {  	[smem:$0x3F93] =	sst s4  }
0xd: {  	[smem:$0x3F94] =	sst s5  }
0xe: {  	[smem:$0x3F95] =	sst s6  }
0xf: {  	[smem:$0x3F96] =	sst s7  }
0x10: {  	[smem:$0x3F97] =	sst s8  }
0x11: {  	[smem:$0x3F98] =	sst s9;
	s0 =	simm.s32 @!p0 $0x0  }
0x12: {  	s1 =	sld [smem:$0x3F7E];
	s0 =	simm.s32 @p0 $0x1  }
0x13: {  	[smem:$0x3F99] =	sst s0;
	s0 =	simm.s32 @!p1 $0x0  }
0x14: {  	s2 =	sld [smem:$0x3F7D];
	s0 =	simm.s32 @p1 $0x1  }
0x15: {  	[smem:$0x3F9A] =	sst s0;
	s0 =	simm.s32 @!p2 $0x0  }
0x16: {  	s3 =	sld [smem:$0x3FDB];
	s0 =	simm.s32 @p2 $0x1  }
0x17: {  	s4 =	simm.s32 $0x1BF5;
	[smem:$0x3F9C] =	sst s0  }
0x18: {  	s0 =	sld [smem:$0x3F7F];
	_ =	swait.ge [sflag:s4], $0x0  }
0x19: {  	s7 =	sld [smem:$0x3F80]  }
0x1a: {  	s8 =	sadd.s32 $0xFFFFE003, lr  }
0x1b: {  	s9 =	sadd.s32 $0xFFFFFEF7, lr;
	s5 =	simm.s32 $0xFFFFFFFF;
	p2 =	slt.u32 s8, $0xFFFFF086  }
0x1c: {  	p1 =	slt.u32 s9, $0xF7A;
	s5 =	simm.s32 @!p2 $0x0  }
0x1d: {  	s5 =	simm.s32 @p1 $0x1;
	p0 =	seq.s32 s7, s2  }
0x1e: {  	s7 =	smul.u32 @!p0 $0xF7A, s2;
	p2 =	seq.s32 @!p0 s5, $0x0  }
0x1f: {  	s9 =	smul.u32 $0xF7A, s1;
	s8 =	simm.s32 @!p0 $0x1BF5;
	p2 =	por !p2, p0  }
0x20: {  	[sflag:s8] =	ssyncset.s32 @!p0 $0xFFFFF086;
	s6 =	sadd.s32 @!p0 s3, s7;
	s7 =	simm.s32 @!p0 $0x108  }
0x21: {  	s3 =	sadd.s32 s3, s9;
	s6 =	sadd.s32 @!p0 $0x88, s6;
	s7 =	simm.s32 @p2 $0x1082  }
0x22: {  	[simem:s7], [sflag:s8] =	dma.local @!p0 [hbm:s6], $0xF7A  }
0x23: {  	s9 =	sor.u32 $0xD0000000, s2;
	s6 =	simm.s32 $0x108;
	_ =	swait.ge @!p0 [sflag:s8], $0x0  }
0x24: {  	s3 =	sadd.s32 $0x88, s3;
	s6 =	simm.s32 @!p1 $0x1082;
	[sflag:s4] =	ssyncset.s32 $0xFFFFF086  }
0x25: {  	[simem:s6], [sflag:s4] =	dma.local [hbm:s3], $0xF7A  }
0x26: {  	[smem:$0x3F80] =	sst s1;
	(tag) =	ssettag s2;
	_ =	strace s9  }
0x27: {  	s1 =	sld [smem:$0x3F90]  }
0x28: {  	s2 =	sld [smem:$0x3F91]  }
0x29: {  	s4 =	sld [smem:$0x3F93]  }
0x2a: {  	p0 =	seq.s32 s5, $0x0;
	s5 =	sld [smem:$0x3F94]  }
0x2b: {  	s6 =	sld [smem:$0x3F95]  }
0x2c: {  	s7 =	sld [smem:$0x3F96]  }
0x2d: {  	s3 =	simm.s32 $0x108;
	s8 =	sld [smem:$0x3F97]  }
0x2e: {  	s3 =	simm.s32 @!p0 $0x1082;
	s9 =	sld [smem:$0x3F98]  }
0x2f: {  	lr =	sadd.s32 s0, s3;
	s0 =	sld [smem:$0x3F8F]  }
0x30: {  	s3 =	sld [smem:$0x3F92]  }
0x31: {  	[smem:$0x3F9B] =	sst s10  }
0x32: {  	s10 =	sld [smem:$0x3F99];
	_ =	sdelay $0x3  }
0x33: {  	p0 =	seq.s32 s10, $0x1;
	s10 =	sld [smem:$0x3F9B];
	_ =	sdelay $0x3  }
0x34: {  	[smem:$0x3F9B] =	sst s10  }
0x35: {  	s10 =	sld [smem:$0x3F9A];
	_ =	sdelay $0x3  }
0x36: {  	p1 =	seq.s32 s10, $0x1;
	s10 =	sld [smem:$0x3F9B];
	_ =	sdelay $0x3  }
0x37: {  	[smem:$0x3F9B] =	sst s10  }
0x38: {  	s10 =	sld [smem:$0x3F9C]  }
0x39: {  	_ = 	snop;
	(pc) =	sbr.ind lr, $3  }
0x3a: {  	_ = 	snop  }
0x3b: {  	_ = 	snop  }
0x3c: {  	p2 =	seq.s32 s10, $0x1;
	s10 =	sld [smem:$0x3F9B]  }
0x3d: {  	_ =	shalt  }
0x3e: {  	_ =	shalt  }
0x3f: {  	_ =	shalt  }
0x40: {  	_ =	shalt  }
0x41: {  	_ =	shalt  }
0x42: {  	_ =	shalt  }
0x43: {  	_ =	shalt  }
0x44: {  	_ =	shalt  }
0x45: {  	_ =	shalt  }
0x46: {  	_ =	shalt  }
0x47: {  	_ =	shalt  }
0x48: {  	_ =	shalt  }
0x49: {  	_ =	shalt  }
0x4a: {  	_ =	shalt  }
0x4b: {  	_ =	shalt  }
0x4c: {  	_ =	shalt  }
0x4d: {  	_ =	shalt  }
0x4e: {  	_ =	shalt  }
0x4f: {  	_ =	shalt  }
0x50: {  	_ =	shalt  }
0x51: {  	_ =	shalt  }
0x52: {  	_ =	shalt  }
0x53: {  	_ =	shalt  }
0x54: {  	_ =	shalt  }
0x55: {  	_ =	shalt  }
0x56: {  	_ =	shalt  }
0x57: {  	_ =	shalt  }
0x58: {  	_ =	shalt  }
0x59: {  	_ =	shalt  }
0x5a: {  	_ =	shalt  }
0x5b: {  	_ =	shalt  }
0x5c: {  	_ =	shalt  }
0x5d: {  	_ =	shalt  }
0x5e: {  	_ =	shalt  }
0x5f: {  	_ =	shalt  }
0x60: {  	_ =	shalt  }
0x61: {  	_ =	shalt  }
0x62: {  	_ =	shalt  }
0x63: {  	_ =	shalt  }
0x64: {  	_ =	shalt  }
0x65: {  	_ =	shalt  }
0x66: {  	_ =	shalt  }
0x67: {  	_ =	shalt  }
0x68: {  	_ =	shalt  }
0x69: {  	_ =	shalt  }
0x6a: {  	_ =	shalt  }
0x6b: {  	_ =	shalt  }
0x6c: {  	_ =	shalt  }
0x6d: {  	_ =	shalt  }
0x6e: {  	_ =	shalt  }
0x6f: {  	_ =	shalt  }
0x70: {  	_ =	shalt  }
0x71: {  	_ =	shalt  }
0x72: {  	_ =	shalt  }
0x73: {  	_ =	shalt  }
0x74: {  	_ =	shalt  }
0x75: {  	_ =	shalt  }
0x76: {  	_ =	shalt  }
0x77: {  	_ =	shalt  }
0x78: {  	_ =	shalt  }
0x79: {  	_ =	shalt  }
0x7a: {  	_ =	shalt  }
0x7b: {  	_ =	shalt  }
0x7c: {  	_ =	shalt  }
0x7d: {  	_ =	shalt  }
0x7e: {  	_ =	shalt  }
0x7f: {  	_ =	shalt  }
0x80: {  	_ =	shalt  }
0x81: {  	_ =	shalt  }
0x82: {  	_ =	shalt  }
0x83: {  	_ =	shalt  }
0x84: {  	_ =	shalt  }
0x85: {  	_ =	shalt  }
0x86: {  	_ =	shalt  }
0x87: {  	_ =	shalt  }
.Lfunc_end0:
.L_simem_size_0:
called_computation.1_lowered:
.L_overlay_start_0:
0x88: {  	s2 =	sld [smem:$0x3FD9]  }
0x89: {  	s3 =	sld [smem:$0x3FFE];
	_ =	sdelay $0x1  }
0x8a: {  	s1 =	srdreg.scid  }
0x8b: {  	s0 =	sand.u32 $0x1, s1  }
0x8c: {  	s17 =	sshll.u32 s0, $0xA;
	s2 =	sadd.s32 s3, s2  }
0x8d: {  	s2 =	sadd.s32 s2, s17  }
0x8e: {  	[smem:$0x3FA7] =	sst s2  }
0x8f: {  	_ = 	snop  }
0x90: {  	(tm) =	ssettm $0x1  }
0x91: {  	s18 =	sld [smem:$0x3FFB];
	_ =	sdelay $0x3  }
0x92: {  	_ =	strace s18  }
0x93: {  	s2 =	sld [smem:$0x3FFC];
	_ =	sdelay $0x3  }
0x94: {  	_ =	strace s2  }
0x95: {  	s2 =	sld [smem:$0x3FFD];
	_ =	sdelay $0x3  }
0x96: {  	_ =	strace s2  }
0x97: {  	_ =	strace $0x8FFFFFFF  }
0x98: {  	s19 =	sld [smem:$0x3FDB];
	_ =	sdelay $0x1  }
0x99: {  	s20 =	simm.s32 $_scs_section_size  }
0x9a: {  	s4 =	simm.s32 $_size__tile_overlayer_lowered;
	s5 =	simm.s32 $_tile_overlayer_lowered  }
0x9b: {  	s6 =	simm.s32 $0x1BFF;
	s21 =	sshll.u32 s5, $0x1;
	s3 =	sadd.s32 s20, s19  }
0x9c: {  	s22 =	simm.s32 $0x0;
	s4 =	sshll.u32 s4, $0x1;
	s5 =	sadd.s32 s21, s3  }
0x9d: {  	[timem:s22], [sflag:s6] =	dma.local [hbm:s5], s4  }
0x9e: {  	_ =	swait.ge [sflag:s6], s4  }
0x9f: {  	s4 =	ssub.s32 $0x0, s4;
	[sflag:s6] =	ssyncset.done $0x0  }
0xa0: {  	[sflag:s6] =	ssyncadd.s32 s4;
	_ =	sdelay $0x1  }
0xa1: {  	s23 =	simm.s32 $0x1B8B  }
0xa2: {  	_ =	swait.ge [sflag:s23], $0x1  }
0xa3: {  	[sflag:s23] =	ssyncset.done $0x0  }
0xa4: {  	[sflag:s23] =	ssyncadd.s32 $0xFFFFFFFF  }
0xa5: {  	s4 =	sld [smem:$0x0]  }
0xa6: {  	s5 =	sand.u32 $0xFFFFFFFE, s1  }
0xa7: {  	p0 =	sne.s32 s1, s5  }
0xa8: {  	s5 =	sshll.u32 @p0 s5, $0xE  }
0xa9: {  	s5 =	sadd.s32 @p0 $0x11B8D, s5;
	s6 =	sshll.u32 @p0 s4, $0x11  }
0xaa: {  	s5 =	sor.u32 @p0 s6, s5  }
0xab: {  	[sflag:s5] =	ssyncadd.remote.s32 @p0 $0x1;
	_ =	sdelay $0x1  }
0xac: {  	s5 =	simm.s32 @p0 $0x1B8D  }
0xad: {  	_ =	swait.eq @p0 [sflag:s5], $0x1  }
0xae: {  	[sflag:s5] =	ssyncadd.s32 @p0 $0xFFFFFFFF  }
0xaf: {  	s6 =	sshll.u32 @!p0 s1, $0xE  }
0xb0: {  	s6 =	sor.u32 @!p0 $0x4000, s6;
	s5 =	simm.s32 @!p0 $0x1B8D  }
0xb1: {  	s4 =	sshll.u32 @!p0 s4, $0x11;
	s6 =	sadd.s32 @!p0 $0x11B8D, s6;
	_ =	swait.eq @!p0 [sflag:s5], $0x1  }
0xb2: {  	s4 =	sor.u32 @!p0 s4, s6;
	[sflag:s5] =	ssyncadd.s32 @!p0 $0xFFFFFFFF  }
0xb3: {  	s25 =	simm.s32 $0x1B8E;
	s24 =	sld [smem:$0x3FFE];
	[sflag:s4] =	ssyncadd.remote.s32 @!p0 $0x1  }
0xb4: {  	s26 =	simm.s32 $execute0_lowered;
	[smem:$0x3FD2] =	sst s25  }
0xb5: {  	s5 =	sshll.u32 s26, $0x1;
	_ =	strace $0x80000049;
	[dreg:$0x1] =	wrdreg $0xFFFFFFFF  }
0xb6: {  	s28 =	simm.s32 $_size_execute0_lowered;
	s3 =	sadd.s32 s3, s5;
	[dreg:$0x0] =	wrdreg $0x0  }
0xb7: {  	s5 =	sshll.u32 s28, $0x1;
	[dreg:$0x2] =	wrdreg s3  }
0xb8: {  	[dreg:$0x3] =	wrdreg s5  }
0xb9: {  	[dreg:$0x4] =	wrdreg $0xC0  }
0xba: {  	_ =	task [dreg:s22], $0x5FFFF  }
0xbb: {  	[dreg:$0x1] =	wrdreg $0xFFFFFFFF  }
0xbc: {  	[dreg:$0x0] =	wrdreg $0x60  }
0xbd: {  	[dreg:$0x2] =	wrdreg s24  }
0xbe: {  	[dreg:$0x3] =	wrdreg $0xA  }
0xbf: {  	_ =	task.clear_ibuf [dreg:s22], $0x4FFFF;
	_ =	strace $0x90000049  }
0xc0: {  	s29 =	simm.s32 $0xA;
	_ =	strace $0x8000004B  }
0xc1: {  	_ =	swait.ge [sflag:s29], $0x1  }
0xc2: {  	[sflag:s29] =	ssyncadd.s32 $0xFFFFFFFF  }
0xc3: {  	_ =	strace $0x9000004B  }
0xc4: {  	_ =	sfence  }
0xc5: {  	s30 =	sld [smem:$0x0];
	_ =	sdelay $0x2  }
0xc6: {  	s31 =	sshll.u32 s1, $0xD;
	s1 =	sshrl.u32 s1, $0x2  }
0xc7: {  	s4 =	sand.u32 $0x4000, s31;
	s1 =	sadd.s32 s1, s30  }
0xc8: {  	s0 =	sor.u32 s4, s0;
	s1 =	sshll.u32 s1, $0x11  }
0xc9: {  	s0 =	sor.u32 s1, s0  }
0xca: {  	s0 =	sadd.s32 $0x8F2B, s0  }
0xcb: {  	[sflag:s0] =	ssyncadd.remote.s32 $0x1  }
0xcc: {  	_ =	sfence.sel $0xFFFF  }
0xcd: {  	[dreg:$0x0] =	wrdreg $0xFFFFFFFF;
	(pc) =	sbr.abs _section_cstart, $3  }
0xce: {  	[dreg:$0x1] =	wrdreg $0xFFFFFFFF  }
0xcf: {  	_ =	task.clear_ibuf [dreg:s22], $0x2FFFF;
	_ =	strace $0x9FFFFFFF  }
0xd0: {  	(tm) =	ssettm $0x7FFFFFFF  }
0xd1: {  	_ =	shalt  }
tec
execute0_lowered:
.L_overlay_start_1:
0x0: {  	(tag) =	ssettag $0x1  }
0x1: {  	s1 =	srdreg.scid;
	s0 =	stileid.u32  }
0x2: {  	s1 =	sand.u32 $0x1, s1;
	s2 =	sshll.u32 s0, $0x1  }
0x3: {  	s31 =	sor.u32 s1, s2  }
0x4: {  	s3 =	smul.u32 $0x70, s31  }
0x5: {  	s24 =	rddreg [dreg:$0x0];
	s2 =	simm.s32 $0x0  }
0x6: {  	s4 =	smul.u32 $0xD000, s31;
	[smem:$0x7FF] =	sst s2;
	s3 =	sadd.s32 s3, s24  }
0x7: {  	_ =	strace $0x8000004A;
	s5 =	sadd.s32 $0x104A00, s3  }
0x8: {  	s4 =	sshrl.u32 s4, $0x3;
	s3 =	sadd.s32 $0x103C00, s3;
	[dreg:$0x2] =	wrdreg s5  }
0x9: {  	s20 =	sadd.s32 s4, s24;
	[dreg:$0x4] =	wrdreg s3  }
0xa: {  	s4 =	sadd.s32 $0x107000, s20;
	s5 =	rddreg [dreg:$0x2]  }
0xb: {  	s3 =	simm.s32 $0x4;
	[dreg:$0x3] =	wrdreg s4  }
0xc: {  	[tilespmem:s2], [sflag:$0x4] =	stream.linear.gather [hbm4b:s5+s2], $0x380, $0x38;
	[tilespmem:$0x4B80] =	vst v63  }
0xd: {  	_ =	swait.ge [sflag:s3], $0x380  }
0xe: {  	s6 =	simm.s32 $0x380;
	s7 =	simm.s32 $0x1;
	[sflag:s3] =	ssyncset.done $0x0  }
0xf: {  	s4 =	sadd.s32 $0xF800, s24;
	s5 =	simm.s32 $0x80;
	[sflag:s3] =	ssyncadd.s32 $0xFFFFFC80  }
0x10: {  	[tilespmem:s6], [sflag:$0x1] =	stream.indirect.gather [hbm4b:s4+s5], $0x40, s2, s5, $0xb8;
	[tilespmem:$0x4B80] =	vst v63  }
0x11: {  	_ =	swait.ge [sflag:s7], $0x2000  }
0x12: {  	[sflag:s7] =	ssyncset.done $0x0  }
0x13: {  	s8 =	simm.s32 $0x2380;
	[sflag:s7] =	ssyncadd.s32 $0xFFFFE000  }
0x14: {  	[tilespmem:s8], [sflag:$0x1] =	stream.indirect.gather [hbm4b:s4+s5], $0x40, s5, s5, $0xb8;
	[tilespmem:$0x4B80] =	vst v63  }
0x15: {  	s9 =	sadd.s32 $0x105800, s20  }
0x16: {  	[hbm4b:s9+s2] =	stream.linear.scatter [tilespmem:s6], [sflag:$0x2], $0x2000, $0x38;
	[tilespmem:$0x4B80] =	vst v63  }
0x17: {  	_ =	swait.ge [sflag:s7], $0x2000  }
0x18: {  	[sflag:s7] =	ssyncset.done $0x0  }
0x19: {  	s10 =	simm.s32 $0x2;
	[sflag:s7] =	ssyncadd.s32 $0xFFFFE000  }
0x1a: {  	_ =	swait.ge [sflag:s10], $0x2000  }
0x1b: {  	[sflag:s10] =	ssyncset.done $0x0  }
0x1c: {  	s11 =	simm.s32 $0x100;
	[sflag:s10] =	ssyncadd.s32 $0xFFFFE000  }
0x1d: {  	[tilespmem:s6], [sflag:$0x1] =	stream.indirect.gather [hbm4b:s4+s5], $0x40, s11, s5, $0xb8;
	[tilespmem:$0x4B80] =	vst v63  }
0x1e: {  	s12 =	sadd.s32 $0x105C00, s20  }
0x1f: {  	[hbm4b:s12+s2] =	stream.linear.scatter [tilespmem:s8], [sflag:$0x2], $0x2000, $0x38;
	[tilespmem:$0x4B80] =	vst v63  }
0x20: {  	_ =	swait.ge [sflag:s7], $0x2000  }
0x21: {  	[sflag:s7] =	ssyncset.done $0x0  }
0x22: {  	[sflag:s7] =	ssyncadd.s32 $0xFFFFE000  }
0x23: {  	_ =	swait.ge [sflag:s10], $0x2000  }
0x24: {  	[sflag:s10] =	ssyncset.done $0x0  }
0x25: {  	s13 =	simm.s32 $0x180;
	[sflag:s10] =	ssyncadd.s32 $0xFFFFE000  }
0x26: {  	[tilespmem:s8], [sflag:$0x1] =	stream.indirect.gather [hbm4b:s4+s5], $0x40, s13, s5, $0xb8;
	[tilespmem:$0x4B80] =	vst v63  }
0x27: {  	s14 =	sadd.s32 $0x106000, s20  }
0x28: {  	[hbm4b:s14+s2] =	stream.linear.scatter [tilespmem:s6], [sflag:$0x2], $0x2000, $0x38;
	[tilespmem:$0x4B80] =	vst v63  }
0x29: {  	_ =	swait.ge [sflag:s7], $0x2000  }
0x2a: {  	[sflag:s7] =	ssyncset.done $0x0  }
0x2b: {  	[sflag:s7] =	ssyncadd.s32 $0xFFFFE000  }
0x2c: {  	_ =	swait.ge [sflag:s10], $0x2000  }
0x2d: {  	[sflag:s10] =	ssyncset.done $0x0  }
0x2e: {  	s15 =	simm.s32 $0x200;
	[sflag:s10] =	ssyncadd.s32 $0xFFFFE000  }
0x2f: {  	[tilespmem:s6], [sflag:$0x1] =	stream.indirect.gather [hbm4b:s4+s5], $0x40, s15, s5, $0xb8;
	[tilespmem:$0x4B80] =	vst v63  }
0x30: {  	s16 =	sadd.s32 $0x106400, s20  }
0x31: {  	[hbm4b:s16+s2] =	stream.linear.scatter [tilespmem:s8], [sflag:$0x2], $0x2000, $0x38;
	[tilespmem:$0x4B80] =	vst v63  }
0x32: {  	_ =	swait.ge [sflag:s7], $0x2000  }
0x33: {  	[sflag:s7] =	ssyncset.done $0x0  }
0x34: {  	[sflag:s7] =	ssyncadd.s32 $0xFFFFE000  }
0x35: {  	_ =	swait.ge [sflag:s10], $0x2000  }
0x36: {  	[sflag:s10] =	ssyncset.done $0x0  }
0x37: {  	s17 =	simm.s32 $0x280;
	[sflag:s10] =	ssyncadd.s32 $0xFFFFE000  }
0x38: {  	[tilespmem:s8], [sflag:$0x1] =	stream.indirect.gather [hbm4b:s4+s5], $0x40, s17, s5, $0xb8;
	[tilespmem:$0x4B80] =	vst v63  }
0x39: {  	s18 =	sadd.s32 $0x106800, s20  }
0x3a: {  	[hbm4b:s18+s2] =	stream.linear.scatter [tilespmem:s6], [sflag:$0x2], $0x2000, $0x38;
	[tilespmem:$0x4B80] =	vst v63  }
0x3b: {  	_ =	swait.ge [sflag:s7], $0x2000  }
0x3c: {  	[sflag:s7] =	ssyncset.done $0x0  }
0x3d: {  	[sflag:s7] =	ssyncadd.s32 $0xFFFFE000  }
0x3e: {  	_ =	swait.ge [sflag:s10], $0x2000  }
0x3f: {  	[sflag:s10] =	ssyncset.done $0x0  }
0x40: {  	s19 =	simm.s32 $0x300;
	[sflag:s10] =	ssyncadd.s32 $0xFFFFE000  }
0x41: {  	[tilespmem:s6], [sflag:$0x1] =	stream.indirect.gather [hbm4b:s4+s5], $0x40, s19, s5, $0xb8;
	[tilespmem:$0x4B80] =	vst v63  }
0x42: {  	s20 =	sadd.s32 $0x106C00, s20  }
0x43: {  	[hbm4b:s20+s2] =	stream.linear.scatter [tilespmem:s8], [sflag:$0x2], $0x2000, $0x38;
	[tilespmem:$0x4B80] =	vst v63  }
0x44: {  	_ =	swait.ge [sflag:s7], $0x2000  }
0x45: {  	[sflag:s7] =	ssyncset.done $0x0  }
0x46: {  	s21 =	rddreg [dreg:$0x3];
	[sflag:s7] =	ssyncadd.s32 $0xFFFFE000  }
0x47: {  	[hbm4b:s21+s2] =	stream.linear.scatter [tilespmem:s6], [sflag:$0x2], $0x1000, $0x38;
	[tilespmem:$0x4B80] =	vst v63  }
0x48: {  	_ =	swait.ge [sflag:s10], $0x2000  }
0x49: {  	[sflag:s10] =	ssyncset.done $0x0  }
0x4a: {  	[sflag:s10] =	ssyncadd.s32 $0xFFFFE000  }
0x4b: {  	_ =	swait.ge [sflag:s10], $0x1000  }
0x4c: {  	[sflag:s10] =	ssyncset.done $0x0  }
0x4d: {  	s25 =	rddreg [dreg:$0x4];
	[sflag:s10] =	ssyncadd.s32 $0xFFFFF000  }
0x4e: {  	[tilespmem:s2], [sflag:$0x4] =	stream.linear.gather [hbm4b:s25+s2], $0x380, $0x38;
	[tilespmem:$0x4B80] =	vst v63  }
0x4f: {  	_ =	swait.ge [sflag:s3], $0x380  }
0x50: {  	s22 =	simm.s32 $0x4380;
	[sflag:s3] =	ssyncset.done $0x0  }
0x51: {  	s23 =	simm.s32 $0x3;
	s21 =	sadd.s32 $0xD2E00, s24;
	[sflag:s3] =	ssyncadd.s32 $0xFFFFFC80  }
0x52: {  	[tilespmem:s22], [sflag:$0x3] =	stream.indirect.gather [hbm4b:s21+s5], $0x10, s2, s5, $0xb8;
	[tilespmem:$0x4B80] =	vst v63  }
0x53: {  	s25 =	smul.u32 $0x680, s31;
	_ =	swait.ge [sflag:s23], $0x800  }
0x54: {  	s26 =	sadd.s32 $0x139800, s24;
	[sflag:s23] =	ssyncset.done $0x0  }
0x55: {  	s24 =	sadd.s32 s26, s25;
	[dreg:$0x5] =	wrdreg s26;
	[sflag:s23] =	ssyncadd.s32 $0xFFFFF800  }
0x56: {  	[hbm4b:s24+s2] =	stream.linear.scatter [tilespmem:s22], [sflag:$0x4], $0x800, $0x38;
	[tilespmem:$0x4B80] =	vst v63  }
0x57: {  	_ =	swait.ge [sflag:s3], $0x800  }
0x58: {  	[sflag:s3] =	ssyncset.done $0x0  }
0x59: {  	[sflag:s3] =	ssyncadd.s32 $0xFFFFF800  }
0x5a: {  	[tilespmem:s22], [sflag:$0x3] =	stream.indirect.gather [hbm4b:s21+s5], $0x10, s5, s5, $0xb8;
	[tilespmem:$0x4B80] =	vst v63  }
0x5b: {  	_ =	swait.ge [sflag:s23], $0x800  }
0x5c: {  	[sflag:s23] =	ssyncset.done $0x0  }
0x5d: {  	s25 =	sadd.s32 $0x100, s24;
	[sflag:s23] =	ssyncadd.s32 $0xFFFFF800  }
0x5e: {  	[hbm4b:s25+s2] =	stream.linear.scatter [tilespmem:s22], [sflag:$0x4], $0x800, $0x38;
	[tilespmem:$0x4B80] =	vst v63  }
0x5f: {  	_ =	swait.ge [sflag:s3], $0x800  }
0x60: {  	[sflag:s3] =	ssyncset.done $0x0  }
0x61: {  	[sflag:s3] =	ssyncadd.s32 $0xFFFFF800  }
0x62: {  	[tilespmem:s22], [sflag:$0x3] =	stream.indirect.gather [hbm4b:s21+s5], $0x10, s11, s5, $0xb8;
	[tilespmem:$0x4B80] =	vst v63  }
0x63: {  	_ =	swait.ge [sflag:s23], $0x800  }
0x64: {  	[sflag:s23] =	ssyncset.done $0x0  }
0x65: {  	s26 =	sadd.s32 $0x200, s24;
	[sflag:s23] =	ssyncadd.s32 $0xFFFFF800  }
0x66: {  	[hbm4b:s26+s2] =	stream.linear.scatter [tilespmem:s22], [sflag:$0x4], $0x800, $0x38;
	[tilespmem:$0x4B80] =	vst v63  }
0x67: {  	_ =	swait.ge [sflag:s3], $0x800  }
0x68: {  	[sflag:s3] =	ssyncset.done $0x0  }
0x69: {  	[sflag:s3] =	ssyncadd.s32 $0xFFFFF800  }
0x6a: {  	[tilespmem:s22], [sflag:$0x3] =	stream.indirect.gather [hbm4b:s21+s5], $0x10, s13, s5, $0xb8;
	[tilespmem:$0x4B80] =	vst v63  }
0x6b: {  	_ =	swait.ge [sflag:s23], $0x800  }
0x6c: {  	[sflag:s23] =	ssyncset.done $0x0  }
0x6d: {  	s28 =	sadd.s32 $0x300, s24;
	[sflag:s23] =	ssyncadd.s32 $0xFFFFF800  }
0x6e: {  	[hbm4b:s28+s2] =	stream.linear.scatter [tilespmem:s22], [sflag:$0x4], $0x800, $0x38;
	[tilespmem:$0x4B80] =	vst v63  }
0x6f: {  	_ =	swait.ge [sflag:s3], $0x800  }
0x70: {  	[sflag:s3] =	ssyncset.done $0x0  }
0x71: {  	[sflag:s3] =	ssyncadd.s32 $0xFFFFF800  }
0x72: {  	[tilespmem:s22], [sflag:$0x3] =	stream.indirect.gather [hbm4b:s21+s5], $0x10, s15, s5, $0xb8;
	[tilespmem:$0x4B80] =	vst v63  }
0x73: {  	_ =	swait.ge [sflag:s23], $0x800  }
0x74: {  	[sflag:s23] =	ssyncset.done $0x0  }
0x75: {  	s29 =	sadd.s32 $0x400, s24;
	[sflag:s23] =	ssyncadd.s32 $0xFFFFF800  }
0x76: {  	[hbm4b:s29+s2] =	stream.linear.scatter [tilespmem:s22], [sflag:$0x4], $0x800, $0x38;
	[tilespmem:$0x4B80] =	vst v63  }
0x77: {  	_ =	swait.ge [sflag:s3], $0x800  }
0x78: {  	[sflag:s3] =	ssyncset.done $0x0  }
0x79: {  	[sflag:s3] =	ssyncadd.s32 $0xFFFFF800  }
0x7a: {  	[tilespmem:s22], [sflag:$0x3] =	stream.indirect.gather [hbm4b:s21+s5], $0x10, s17, s5, $0xb8;
	[tilespmem:$0x4B80] =	vst v63  }
0x7b: {  	_ =	swait.ge [sflag:s23], $0x800  }
0x7c: {  	[sflag:s23] =	ssyncset.done $0x0  }
0x7d: {  	s1 =	ssub.s32 $0x2, s1;
	s30 =	sadd.s32 $0x500, s24;
	[sflag:s23] =	ssyncadd.s32 $0xFFFFF800  }
0x7e: {  	[hbm4b:s30+s2] =	stream.linear.scatter [tilespmem:s22], [sflag:$0x4], $0x800, $0x38;
	[tilespmem:$0x4B80] =	vst v63  }
0x7f: {  	s0 =	sshrl.u32 s1, $0x1;
	_ =	swait.ge [sflag:s3], $0x800  }
0x80: {  	s0 =	ssub.s32 s1, s0;
	[sflag:s3] =	ssyncset.done $0x0  }
0x81: {  	s0 =	smax.u32 s0, $0x1;
	s31 =	smul.u32 $0x3400, s31;
	[sflag:s3] =	ssyncadd.s32 $0xFFFFF800  }
0x82: {  	[tilespmem:s22], [sflag:$0x3] =	stream.indirect.gather [hbm4b:s21+s5], $0x10, s19, s5, $0xb8;
	[tilespmem:$0x4B80] =	vst v63  }
0x83: {  	p0 =	sne.s32 s0, $0x1;
	_ =	swait.ge [sflag:s23], $0x800  }
.Ltmp0:
0x84: {  	s31 =	sshrl.u32 s31, $0x3;
	s1 =	rddreg [dreg:$0x5];
	(pc) =	sbr.rel @!p0 .LBB2_2-.Ltmp0, $4  }
0x85: {  	[sflag:s23] =	ssyncset.done $0x0;
	s1 =	sadd.s32 s1, s31  }
0x86: {  	[sflag:s23] =	ssyncadd.s32 $0xFFFFF800;
	s31 =	sadd.s32 $0x600, s1  }
0x87: {  	[hbm4b:s31+s2] =	stream.linear.scatter [tilespmem:s22], [sflag:$0x4], $0x400, $0x38;
	[tilespmem:$0x4B80] =	vst v63  }
0x88: {  	s1 =	sadd.s32 $0xFFFFFFFF, s0;
	_ =	swait.ge [sflag:s3], $0x400  }
.LBB2_1:
0x89: {  	[sflag:s3] =	ssyncset.done $0x0  }
0x8a: {  	s0 =	rddreg [dreg:$0x2];
	[sflag:s3] =	ssyncadd.s32 $0xFFFFFC00  }
0x8b: {  	[tilespmem:s2], [sflag:$0x4] =	stream.linear.gather [hbm4b:s0+s2], $0x380, $0x38;
	[tilespmem:$0x4B80] =	vst v63  }
0x8c: {  	_ =	swait.ge [sflag:s3], $0x380  }
0x8d: {  	[sflag:s3] =	ssyncset.done $0x0  }
0x8e: {  	[sflag:s3] =	ssyncadd.s32 $0xFFFFFC80  }
0x8f: {  	[tilespmem:s6], [sflag:$0x1] =	stream.indirect.gather [hbm4b:s4+s5], $0x40, s2, s5, $0xb8;
	[tilespmem:$0x4B80] =	vst v63  }
0x90: {  	_ =	swait.ge [sflag:s7], $0x2000  }
0x91: {  	[sflag:s7] =	ssyncset.done $0x0  }
0x92: {  	[sflag:s7] =	ssyncadd.s32 $0xFFFFE000  }
0x93: {  	[tilespmem:s8], [sflag:$0x1] =	stream.indirect.gather [hbm4b:s4+s5], $0x40, s5, s5, $0xb8;
	[tilespmem:$0x4B80] =	vst v63  }
0x94: {  	_ = 	snop  }
0x95: {  	[hbm4b:s9+s2] =	stream.linear.scatter [tilespmem:s6], [sflag:$0x2], $0x2000, $0x38;
	[tilespmem:$0x4B80] =	vst v63  }
0x96: {  	_ =	swait.ge [sflag:s7], $0x2000  }
0x97: {  	[sflag:s7] =	ssyncset.done $0x0  }
0x98: {  	[sflag:s7] =	ssyncadd.s32 $0xFFFFE000  }
0x99: {  	_ =	swait.ge [sflag:s10], $0x2000  }
0x9a: {  	[sflag:s10] =	ssyncset.done $0x0  }
0x9b: {  	[sflag:s10] =	ssyncadd.s32 $0xFFFFE000  }
0x9c: {  	[tilespmem:s6], [sflag:$0x1] =	stream.indirect.gather [hbm4b:s4+s5], $0x40, s11, s5, $0xb8;
	[tilespmem:$0x4B80] =	vst v63  }
0x9d: {  	_ = 	snop  }
0x9e: {  	[hbm4b:s12+s2] =	stream.linear.scatter [tilespmem:s8], [sflag:$0x2], $0x2000, $0x38;
	[tilespmem:$0x4B80] =	vst v63  }
0x9f: {  	_ =	swait.ge [sflag:s7], $0x2000  }
0xa0: {  	[sflag:s7] =	ssyncset.done $0x0  }
0xa1: {  	[sflag:s7] =	ssyncadd.s32 $0xFFFFE000  }
0xa2: {  	_ =	swait.ge [sflag:s10], $0x2000  }
0xa3: {  	[sflag:s10] =	ssyncset.done $0x0  }
0xa4: {  	[sflag:s10] =	ssyncadd.s32 $0xFFFFE000  }
0xa5: {  	[tilespmem:s8], [sflag:$0x1] =	stream.indirect.gather [hbm4b:s4+s5], $0x40, s13, s5, $0xb8;
	[tilespmem:$0x4B80] =	vst v63  }
0xa6: {  	_ = 	snop  }
0xa7: {  	[hbm4b:s14+s2] =	stream.linear.scatter [tilespmem:s6], [sflag:$0x2], $0x2000, $0x38;
	[tilespmem:$0x4B80] =	vst v63  }
0xa8: {  	_ =	swait.ge [sflag:s7], $0x2000  }
0xa9: {  	[sflag:s7] =	ssyncset.done $0x0  }
0xaa: {  	[sflag:s7] =	ssyncadd.s32 $0xFFFFE000  }
0xab: {  	_ =	swait.ge [sflag:s10], $0x2000  }
0xac: {  	[sflag:s10] =	ssyncset.done $0x0  }
0xad: {  	[sflag:s10] =	ssyncadd.s32 $0xFFFFE000  }
0xae: {  	[tilespmem:s6], [sflag:$0x1] =	stream.indirect.gather [hbm4b:s4+s5], $0x40, s15, s5, $0xb8;
	[tilespmem:$0x4B80] =	vst v63  }
0xaf: {  	_ = 	snop  }
0xb0: {  	[hbm4b:s16+s2] =	stream.linear.scatter [tilespmem:s8], [sflag:$0x2], $0x2000, $0x38;
	[tilespmem:$0x4B80] =	vst v63  }
0xb1: {  	_ =	swait.ge [sflag:s7], $0x2000  }
0xb2: {  	[sflag:s7] =	ssyncset.done $0x0  }
0xb3: {  	[sflag:s7] =	ssyncadd.s32 $0xFFFFE000  }
0xb4: {  	_ =	swait.ge [sflag:s10], $0x2000  }
0xb5: {  	[sflag:s10] =	ssyncset.done $0x0  }
0xb6: {  	[sflag:s10] =	ssyncadd.s32 $0xFFFFE000  }
0xb7: {  	[tilespmem:s8], [sflag:$0x1] =	stream.indirect.gather [hbm4b:s4+s5], $0x40, s17, s5, $0xb8;
	[tilespmem:$0x4B80] =	vst v63  }
0xb8: {  	_ = 	snop  }
0xb9: {  	[hbm4b:s18+s2] =	stream.linear.scatter [tilespmem:s6], [sflag:$0x2], $0x2000, $0x38;
	[tilespmem:$0x4B80] =	vst v63  }
0xba: {  	_ =	swait.ge [sflag:s7], $0x2000  }
0xbb: {  	[sflag:s7] =	ssyncset.done $0x0  }
0xbc: {  	[sflag:s7] =	ssyncadd.s32 $0xFFFFE000  }
0xbd: {  	_ =	swait.ge [sflag:s10], $0x2000  }
0xbe: {  	[sflag:s10] =	ssyncset.done $0x0  }
0xbf: {  	[sflag:s10] =	ssyncadd.s32 $0xFFFFE000  }
0xc0: {  	[tilespmem:s6], [sflag:$0x1] =	stream.indirect.gather [hbm4b:s4+s5], $0x40, s19, s5, $0xb8;
	[tilespmem:$0x4B80] =	vst v63  }
0xc1: {  	_ = 	snop  }
0xc2: {  	[hbm4b:s20+s2] =	stream.linear.scatter [tilespmem:s8], [sflag:$0x2], $0x2000, $0x38;
	[tilespmem:$0x4B80] =	vst v63  }
0xc3: {  	_ =	swait.ge [sflag:s7], $0x2000  }
0xc4: {  	[sflag:s7] =	ssyncset.done $0x0  }
0xc5: {  	s0 =	rddreg [dreg:$0x3];
	[sflag:s7] =	ssyncadd.s32 $0xFFFFE000  }
0xc6: {  	[hbm4b:s0+s2] =	stream.linear.scatter [tilespmem:s6], [sflag:$0x2], $0x1000, $0x38;
	[tilespmem:$0x4B80] =	vst v63  }
0xc7: {  	_ =	swait.ge [sflag:s10], $0x2000  }
0xc8: {  	[sflag:s10] =	ssyncset.done $0x0  }
0xc9: {  	[sflag:s10] =	ssyncadd.s32 $0xFFFFE000  }
0xca: {  	_ =	swait.ge [sflag:s10], $0x1000  }
0xcb: {  	[sflag:s10] =	ssyncset.done $0x0  }
0xcc: {  	s0 =	rddreg [dreg:$0x4];
	[sflag:s10] =	ssyncadd.s32 $0xFFFFF000  }
0xcd: {  	[tilespmem:s2], [sflag:$0x4] =	stream.linear.gather [hbm4b:s0+s2], $0x380, $0x38;
	[tilespmem:$0x4B80] =	vst v63  }
0xce: {  	_ =	swait.ge [sflag:s3], $0x380  }
0xcf: {  	[sflag:s3] =	ssyncset.done $0x0  }
0xd0: {  	[sflag:s3] =	ssyncadd.s32 $0xFFFFFC80  }
0xd1: {  	[tilespmem:s22], [sflag:$0x3] =	stream.indirect.gather [hbm4b:s21+s5], $0x10, s2, s5, $0xb8;
	[tilespmem:$0x4B80] =	vst v63  }
0xd2: {  	_ =	swait.ge [sflag:s23], $0x800  }
0xd3: {  	[sflag:s23] =	ssyncset.done $0x0  }
0xd4: {  	[sflag:s23] =	ssyncadd.s32 $0xFFFFF800  }
0xd5: {  	[hbm4b:s24+s2] =	stream.linear.scatter [tilespmem:s22], [sflag:$0x4], $0x800, $0x38;
	[tilespmem:$0x4B80] =	vst v63  }
0xd6: {  	_ =	swait.ge [sflag:s3], $0x800  }
0xd7: {  	[sflag:s3] =	ssyncset.done $0x0  }
0xd8: {  	[sflag:s3] =	ssyncadd.s32 $0xFFFFF800  }
0xd9: {  	[tilespmem:s22], [sflag:$0x3] =	stream.indirect.gather [hbm4b:s21+s5], $0x10, s5, s5, $0xb8;
	[tilespmem:$0x4B80] =	vst v63  }
0xda: {  	_ =	swait.ge [sflag:s23], $0x800  }
0xdb: {  	[sflag:s23] =	ssyncset.done $0x0  }
0xdc: {  	[sflag:s23] =	ssyncadd.s32 $0xFFFFF800  }
0xdd: {  	[hbm4b:s25+s2] =	stream.linear.scatter [tilespmem:s22], [sflag:$0x4], $0x800, $0x38;
	[tilespmem:$0x4B80] =	vst v63  }
0xde: {  	_ =	swait.ge [sflag:s3], $0x800  }
0xdf: {  	[sflag:s3] =	ssyncset.done $0x0  }
0xe0: {  	[sflag:s3] =	ssyncadd.s32 $0xFFFFF800  }
0xe1: {  	[tilespmem:s22], [sflag:$0x3] =	stream.indirect.gather [hbm4b:s21+s5], $0x10, s11, s5, $0xb8;
	[tilespmem:$0x4B80] =	vst v63  }
0xe2: {  	_ =	swait.ge [sflag:s23], $0x800  }
0xe3: {  	[sflag:s23] =	ssyncset.done $0x0  }
0xe4: {  	[sflag:s23] =	ssyncadd.s32 $0xFFFFF800  }
0xe5: {  	[hbm4b:s26+s2] =	stream.linear.scatter [tilespmem:s22], [sflag:$0x4], $0x800, $0x38;
	[tilespmem:$0x4B80] =	vst v63  }
0xe6: {  	_ =	swait.ge [sflag:s3], $0x800  }
0xe7: {  	[sflag:s3] =	ssyncset.done $0x0  }
0xe8: {  	[sflag:s3] =	ssyncadd.s32 $0xFFFFF800  }
0xe9: {  	[tilespmem:s22], [sflag:$0x3] =	stream.indirect.gather [hbm4b:s21+s5], $0x10, s13, s5, $0xb8;
	[tilespmem:$0x4B80] =	vst v63  }
0xea: {  	_ =	swait.ge [sflag:s23], $0x800  }
0xeb: {  	[sflag:s23] =	ssyncset.done $0x0  }
0xec: {  	[sflag:s23] =	ssyncadd.s32 $0xFFFFF800  }
0xed: {  	[hbm4b:s28+s2] =	stream.linear.scatter [tilespmem:s22], [sflag:$0x4], $0x800, $0x38;
	[tilespmem:$0x4B80] =	vst v63  }
0xee: {  	_ =	swait.ge [sflag:s3], $0x800  }
0xef: {  	[sflag:s3] =	ssyncset.done $0x0  }
0xf0: {  	[sflag:s3] =	ssyncadd.s32 $0xFFFFF800  }
0xf1: {  	[tilespmem:s22], [sflag:$0x3] =	stream.indirect.gather [hbm4b:s21+s5], $0x10, s15, s5, $0xb8;
	[tilespmem:$0x4B80] =	vst v63  }
0xf2: {  	_ =	swait.ge [sflag:s23], $0x800  }
0xf3: {  	[sflag:s23] =	ssyncset.done $0x0  }
0xf4: {  	[sflag:s23] =	ssyncadd.s32 $0xFFFFF800  }
0xf5: {  	[hbm4b:s29+s2] =	stream.linear.scatter [tilespmem:s22], [sflag:$0x4], $0x800, $0x38;
	[tilespmem:$0x4B80] =	vst v63  }
0xf6: {  	_ =	swait.ge [sflag:s3], $0x800  }
0xf7: {  	[sflag:s3] =	ssyncset.done $0x0  }
0xf8: {  	[sflag:s3] =	ssyncadd.s32 $0xFFFFF800  }
0xf9: {  	[tilespmem:s22], [sflag:$0x3] =	stream.indirect.gather [hbm4b:s21+s5], $0x10, s17, s5, $0xb8;
	[tilespmem:$0x4B80] =	vst v63  }
0xfa: {  	_ =	swait.ge [sflag:s23], $0x800  }
0xfb: {  	[sflag:s23] =	ssyncset.done $0x0  }
0xfc: {  	[sflag:s23] =	ssyncadd.s32 $0xFFFFF800  }
0xfd: {  	[hbm4b:s30+s2] =	stream.linear.scatter [tilespmem:s22], [sflag:$0x4], $0x800, $0x38;
	[tilespmem:$0x4B80] =	vst v63  }
0xfe: {  	_ =	swait.ge [sflag:s3], $0x800  }
0xff: {  	[sflag:s3] =	ssyncset.done $0x0  }
0x100: {  	p0 =	sne.s32 s1, $0x1;
	[sflag:s3] =	ssyncadd.s32 $0xFFFFF800  }
0x101: {  	[tilespmem:s22], [sflag:$0x3] =	stream.indirect.gather [hbm4b:s21+s5], $0x10, s19, s5, $0xb8;
	[tilespmem:$0x4B80] =	vst v63  }
.Ltmp1:
0x102: {  	_ =	swait.ge [sflag:s23], $0x800;
	(pc) =	sbr.rel @p0 .LBB2_1-.Ltmp1, $4  }
0x103: {  	[sflag:s23] =	ssyncset.done $0x0  }
0x104: {  	[sflag:s23] =	ssyncadd.s32 $0xFFFFF800  }
0x105: {  	[hbm4b:s31+s2] =	stream.linear.scatter [tilespmem:s22], [sflag:$0x4], $0x400, $0x38;
	[tilespmem:$0x4B80] =	vst v63  }
0x106: {  	s1 =	sadd.s32 $0xFFFFFFFF, s1;
	_ =	swait.ge [sflag:s3], $0x400  }
.LBB2_2:
0x107: {  	[sflag:s3] =	ssyncset.done $0x0  }
0x108: {  	[sflag:s3] =	ssyncadd.s32 $0xFFFFFC00  }
0x109: {  	_ =	sfence.sel $0x180000  }
0x10a: {  	[bflag:$0x0] =	sbarrier.arrive $0xFFFF  }
0x10b: {  	_ =	strace $0x9000004A  }
0x10c: {  	s0 =	stileid.u32;
	[bflag:$0x2] =	sbarrier.arrive $0xFFFF  }
0x10d: {  	p0 =	sne.s32 s0, $0x0;
	s0 =	rddreg [dreg:$0x1]  }
0x10e: {  	s0 =	sadd.s32 @!p0 $0x100000, s0  }
0x10f: {  	[sflag:s0] =	ssyncadd.tile.s32 @!p0 $0x1;
	_ =	shalt  }
.Lfunc_end2:
_tile_overlayer_lowered:
.L_overlay_start_2:
0x110: {  	(tag) =	ssettag $0x2  }
0x111: {  	s0 =	rddreg [dreg:$0x0];
	s2 =	stileid.u32  }
0x112: {  	s1 =	rddreg [dreg:$0x1];
	p0 =	sne.s32 s2, $0x0  }
0x113: {  	s3 =	rddreg [dreg:$0x2];
	[bflag:$0x3] =	sbarrier.arrive $0xFFFF;
	s2 =	simm.s32 @!p0 $0x1C04  }
0x114: {  	[timem:s3], [sflag:s2] =	dma.local @!p0 [hbm:s0], s1  }
0x115: {  	s0 =	simm.s32 @!p0 $0x4  }
0x116: {  	_ =	swait.ge @!p0 [sflag:s0], s1  }
0x117: {  	s1 =	ssub.s32 @!p0 $0x0, s1;
	[sflag:s0] =	ssyncset.done @!p0 $0x0  }
0x118: {  	[sflag:s0] =	ssyncadd.s32 @!p0 s1  }
0x119: {  	[bflag:$0x3] =	sbarrier.arrive $0xFFFF  }
0x11a: {  	_ =	shalt  }

</sc_bundles>
